<compile_context>
chip_gen: v7x
topology: tpu7x:2x2x1
jax: 0.10.2.dev20260603
libtpu: 0.0.44.dev20260713+nightly
codegen_flags: <defaults>
</compile_context>

<pallas_src>
import jax
import jax.numpy as jnp
import numpy as np
from jax import lax
from jax.experimental import pallas as pl
from jax.experimental.pallas import tpu as pltpu
from jax.experimental.pallas import tpu_sc as plsc

N = 10000
D = 128
DH = D // 2
WH = DH // 2
E = 320000
NC = 2
NS = 16
CHUNK = 128
NCHUNK = 160
EPAD = NS * NCHUNK * CHUNK
NPAD = 10240
ROWS_PER_TILE = NPAD // NS

_PERM = np.array([32 * (c // 32) + (2 * (c % 32) if c % 32 < 16
                                    else 2 * (c % 32 - 16) + 1)
                  for c in range(D)])


def _sc_spmm(x2, srcs, dsts, vals):
    mesh = plsc.VectorSubcoreMesh(core_axis_name="c", subcore_axis_name="s")

    def body(x_hbm, src_hbm, dst_hbm, val_hbm, out_hbm,
             x_sh, acc_shared, src_a, src_b, dst_a, dst_b, val_a, val_b,
             rows_a, rows_b, rows_f,
             gsem_a, gsem_b, ssem_a, ssem_b, dsem_a, dsem_b):
        c = lax.axis_index("c")
        s = lax.axis_index("s")

        pltpu.sync_copy(x_hbm.at[c, pl.ds(s * ROWS_PER_TILE, ROWS_PER_TILE)],
                        x_sh.at[pl.ds(s * ROWS_PER_TILE, ROWS_PER_TILE)])

        zeros16 = jnp.zeros((16,), jnp.float32)

        def zero_row(e, carry):
            for j in range(DH // 16):
                rows_f[e, pl.ds(j * 16, 16)] = zeros16
            return carry

        lax.fori_loop(0, CHUNK, zero_row, 0)
        for t in range(ROWS_PER_TILE // CHUNK):
            pltpu.sync_copy(rows_f,
                            acc_shared.at[pl.ds(s * ROWS_PER_TILE + t * CHUNK, CHUNK)])
        plsc.subcore_barrier()

        def fetch_src(ci, srcb, sem):
            ci = jnp.minimum(ci, NCHUNK - 1)
            pltpu.async_copy(src_hbm.at[s, ci], srcb, sem)

        def wait_src(srcb, sem):
            pltpu.make_async_copy(src_hbm.at[0, 0], srcb, sem).wait()

        def fetch_dv(ci, dstb, valb, sem):
            ci = jnp.minimum(ci, NCHUNK - 1)
            pltpu.async_copy(dst_hbm.at[s, ci], dstb, sem)
            pltpu.async_copy(val_hbm.at[s, ci], valb, sem)

        def wait_dv(dstb, valb, sem):
            pltpu.make_async_copy(dst_hbm.at[0, 0], dstb, sem).wait()
            pltpu.make_async_copy(val_hbm.at[0, 0], valb, sem).wait()

        def issue_gather(srcb, rows, sem):
            pltpu.async_copy(x_sh.at[srcb], rows, sem)

        def wait_gather(srcb, rows, sem):
            pltpu.make_async_copy(x_sh.at[srcb], rows, sem).wait()

        def process(rows, dstb, valb):
            def scale(g, inner):
                base = g * 16
                vv = valb[pl.ds(base, 16)]
                for k in range(16):
                    e = base + k
                    vb = jnp.full((16,), vv[k], jnp.float32)
                    for j in range(WH // 16):
                        w = rows[e, pl.ds(j * 16, 16)]
                        lo = lax.bitcast_convert_type(
                            lax.shift_left(w, 16), jnp.float32)
                        hi = lax.bitcast_convert_type(
                            lax.bitwise_and(w, jnp.int32(-65536)), jnp.float32)
                        rows_f[e, pl.ds(j * 32, 16)] = lo * vb
                        rows_f[e, pl.ds(j * 32 + 16, 16)] = hi * vb
                return inner

            lax.fori_loop(0, CHUNK // 16, scale, 0)
            pltpu.sync_copy(rows_f, acc_shared.at[dstb], add=True)

        sets = ((src_a, dst_a, val_a, rows_a, gsem_a, ssem_a, dsem_a),
                (src_b, dst_b, val_b, rows_b, gsem_b, ssem_b, dsem_b))

        fetch_src(0, src_a, ssem_a)
        fetch_dv(0, dst_a, val_a, dsem_a)
        wait_src(src_a, ssem_a)
        issue_gather(src_a, rows_a, gsem_a)
        fetch_src(1, src_b, ssem_b)
        fetch_dv(1, dst_b, val_b, dsem_b)

        def half(cj, S, T):
            (srcS, dstS, valS, rowsS, gsemS, ssemS, dsemS) = S
            (srcT, dstT, valT, rowsT, gsemT, ssemT, dsemT) = T
            wait_gather(srcS, rowsS, gsemS)
            wait_src(srcT, ssemT)
            issue_gather(srcT, rowsT, gsemT)
            fetch_src(cj + 2, srcS, ssemS)
            wait_dv(dstS, valS, dsemS)
            process(rowsS, dstS, valS)
            fetch_dv(cj + 2, dstS, valS, dsemS)

        def pair(i, carry):
            ci = i * 2
            half(ci, sets[0], sets[1])
            half(ci + 1, sets[1], sets[0])
            return carry

        lax.fori_loop(0, NCHUNK // 2, pair, 0)
        wait_gather(src_a, rows_a, gsem_a)
        wait_src(src_b, ssem_b)
        wait_dv(dst_a, val_a, dsem_a)
        wait_dv(dst_b, val_b, dsem_b)
        plsc.subcore_barrier()

        pltpu.sync_copy(acc_shared.at[pl.ds(s * ROWS_PER_TILE, ROWS_PER_TILE)],
                        out_hbm.at[c, pl.ds(s * ROWS_PER_TILE, ROWS_PER_TILE)])

    return pl.kernel(
        body,
        out_type=jax.ShapeDtypeStruct((NC, NPAD, DH), jnp.float32),
        mesh=mesh,
        compiler_params=pltpu.CompilerParams(use_tc_tiling_on_sc=False),
        scratch_types=[
            pltpu.VMEM_SHARED((NPAD, WH), jnp.int32),
            pltpu.VMEM_SHARED((NPAD, DH), jnp.float32),
            pltpu.VMEM((CHUNK,), jnp.int32),
            pltpu.VMEM((CHUNK,), jnp.int32),
            pltpu.VMEM((CHUNK,), jnp.int32),
            pltpu.VMEM((CHUNK,), jnp.int32),
            pltpu.VMEM((CHUNK,), jnp.float32),
            pltpu.VMEM((CHUNK,), jnp.float32),
            pltpu.VMEM((CHUNK, WH), jnp.int32),
            pltpu.VMEM((CHUNK, WH), jnp.int32),
            pltpu.VMEM((CHUNK, DH), jnp.float32),
            pltpu.SemaphoreType.DMA,
            pltpu.SemaphoreType.DMA,
            pltpu.SemaphoreType.DMA,
            pltpu.SemaphoreType.DMA,
            pltpu.SemaphoreType.DMA,
            pltpu.SemaphoreType.DMA,
        ],
    )(x2, srcs, dsts, vals)


def _tc_mix(partial, i_p, w_p, beta_arr):
    BLK = 5000

    def body(b_ref, p_ref, i_ref, w_ref, o_ref):
        b = b_ref[0]
        m = (1.0 - b) * i_ref[...] + b * w_ref[...]
        pr = p_ref[...]
        o_ref[...] = (
            jnp.dot(pr[0], m[:DH, :], preferred_element_type=jnp.float32)
            + jnp.dot(pr[1], m[DH:, :], preferred_element_type=jnp.float32)
        )

    return pl.pallas_call(
        body,
        grid=(N // BLK,),
        in_specs=[
            pl.BlockSpec(memory_space=pltpu.SMEM),
            pl.BlockSpec((2, BLK, DH), lambda i: (0, i, 0)),
            pl.BlockSpec((D, D), lambda i: (0, 0)),
            pl.BlockSpec((D, D), lambda i: (0, 0)),
        ],
        out_specs=pl.BlockSpec((BLK, D), lambda i: (i, 0)),
        out_shape=jax.ShapeDtypeStruct((N, D), jnp.float32),
    )(beta_arr, partial, i_p, w_p)


def kernel(X, edge_index, edge_vals, I_1, W, gamma, beta):
    src = edge_index[0].astype(jnp.int32)
    dst = edge_index[1].astype(jnp.int32)
    vals = edge_vals.astype(jnp.float32)
    pad = EPAD - E
    src = jnp.concatenate([src, jnp.zeros((pad,), jnp.int32)])
    dst = jnp.concatenate([dst, jnp.zeros((pad,), jnp.int32)])
    vals = jnp.concatenate([vals, jnp.zeros((pad,), jnp.float32)])
    srcs = src.reshape(NS, NCHUNK, CHUNK)
    dsts = dst.reshape(NS, NCHUNK, CHUNK)
    valsr = vals.reshape(NS, NCHUNK, CHUNK)

    xbf = X.astype(jnp.bfloat16).reshape(N, D // 2, 2)
    xpk = jax.lax.bitcast_convert_type(xbf, jnp.int32)
    xpk = jnp.pad(xpk, ((0, NPAD - N), (0, 0)))
    x2 = jnp.stack([xpk[:, :WH], xpk[:, WH:]])

    partial = _sc_spmm(x2, srcs, dsts, valsr)
    beta_arr = jnp.asarray(beta, jnp.float32).reshape(1)
    return _tc_mix(partial, I_1[_PERM, :], W[_PERM, :], beta_arr)

# --- scband reference (transcript-rebuilt; emitter-appended) ---
"""Pipeline reference for scband-drcgclayer-74921409511625 (READ-ONLY COPY).

The authoritative reference and input builder live on the scoring server;
editing this copy changes nothing except your own understanding.
"""

import jax, jax.numpy as jnp
import numpy as np

N = 10000
E = 320000
D = 128


def setup_inputs(seed: int = 0) -> dict:
    key = jax.random.key(seed)
    k1, k2, k3, k4, k5 = jax.random.split(key, 5)
    # sparse adjacency A represented in COO form: edge_index [2, E], edge_vals [E]
    edge_index = jax.random.randint(k1, (2, E), 0, N, dtype=jnp.int32)
    # approx symmetric-normalized adjacency weights (~1/avg_degree)
    edge_vals = jax.random.uniform(k2, (E,), dtype=jnp.float32) / 32.0
    X = jax.random.normal(k3, (N, D), dtype=jnp.float32)
    I_1 = jnp.eye(D, dtype=jnp.float32)
    # learned parameters (reset_parameters zeros them; use small random for a
    # non-degenerate reference computation)
    W = jax.random.normal(k4, (D, D), dtype=jnp.float32) * 0.05
    gamma = jax.random.normal(k5, (1,), dtype=jnp.float32) * 0.1
    beta = 0.5
    return {"X": X, "edge_index": edge_index, "edge_vals": edge_vals,
            "I_1": I_1, "W": W, "gamma": gamma, "beta": beta}


def reference(X, edge_index, edge_vals, I_1, W, gamma, beta):
    src = edge_index[0]
    dst = edge_index[1]
    # AX = torch.spmm(A, X): gather rows of X by src, weight, scatter-add to dst
    msgs = edge_vals[:, None] * jnp.take(X, src, axis=0)
    AX = jax.ops.segment_sum(msgs, dst, num_segments=X.shape[0])
    # self.next_x side-effect (stored on module, not returned)
    next_x = gamma * (X - AX)
    out = AX @ ((1.0 - beta) * I_1 + beta * W)
    return out

if __name__ == "__main__":
    import jax
    _d = setup_inputs()
    print(jax.jit(kernel)(*tuple(_d.values())))

</pallas_src>

<mosaic_0001>
#map = affine_map<(d0, d1) -> (0, 0, 0)>
module attributes {stable_mosaic.version = 14 : i64} {
  func.func @body(%arg0: i32, %arg1: i32, %arg2: memref<2x10240x32xi32, #tpu.memory_space<hbm>>, %arg3: memref<16x160x128xi32, #tpu.memory_space<hbm>>, %arg4: memref<16x160x128xi32, #tpu.memory_space<hbm>>, %arg5: memref<16x160x128xf32, #tpu.memory_space<hbm>>, %arg6: memref<2x10240x64xf32, #tpu.memory_space<hbm>>, %arg7: memref<10240x32xi32, #tpu.memory_space<vmem_shared>>, %arg8: memref<10240x64xf32, #tpu.memory_space<vmem_shared>>, %arg9: memref<128xi32, #tpu.memory_space<vmem>>, %arg10: memref<128xi32, #tpu.memory_space<vmem>>, %arg11: memref<128xi32, #tpu.memory_space<vmem>>, %arg12: memref<128xi32, #tpu.memory_space<vmem>>, %arg13: memref<128xf32, #tpu.memory_space<vmem>>, %arg14: memref<128xf32, #tpu.memory_space<vmem>>, %arg15: memref<128x32xi32, #tpu.memory_space<vmem>>, %arg16: memref<128x32xi32, #tpu.memory_space<vmem>>, %arg17: memref<128x64xf32, #tpu.memory_space<vmem>>, %arg18: memref<!tpu.dma_semaphore, #tpu.memory_space<semaphore_mem>>, %arg19: memref<!tpu.dma_semaphore, #tpu.memory_space<semaphore_mem>>, %arg20: memref<!tpu.dma_semaphore, #tpu.memory_space<semaphore_mem>>, %arg21: memref<!tpu.dma_semaphore, #tpu.memory_space<semaphore_mem>>, %arg22: memref<!tpu.dma_semaphore, #tpu.memory_space<semaphore_mem>>, %arg23: memref<!tpu.dma_semaphore, #tpu.memory_space<semaphore_mem>>) attributes {dimension_semantics = [#tpu.dimension_semantics<core_parallel>, #tpu.dimension_semantics<subcore_parallel>], iteration_bounds = array<i64: 2, 16>, scalar_prefetch = 0 : i64, scratch_operands = 17 : i64, tpu.core_type = #tpu.core_type<sc_vector_subcore>, window_params = [{transform_indices = #map}, {transform_indices = #map}, {transform_indices = #map}, {transform_indices = #map}, {transform_indices = #map}]} {
    %mul3A = arith.constant 640 : i32
    %mul3A_0 = arith.muli %arg1, %mul3A : i32
    %mul3A_1 = arith.constant 640 : i32
    %mul3A_2 = arith.muli %arg1, %mul3A_1 : i32
    "tpu.region"() ({
      %run_scoped3A = tpu.sem_alloc : memref<!tpu.dma_semaphore, #tpu.memory_space<semaphore_mem>>
      %dma_start3A_138 = arith.constant 0 : i32
      %dma_start3A_139 = tpu.memref_slice %arg7[%mul3A_2, %dma_start3A_138] : memref<10240x32xi32, #tpu.memory_space<vmem_shared>> -> memref<640x32xi32, #tpu.memory_space<vmem_shared>>
      %dma_start3A_140 = arith.constant 0 : i32
      %dma_start3A_141 = tpu.memref_slice %arg2[%arg0, %mul3A_0, %dma_start3A_140] : memref<2x10240x32xi32, #tpu.memory_space<hbm>> -> memref<1x640x32xi32, #tpu.memory_space<hbm>>
      %dma_start3A_142 = tpu.memref_squeeze %dma_start3A_141 : memref<1x640x32xi32, #tpu.memory_space<hbm>> -> memref<640x32xi32, #tpu.memory_space<hbm>>
      tpu.enqueue_dma source(%dma_start3A_142 : memref<640x32xi32, #tpu.memory_space<hbm>>) target(%dma_start3A_139 : memref<640x32xi32, #tpu.memory_space<vmem_shared>>) target_semaphore(%run_scoped3A : memref<!tpu.dma_semaphore, #tpu.memory_space<semaphore_mem>>)
      %dma_wait3A_143 = arith.constant 0 : i32
      %dma_wait3A_144 = tpu.memref_slice %arg7[%mul3A_2, %dma_wait3A_143] : memref<10240x32xi32, #tpu.memory_space<vmem_shared>> -> memref<640x32xi32, #tpu.memory_space<vmem_shared>>
      %dma_wait3A_145 = arith.constant 0 : i32
      %dma_wait3A_146 = tpu.memref_slice %arg2[%arg0, %mul3A_0, %dma_wait3A_145] : memref<2x10240x32xi32, #tpu.memory_space<hbm>> -> memref<1x640x32xi32, #tpu.memory_space<hbm>>
      %dma_wait3A_147 = tpu.memref_squeeze %dma_wait3A_146 : memref<1x640x32xi32, #tpu.memory_space<hbm>> -> memref<640x32xi32, #tpu.memory_space<hbm>>
      tpu.wait_dma2 semaphore(%run_scoped3A : memref<!tpu.dma_semaphore, #tpu.memory_space<semaphore_mem>>) src(%dma_wait3A_147 : memref<640x32xi32, #tpu.memory_space<hbm>>) dst(%dma_wait3A_144 : memref<640x32xi32, #tpu.memory_space<vmem_shared>>)
      tpu.yield
    }) : () -> ()
    %broadcast_in_dim3A = arith.constant 0.000000e+00 : f32
    %broadcast_in_dim3A_3 = vector.broadcast %broadcast_in_dim3A : f32 to vector<16xf32>
    %scan3A = arith.constant 0 : i32
    %scan3A_4 = arith.constant 0 : i32
    %scan3A_5 = arith.constant 128 : i32
    %scan3A_6 = arith.addi %scan3A_4, %scan3A_5 : i32
    %scan3A_7 = arith.constant 1 : i32
    scf.for %scan3A_138 = %scan3A_4 to %scan3A_6 step %scan3A_7  : i32 {
      %swap3A = arith.index_cast %scan3A_138 : i32 to index
      %swap3A_139 = arith.constant 0 : index
      %swap3A_140 = tpu.vector_load %arg17[%swap3A, %swap3A_139] {strides = array<i32>} : memref<128x64xf32, #tpu.memory_space<vmem>>, vector<1x16xf32>,
      %swap3A_141 = vector.shape_cast %swap3A_140 : vector<1x16xf32> to vector<16xf32>
      %swap3A_142 = vector.shape_cast %broadcast_in_dim3A_3 : vector<16xf32> to vector<1x16xf32>
      tpu.vector_store %arg17[%swap3A, %swap3A_139], %swap3A_142 {strides = array<i32>} : memref<128x64xf32, #tpu.memory_space<vmem>>, vector<1x16xf32>,
      %swap3A_143 = arith.index_cast %scan3A_138 : i32 to index
      %swap3A_144 = arith.constant 16 : index
      %swap3A_145 = tpu.vector_load %arg17[%swap3A_143, %swap3A_144] {strides = array<i32>} : memref<128x64xf32, #tpu.memory_space<vmem>>, vector<1x16xf32>,
      %swap3A_146 = vector.shape_cast %swap3A_145 : vector<1x16xf32> to vector<16xf32>
      %swap3A_147 = vector.shape_cast %broadcast_in_dim3A_3 : vector<16xf32> to vector<1x16xf32>
      tpu.vector_store %arg17[%swap3A_143, %swap3A_144], %swap3A_147 {strides = array<i32>} : memref<128x64xf32, #tpu.memory_space<vmem>>, vector<1x16xf32>,
      %swap3A_148 = arith.index_cast %scan3A_138 : i32 to index
      %swap3A_149 = arith.constant 32 : index
      %swap3A_150 = tpu.vector_load %arg17[%swap3A_148, %swap3A_149] {strides = array<i32>} : memref<128x64xf32, #tpu.memory_space<vmem>>, vector<1x16xf32>,
      %swap3A_151 = vector.shape_cast %swap3A_150 : vector<1x16xf32> to vector<16xf32>
      %swap3A_152 = vector.shape_cast %broadcast_in_dim3A_3 : vector<16xf32> to vector<1x16xf32>
      tpu.vector_store %arg17[%swap3A_148, %swap3A_149], %swap3A_152 {strides = array<i32>} : memref<128x64xf32, #tpu.memory_space<vmem>>, vector<1x16xf32>,
      %swap3A_153 = arith.index_cast %scan3A_138 : i32 to index
      %swap3A_154 = arith.constant 48 : index
      %swap3A_155 = tpu.vector_load %arg17[%swap3A_153, %swap3A_154] {strides = array<i32>} : memref<128x64xf32, #tpu.memory_space<vmem>>, vector<1x16xf32>,
      %swap3A_156 = vector.shape_cast %swap3A_155 : vector<1x16xf32> to vector<16xf32>
      %swap3A_157 = vector.shape_cast %broadcast_in_dim3A_3 : vector<16xf32> to vector<1x16xf32>
      tpu.vector_store %arg17[%swap3A_153, %swap3A_154], %swap3A_157 {strides = array<i32>} : memref<128x64xf32, #tpu.memory_space<vmem>>, vector<1x16xf32>,
    }
    %scan3A_8 = arith.constant 128 : i32
    %mul3A_9 = arith.constant 640 : i32
    %mul3A_10 = arith.muli %arg1, %mul3A_9 : i32
    %add3A = arith.constant 0 : i32
    %add3A_11 = arith.addi %mul3A_10, %add3A : i32
    "tpu.region"() ({
      %run_scoped3A = tpu.sem_alloc : memref<!tpu.dma_semaphore, #tpu.memory_space<semaphore_mem>>
      %dma_start3A_138 = arith.constant 0 : i32
      %dma_start3A_139 = tpu.memref_slice %arg8[%add3A_11, %dma_start3A_138] : memref<10240x64xf32, #tpu.memory_space<vmem_shared>> -> memref<128x64xf32, #tpu.memory_space<vmem_shared>>
      %dma_start3A_140 = arith.constant 0 : i32
      %dma_start3A_141 = tpu.memref_slice %arg8[%add3A_11, %dma_start3A_140] : memref<10240x64xf32, #tpu.memory_space<vmem_shared>> -> memref<128x64xf32, #tpu.memory_space<vmem_shared>>
      tpu.enqueue_dma source(%arg17 : memref<128x64xf32, #tpu.memory_space<vmem>>) target(%dma_start3A_141 : memref<128x64xf32, #tpu.memory_space<vmem_shared>>) target_semaphore(%run_scoped3A : memref<!tpu.dma_semaphore, #tpu.memory_space<semaphore_mem>>)
      %dma_wait3A_142 = arith.constant 0 : i32
      %dma_wait3A_143 = tpu.memref_slice %arg8[%add3A_11, %dma_wait3A_142] : memref<10240x64xf32, #tpu.memory_space<vmem_shared>> -> memref<128x64xf32, #tpu.memory_space<vmem_shared>>
      %dma_wait3A_144 = arith.constant 0 : i32
      %dma_wait3A_145 = tpu.memref_slice %arg8[%add3A_11, %dma_wait3A_144] : memref<10240x64xf32, #tpu.memory_space<vmem_shared>> -> memref<128x64xf32, #tpu.memory_space<vmem_shared>>
      tpu.wait_dma2 semaphore(%run_scoped3A : memref<!tpu.dma_semaphore, #tpu.memory_space<semaphore_mem>>) src(%arg17 : memref<128x64xf32, #tpu.memory_space<vmem>>) dst(%dma_wait3A_145 : memref<128x64xf32, #tpu.memory_space<vmem_shared>>)
      tpu.yield
    }) : () -> ()
    %mul3A_12 = arith.constant 640 : i32
    %mul3A_13 = arith.muli %arg1, %mul3A_12 : i32
    %add3A_14 = arith.constant 128 : i32
    %add3A_15 = arith.addi %mul3A_13, %add3A_14 : i32
    "tpu.region"() ({
      %run_scoped3A = tpu.sem_alloc : memref<!tpu.dma_semaphore, #tpu.memory_space<semaphore_mem>>
      %dma_start3A_138 = arith.constant 0 : i32
      %dma_start3A_139 = tpu.memref_slice %arg8[%add3A_15, %dma_start3A_138] : memref<10240x64xf32, #tpu.memory_space<vmem_shared>> -> memref<128x64xf32, #tpu.memory_space<vmem_shared>>
      %dma_start3A_140 = arith.constant 0 : i32
      %dma_start3A_141 = tpu.memref_slice %arg8[%add3A_15, %dma_start3A_140] : memref<10240x64xf32, #tpu.memory_space<vmem_shared>> -> memref<128x64xf32, #tpu.memory_space<vmem_shared>>
      tpu.enqueue_dma source(%arg17 : memref<128x64xf32, #tpu.memory_space<vmem>>) target(%dma_start3A_141 : memref<128x64xf32, #tpu.memory_space<vmem_shared>>) target_semaphore(%run_scoped3A : memref<!tpu.dma_semaphore, #tpu.memory_space<semaphore_mem>>)
      %dma_wait3A_142 = arith.constant 0 : i32
      %dma_wait3A_143 = tpu.memref_slice %arg8[%add3A_15, %dma_wait3A_142] : memref<10240x64xf32, #tpu.memory_space<vmem_shared>> -> memref<128x64xf32, #tpu.memory_space<vmem_shared>>
      %dma_wait3A_144 = arith.constant 0 : i32
      %dma_wait3A_145 = tpu.memref_slice %arg8[%add3A_15, %dma_wait3A_144] : memref<10240x64xf32, #tpu.memory_space<vmem_shared>> -> memref<128x64xf32, #tpu.memory_space<vmem_shared>>
      tpu.wait_dma2 semaphore(%run_scoped3A : memref<!tpu.dma_semaphore, #tpu.memory_space<semaphore_mem>>) src(%arg17 : memref<128x64xf32, #tpu.memory_space<vmem>>) dst(%dma_wait3A_145 : memref<128x64xf32, #tpu.memory_space<vmem_shared>>)
      tpu.yield
    }) : () -> ()
    %mul3A_16 = arith.constant 640 : i32
    %mul3A_17 = arith.muli %arg1, %mul3A_16 : i32
    %add3A_18 = arith.constant 256 : i32
    %add3A_19 = arith.addi %mul3A_17, %add3A_18 : i32
    "tpu.region"() ({
      %run_scoped3A = tpu.sem_alloc : memref<!tpu.dma_semaphore, #tpu.memory_space<semaphore_mem>>
      %dma_start3A_138 = arith.constant 0 : i32
      %dma_start3A_139 = tpu.memref_slice %arg8[%add3A_19, %dma_start3A_138] : memref<10240x64xf32, #tpu.memory_space<vmem_shared>> -> memref<128x64xf32, #tpu.memory_space<vmem_shared>>
      %dma_start3A_140 = arith.constant 0 : i32
      %dma_start3A_141 = tpu.memref_slice %arg8[%add3A_19, %dma_start3A_140] : memref<10240x64xf32, #tpu.memory_space<vmem_shared>> -> memref<128x64xf32, #tpu.memory_space<vmem_shared>>
      tpu.enqueue_dma source(%arg17 : memref<128x64xf32, #tpu.memory_space<vmem>>) target(%dma_start3A_141 : memref<128x64xf32, #tpu.memory_space<vmem_shared>>) target_semaphore(%run_scoped3A : memref<!tpu.dma_semaphore, #tpu.memory_space<semaphore_mem>>)
      %dma_wait3A_142 = arith.constant 0 : i32
      %dma_wait3A_143 = tpu.memref_slice %arg8[%add3A_19, %dma_wait3A_142] : memref<10240x64xf32, #tpu.memory_space<vmem_shared>> -> memref<128x64xf32, #tpu.memory_space<vmem_shared>>
      %dma_wait3A_144 = arith.constant 0 : i32
      %dma_wait3A_145 = tpu.memref_slice %arg8[%add3A_19, %dma_wait3A_144] : memref<10240x64xf32, #tpu.memory_space<vmem_shared>> -> memref<128x64xf32, #tpu.memory_space<vmem_shared>>
      tpu.wait_dma2 semaphore(%run_scoped3A : memref<!tpu.dma_semaphore, #tpu.memory_space<semaphore_mem>>) src(%arg17 : memref<128x64xf32, #tpu.memory_space<vmem>>) dst(%dma_wait3A_145 : memref<128x64xf32, #tpu.memory_space<vmem_shared>>)
      tpu.yield
    }) : () -> ()
    %mul3A_20 = arith.constant 640 : i32
    %mul3A_21 = arith.muli %arg1, %mul3A_20 : i32
    %add3A_22 = arith.constant 384 : i32
    %add3A_23 = arith.addi %mul3A_21, %add3A_22 : i32
    "tpu.region"() ({
      %run_scoped3A = tpu.sem_alloc : memref<!tpu.dma_semaphore, #tpu.memory_space<semaphore_mem>>
      %dma_start3A_138 = arith.constant 0 : i32
      %dma_start3A_139 = tpu.memref_slice %arg8[%add3A_23, %dma_start3A_138] : memref<10240x64xf32, #tpu.memory_space<vmem_shared>> -> memref<128x64xf32, #tpu.memory_space<vmem_shared>>
      %dma_start3A_140 = arith.constant 0 : i32
      %dma_start3A_141 = tpu.memref_slice %arg8[%add3A_23, %dma_start3A_140] : memref<10240x64xf32, #tpu.memory_space<vmem_shared>> -> memref<128x64xf32, #tpu.memory_space<vmem_shared>>
      tpu.enqueue_dma source(%arg17 : memref<128x64xf32, #tpu.memory_space<vmem>>) target(%dma_start3A_141 : memref<128x64xf32, #tpu.memory_space<vmem_shared>>) target_semaphore(%run_scoped3A : memref<!tpu.dma_semaphore, #tpu.memory_space<semaphore_mem>>)
      %dma_wait3A_142 = arith.constant 0 : i32
      %dma_wait3A_143 = tpu.memref_slice %arg8[%add3A_23, %dma_wait3A_142] : memref<10240x64xf32, #tpu.memory_space<vmem_shared>> -> memref<128x64xf32, #tpu.memory_space<vmem_shared>>
      %dma_wait3A_144 = arith.constant 0 : i32
      %dma_wait3A_145 = tpu.memref_slice %arg8[%add3A_23, %dma_wait3A_144] : memref<10240x64xf32, #tpu.memory_space<vmem_shared>> -> memref<128x64xf32, #tpu.memory_space<vmem_shared>>
      tpu.wait_dma2 semaphore(%run_scoped3A : memref<!tpu.dma_semaphore, #tpu.memory_space<semaphore_mem>>) src(%arg17 : memref<128x64xf32, #tpu.memory_space<vmem>>) dst(%dma_wait3A_145 : memref<128x64xf32, #tpu.memory_space<vmem_shared>>)
      tpu.yield
    }) : () -> ()
    %mul3A_24 = arith.constant 640 : i32
    %mul3A_25 = arith.muli %arg1, %mul3A_24 : i32
    %add3A_26 = arith.constant 512 : i32
    %add3A_27 = arith.addi %mul3A_25, %add3A_26 : i32
    "tpu.region"() ({
      %run_scoped3A = tpu.sem_alloc : memref<!tpu.dma_semaphore, #tpu.memory_space<semaphore_mem>>
      %dma_start3A_138 = arith.constant 0 : i32
      %dma_start3A_139 = tpu.memref_slice %arg8[%add3A_27, %dma_start3A_138] : memref<10240x64xf32, #tpu.memory_space<vmem_shared>> -> memref<128x64xf32, #tpu.memory_space<vmem_shared>>
      %dma_start3A_140 = arith.constant 0 : i32
      %dma_start3A_141 = tpu.memref_slice %arg8[%add3A_27, %dma_start3A_140] : memref<10240x64xf32, #tpu.memory_space<vmem_shared>> -> memref<128x64xf32, #tpu.memory_space<vmem_shared>>
      tpu.enqueue_dma source(%arg17 : memref<128x64xf32, #tpu.memory_space<vmem>>) target(%dma_start3A_141 : memref<128x64xf32, #tpu.memory_space<vmem_shared>>) target_semaphore(%run_scoped3A : memref<!tpu.dma_semaphore, #tpu.memory_space<semaphore_mem>>)
      %dma_wait3A_142 = arith.constant 0 : i32
      %dma_wait3A_143 = tpu.memref_slice %arg8[%add3A_27, %dma_wait3A_142] : memref<10240x64xf32, #tpu.memory_space<vmem_shared>> -> memref<128x64xf32, #tpu.memory_space<vmem_shared>>
      %dma_wait3A_144 = arith.constant 0 : i32
      %dma_wait3A_145 = tpu.memref_slice %arg8[%add3A_27, %dma_wait3A_144] : memref<10240x64xf32, #tpu.memory_space<vmem_shared>> -> memref<128x64xf32, #tpu.memory_space<vmem_shared>>
      tpu.wait_dma2 semaphore(%run_scoped3A : memref<!tpu.dma_semaphore, #tpu.memory_space<semaphore_mem>>) src(%arg17 : memref<128x64xf32, #tpu.memory_space<vmem>>) dst(%dma_wait3A_145 : memref<128x64xf32, #tpu.memory_space<vmem_shared>>)
      tpu.yield
    }) : () -> ()
    %barrier3A = arith.constant 0 : index
    tpu.barrier barrier_id(%barrier3A)
    %min3A = arith.constant 0 : i32
    %min3A_28 = arith.constant 159 : i32
    %min3A_29 = arith.minsi %min3A, %min3A_28 : i32
    %dma_start3A = arith.constant 0 : i32
    %dma_start3A_30 = tpu.memref_slice %arg3[%arg1, %min3A_29, %dma_start3A] : memref<16x160x128xi32, #tpu.memory_space<hbm>> -> memref<1x1x128xi32, #tpu.memory_space<hbm>>
    %dma_start3A_31 = tpu.memref_squeeze %dma_start3A_30 : memref<1x1x128xi32, #tpu.memory_space<hbm>> -> memref<128xi32, #tpu.memory_space<hbm>>
    %dma_start3A_32 = arith.constant 0 : i32
    %dma_start3A_33 = tpu.memref_slice %arg3[%arg1, %min3A_29, %dma_start3A_32] : memref<16x160x128xi32, #tpu.memory_space<hbm>> -> memref<1x1x128xi32, #tpu.memory_space<hbm>>
    %dma_start3A_34 = tpu.memref_squeeze %dma_start3A_33 : memref<1x1x128xi32, #tpu.memory_space<hbm>> -> memref<128xi32, #tpu.memory_space<hbm>>
    tpu.enqueue_dma source(%dma_start3A_34 : memref<128xi32, #tpu.memory_space<hbm>>) target(%arg9 : memref<128xi32, #tpu.memory_space<vmem>>) target_semaphore(%arg20 : memref<!tpu.dma_semaphore, #tpu.memory_space<semaphore_mem>>)
    %min3A_35 = arith.constant 0 : i32
    %min3A_36 = arith.constant 159 : i32
    %min3A_37 = arith.minsi %min3A_35, %min3A_36 : i32
    %dma_start3A_38 = arith.constant 0 : i32
    %dma_start3A_39 = tpu.memref_slice %arg4[%arg1, %min3A_37, %dma_start3A_38] : memref<16x160x128xi32, #tpu.memory_space<hbm>> -> memref<1x1x128xi32, #tpu.memory_space<hbm>>
    %dma_start3A_40 = tpu.memref_squeeze %dma_start3A_39 : memref<1x1x128xi32, #tpu.memory_space<hbm>> -> memref<128xi32, #tpu.memory_space<hbm>>
    %dma_start3A_41 = arith.constant 0 : i32
    %dma_start3A_42 = tpu.memref_slice %arg4[%arg1, %min3A_37, %dma_start3A_41] : memref<16x160x128xi32, #tpu.memory_space<hbm>> -> memref<1x1x128xi32, #tpu.memory_space<hbm>>
    %dma_start3A_43 = tpu.memref_squeeze %dma_start3A_42 : memref<1x1x128xi32, #tpu.memory_space<hbm>> -> memref<128xi32, #tpu.memory_space<hbm>>
    tpu.enqueue_dma source(%dma_start3A_43 : memref<128xi32, #tpu.memory_space<hbm>>) target(%arg11 : memref<128xi32, #tpu.memory_space<vmem>>) target_semaphore(%arg22 : memref<!tpu.dma_semaphore, #tpu.memory_space<semaphore_mem>>)
    %dma_start3A_44 = arith.constant 0 : i32
    %dma_start3A_45 = tpu.memref_slice %arg5[%arg1, %min3A_37, %dma_start3A_44] : memref<16x160x128xf32, #tpu.memory_space<hbm>> -> memref<1x1x128xf32, #tpu.memory_space<hbm>>
    %dma_start3A_46 = tpu.memref_squeeze %dma_start3A_45 : memref<1x1x128xf32, #tpu.memory_space<hbm>> -> memref<128xf32, #tpu.memory_space<hbm>>
    %dma_start3A_47 = arith.constant 0 : i32
    %dma_start3A_48 = tpu.memref_slice %arg5[%arg1, %min3A_37, %dma_start3A_47] : memref<16x160x128xf32, #tpu.memory_space<hbm>> -> memref<1x1x128xf32, #tpu.memory_space<hbm>>
    %dma_start3A_49 = tpu.memref_squeeze %dma_start3A_48 : memref<1x1x128xf32, #tpu.memory_space<hbm>> -> memref<128xf32, #tpu.memory_space<hbm>>
    tpu.enqueue_dma source(%dma_start3A_49 : memref<128xf32, #tpu.memory_space<hbm>>) target(%arg13 : memref<128xf32, #tpu.memory_space<vmem>>) target_semaphore(%arg22 : memref<!tpu.dma_semaphore, #tpu.memory_space<semaphore_mem>>)
    %dma_wait3A = arith.constant 0 : i32
    %dma_wait3A_50 = arith.constant 0 : i32
    %dma_wait3A_51 = arith.constant 0 : i32
    %dma_wait3A_52 = tpu.memref_slice %arg3[%dma_wait3A, %dma_wait3A_50, %dma_wait3A_51] : memref<16x160x128xi32, #tpu.memory_space<hbm>> -> memref<1x1x128xi32, #tpu.memory_space<hbm>>
    %dma_wait3A_53 = tpu.memref_squeeze %dma_wait3A_52 : memref<1x1x128xi32, #tpu.memory_space<hbm>> -> memref<128xi32, #tpu.memory_space<hbm>>
    %dma_wait3A_54 = arith.constant 0 : i32
    %dma_wait3A_55 = tpu.memref_slice %arg3[%dma_wait3A, %dma_wait3A_50, %dma_wait3A_54] : memref<16x160x128xi32, #tpu.memory_space<hbm>> -> memref<1x1x128xi32, #tpu.memory_space<hbm>>
    %dma_wait3A_56 = tpu.memref_squeeze %dma_wait3A_55 : memref<1x1x128xi32, #tpu.memory_space<hbm>> -> memref<128xi32, #tpu.memory_space<hbm>>
    tpu.wait_dma2 semaphore(%arg20 : memref<!tpu.dma_semaphore, #tpu.memory_space<semaphore_mem>>) src(%dma_wait3A_56 : memref<128xi32, #tpu.memory_space<hbm>>) dst(%arg9 : memref<128xi32, #tpu.memory_space<vmem>>)
    %dma_start3A_57 = arith.constant 0 : i32
    %dma_start3A_58 = arith.constant 0 : i32
    %dma_start3A_59 = tpu.memref_slice %arg7[%dma_start3A_57, %dma_start3A_58] : memref<10240x32xi32, #tpu.memory_space<vmem_shared>> -> memref<10240x32xi32, #tpu.memory_space<vmem_shared>>
    tpu.enqueue_indirect_dma source(%dma_start3A_59 : memref<10240x32xi32, #tpu.memory_space<vmem_shared>>) target(%arg15 : memref<128x32xi32, #tpu.memory_space<vmem>>) offsets(%arg9 : memref<128xi32, #tpu.memory_space<vmem>>) semaphore(%arg18 : memref<!tpu.dma_semaphore, #tpu.memory_space<semaphore_mem>>)
    %min3A_60 = arith.constant 1 : i32
    %min3A_61 = arith.constant 159 : i32
    %min3A_62 = arith.minsi %min3A_60, %min3A_61 : i32
    %dma_start3A_63 = arith.constant 0 : i32
    %dma_start3A_64 = tpu.memref_slice %arg3[%arg1, %min3A_62, %dma_start3A_63] : memref<16x160x128xi32, #tpu.memory_space<hbm>> -> memref<1x1x128xi32, #tpu.memory_space<hbm>>
    %dma_start3A_65 = tpu.memref_squeeze %dma_start3A_64 : memref<1x1x128xi32, #tpu.memory_space<hbm>> -> memref<128xi32, #tpu.memory_space<hbm>>
    %dma_start3A_66 = arith.constant 0 : i32
    %dma_start3A_67 = tpu.memref_slice %arg3[%arg1, %min3A_62, %dma_start3A_66] : memref<16x160x128xi32, #tpu.memory_space<hbm>> -> memref<1x1x128xi32, #tpu.memory_space<hbm>>
    %dma_start3A_68 = tpu.memref_squeeze %dma_start3A_67 : memref<1x1x128xi32, #tpu.memory_space<hbm>> -> memref<128xi32, #tpu.memory_space<hbm>>
    tpu.enqueue_dma source(%dma_start3A_68 : memref<128xi32, #tpu.memory_space<hbm>>) target(%arg10 : memref<128xi32, #tpu.memory_space<vmem>>) target_semaphore(%arg21 : memref<!tpu.dma_semaphore, #tpu.memory_space<semaphore_mem>>)
    %min3A_69 = arith.constant 1 : i32
    %min3A_70 = arith.constant 159 : i32
    %min3A_71 = arith.minsi %min3A_69, %min3A_70 : i32
    %dma_start3A_72 = arith.constant 0 : i32
    %dma_start3A_73 = tpu.memref_slice %arg4[%arg1, %min3A_71, %dma_start3A_72] : memref<16x160x128xi32, #tpu.memory_space<hbm>> -> memref<1x1x128xi32, #tpu.memory_space<hbm>>
    %dma_start3A_74 = tpu.memref_squeeze %dma_start3A_73 : memref<1x1x128xi32, #tpu.memory_space<hbm>> -> memref<128xi32, #tpu.memory_space<hbm>>
    %dma_start3A_75 = arith.constant 0 : i32
    %dma_start3A_76 = tpu.memref_slice %arg4[%arg1, %min3A_71, %dma_start3A_75] : memref<16x160x128xi32, #tpu.memory_space<hbm>> -> memref<1x1x128xi32, #tpu.memory_space<hbm>>
    %dma_start3A_77 = tpu.memref_squeeze %dma_start3A_76 : memref<1x1x128xi32, #tpu.memory_space<hbm>> -> memref<128xi32, #tpu.memory_space<hbm>>
    tpu.enqueue_dma source(%dma_start3A_77 : memref<128xi32, #tpu.memory_space<hbm>>) target(%arg12 : memref<128xi32, #tpu.memory_space<vmem>>) target_semaphore(%arg23 : memref<!tpu.dma_semaphore, #tpu.memory_space<semaphore_mem>>)
    %dma_start3A_78 = arith.constant 0 : i32
    %dma_start3A_79 = tpu.memref_slice %arg5[%arg1, %min3A_71, %dma_start3A_78] : memref<16x160x128xf32, #tpu.memory_space<hbm>> -> memref<1x1x128xf32, #tpu.memory_space<hbm>>
    %dma_start3A_80 = tpu.memref_squeeze %dma_start3A_79 : memref<1x1x128xf32, #tpu.memory_space<hbm>> -> memref<128xf32, #tpu.memory_space<hbm>>
    %dma_start3A_81 = arith.constant 0 : i32
    %dma_start3A_82 = tpu.memref_slice %arg5[%arg1, %min3A_71, %dma_start3A_81] : memref<16x160x128xf32, #tpu.memory_space<hbm>> -> memref<1x1x128xf32, #tpu.memory_space<hbm>>
    %dma_start3A_83 = tpu.memref_squeeze %dma_start3A_82 : memref<1x1x128xf32, #tpu.memory_space<hbm>> -> memref<128xf32, #tpu.memory_space<hbm>>
    tpu.enqueue_dma source(%dma_start3A_83 : memref<128xf32, #tpu.memory_space<hbm>>) target(%arg14 : memref<128xf32, #tpu.memory_space<vmem>>) target_semaphore(%arg23 : memref<!tpu.dma_semaphore, #tpu.memory_space<semaphore_mem>>)
    %scan3A_84 = arith.constant 0 : i32
    %scan3A_85 = arith.constant 0 : i32
    %scan3A_86 = arith.constant 80 : i32
    %scan3A_87 = arith.addi %scan3A_85, %scan3A_86 : i32
    %scan3A_88 = arith.constant 1 : i32
    scf.for %scan3A_138 = %scan3A_85 to %scan3A_87 step %scan3A_88  : i32 {
      %mul3A_139 = arith.constant 2 : i32
      %mul3A_140 = arith.muli %scan3A_138, %mul3A_139 : i32
      %dma_wait3A_141 = arith.constant 0 : i32
      %dma_wait3A_142 = arith.constant 0 : i32
      %dma_wait3A_143 = tpu.memref_slice %arg7[%dma_wait3A_141, %dma_wait3A_142] : memref<10240x32xi32, #tpu.memory_space<vmem_shared>> -> memref<10240x32xi32, #tpu.memory_space<vmem_shared>>
      tpu.wait_indirect_dma semaphore(%arg18 : memref<!tpu.dma_semaphore, #tpu.memory_space<semaphore_mem>>) src(%dma_wait3A_143 : memref<10240x32xi32, #tpu.memory_space<vmem_shared>>) dst(%arg15 : memref<128x32xi32, #tpu.memory_space<vmem>>)
      %dma_wait3A_144 = arith.constant 0 : i32
      %dma_wait3A_145 = arith.constant 0 : i32
      %dma_wait3A_146 = arith.constant 0 : i32
      %dma_wait3A_147 = tpu.memref_slice %arg3[%dma_wait3A_144, %dma_wait3A_145, %dma_wait3A_146] : memref<16x160x128xi32, #tpu.memory_space<hbm>> -> memref<1x1x128xi32, #tpu.memory_space<hbm>>
      %dma_wait3A_148 = tpu.memref_squeeze %dma_wait3A_147 : memref<1x1x128xi32, #tpu.memory_space<hbm>> -> memref<128xi32, #tpu.memory_space<hbm>>
      %dma_wait3A_149 = arith.constant 0 : i32
      %dma_wait3A_150 = tpu.memref_slice %arg3[%dma_wait3A_144, %dma_wait3A_145, %dma_wait3A_149] : memref<16x160x128xi32, #tpu.memory_space<hbm>> -> memref<1x1x128xi32, #tpu.memory_space<hbm>>
      %dma_wait3A_151 = tpu.memref_squeeze %dma_wait3A_150 : memref<1x1x128xi32, #tpu.memory_space<hbm>> -> memref<128xi32, #tpu.memory_space<hbm>>
      tpu.wait_dma2 semaphore(%arg21 : memref<!tpu.dma_semaphore, #tpu.memory_space<semaphore_mem>>) src(%dma_wait3A_151 : memref<128xi32, #tpu.memory_space<hbm>>) dst(%arg10 : memref<128xi32, #tpu.memory_space<vmem>>)
      %dma_start3A_152 = arith.constant 0 : i32
      %dma_start3A_153 = arith.constant 0 : i32
      %dma_start3A_154 = tpu.memref_slice %arg7[%dma_start3A_152, %dma_start3A_153] : memref<10240x32xi32, #tpu.memory_space<vmem_shared>> -> memref<10240x32xi32, #tpu.memory_space<vmem_shared>>
      tpu.enqueue_indirect_dma source(%dma_start3A_154 : memref<10240x32xi32, #tpu.memory_space<vmem_shared>>) target(%arg16 : memref<128x32xi32, #tpu.memory_space<vmem>>) offsets(%arg10 : memref<128xi32, #tpu.memory_space<vmem>>) semaphore(%arg19 : memref<!tpu.dma_semaphore, #tpu.memory_space<semaphore_mem>>)
      %add3A_155 = arith.constant 2 : i32
      %add3A_156 = arith.addi %mul3A_140, %add3A_155 : i32
      %min3A_157 = arith.constant 159 : i32
      %min3A_158 = arith.minsi %add3A_156, %min3A_157 : i32
      %dma_start3A_159 = arith.constant 0 : i32
      %dma_start3A_160 = tpu.memref_slice %arg3[%arg1, %min3A_158, %dma_start3A_159] : memref<16x160x128xi32, #tpu.memory_space<hbm>> -> memref<1x1x128xi32, #tpu.memory_space<hbm>>
      %dma_start3A_161 = tpu.memref_squeeze %dma_start3A_160 : memref<1x1x128xi32, #tpu.memory_space<hbm>> -> memref<128xi32, #tpu.memory_space<hbm>>
      %dma_start3A_162 = arith.constant 0 : i32
      %dma_start3A_163 = tpu.memref_slice %arg3[%arg1, %min3A_158, %dma_start3A_162] : memref<16x160x128xi32, #tpu.memory_space<hbm>> -> memref<1x1x128xi32, #tpu.memory_space<hbm>>
      %dma_start3A_164 = tpu.memref_squeeze %dma_start3A_163 : memref<1x1x128xi32, #tpu.memory_space<hbm>> -> memref<128xi32, #tpu.memory_space<hbm>>
      tpu.enqueue_dma source(%dma_start3A_164 : memref<128xi32, #tpu.memory_space<hbm>>) target(%arg9 : memref<128xi32, #tpu.memory_space<vmem>>) target_semaphore(%arg20 : memref<!tpu.dma_semaphore, #tpu.memory_space<semaphore_mem>>)
      %dma_wait3A_165 = arith.constant 0 : i32
      %dma_wait3A_166 = arith.constant 0 : i32
      %dma_wait3A_167 = arith.constant 0 : i32
      %dma_wait3A_168 = tpu.memref_slice %arg4[%dma_wait3A_165, %dma_wait3A_166, %dma_wait3A_167] : memref<16x160x128xi32, #tpu.memory_space<hbm>> -> memref<1x1x128xi32, #tpu.memory_space<hbm>>
      %dma_wait3A_169 = tpu.memref_squeeze %dma_wait3A_168 : memref<1x1x128xi32, #tpu.memory_space<hbm>> -> memref<128xi32, #tpu.memory_space<hbm>>
      %dma_wait3A_170 = arith.constant 0 : i32
      %dma_wait3A_171 = tpu.memref_slice %arg4[%dma_wait3A_165, %dma_wait3A_166, %dma_wait3A_170] : memref<16x160x128xi32, #tpu.memory_space<hbm>> -> memref<1x1x128xi32, #tpu.memory_space<hbm>>
      %dma_wait3A_172 = tpu.memref_squeeze %dma_wait3A_171 : memref<1x1x128xi32, #tpu.memory_space<hbm>> -> memref<128xi32, #tpu.memory_space<hbm>>
      tpu.wait_dma2 semaphore(%arg22 : memref<!tpu.dma_semaphore, #tpu.memory_space<semaphore_mem>>) src(%dma_wait3A_172 : memref<128xi32, #tpu.memory_space<hbm>>) dst(%arg11 : memref<128xi32, #tpu.memory_space<vmem>>)
      %dma_wait3A_173 = arith.constant 0 : i32
      %dma_wait3A_174 = arith.constant 0 : i32
      %dma_wait3A_175 = arith.constant 0 : i32
      %dma_wait3A_176 = tpu.memref_slice %arg5[%dma_wait3A_173, %dma_wait3A_174, %dma_wait3A_175] : memref<16x160x128xf32, #tpu.memory_space<hbm>> -> memref<1x1x128xf32, #tpu.memory_space<hbm>>
      %dma_wait3A_177 = tpu.memref_squeeze %dma_wait3A_176 : memref<1x1x128xf32, #tpu.memory_space<hbm>> -> memref<128xf32, #tpu.memory_space<hbm>>
      %dma_wait3A_178 = arith.constant 0 : i32
      %dma_wait3A_179 = tpu.memref_slice %arg5[%dma_wait3A_173, %dma_wait3A_174, %dma_wait3A_178] : memref<16x160x128xf32, #tpu.memory_space<hbm>> -> memref<1x1x128xf32, #tpu.memory_space<hbm>>
      %dma_wait3A_180 = tpu.memref_squeeze %dma_wait3A_179 : memref<1x1x128xf32, #tpu.memory_space<hbm>> -> memref<128xf32, #tpu.memory_space<hbm>>
      tpu.wait_dma2 semaphore(%arg22 : memref<!tpu.dma_semaphore, #tpu.memory_space<semaphore_mem>>) src(%dma_wait3A_180 : memref<128xf32, #tpu.memory_space<hbm>>) dst(%arg13 : memref<128xf32, #tpu.memory_space<vmem>>)
      %scan3A_181 = arith.constant 0 : i32
      %scan3A_182 = arith.constant 0 : i32
      %scan3A_183 = arith.constant 8 : i32
      %scan3A_184 = arith.addi %scan3A_182, %scan3A_183 : i32
      %scan3A_185 = arith.constant 1 : i32
      scf.for %scan3A_267 = %scan3A_182 to %scan3A_184 step %scan3A_185  : i32 {
        %mul3A_268 = arith.constant 16 : i32
        %mul3A_269 = arith.muli %scan3A_267, %mul3A_268 : i32
        %get3A = arith.index_cast %mul3A_269 : i32 to index
        %get3A_270 = tpu.vector_load %arg13[%get3A] {strides = array<i32>} : memref<128xf32, #tpu.memory_space<vmem>>, vector<16xf32>,
        %get3A_271 = vector.shape_cast %get3A_270 : vector<16xf32> to vector<16xf32>
        %add3A_272 = arith.constant 0 : i32
        %add3A_273 = arith.addi %mul3A_269, %add3A_272 : i32
        %slice3A = vector.extract_strided_slice %get3A_271 {offsets = [0], sizes = [1], strides = [1]} : vector<16xf32> to vector<1xf32>
        %squeeze3A = vector.extract %slice3A[0] : f32 from vector<1xf32>
        %broadcast_in_dim3A_274 = vector.broadcast %squeeze3A : f32 to vector<16xf32>
        %get3A_275 = arith.index_cast %add3A_273 : i32 to index
        %get3A_276 = arith.constant 0 : index
        %get3A_277 = tpu.vector_load %arg15[%get3A_275, %get3A_276] {strides = array<i32>} : memref<128x32xi32, #tpu.memory_space<vmem>>, vector<1x16xi32>,
        %get3A_278 = vector.shape_cast %get3A_277 : vector<1x16xi32> to vector<16xi32>
        %shift_left3A = arith.constant 16 : i32
        %shift_left3A_279 = vector.broadcast %shift_left3A : i32 to vector<16xi32>
        %shift_left3A_280 = arith.shli %get3A_278, %shift_left3A_279 : vector<16xi32>
        %bitcast_convert_type3A = tpu.bitcast %shift_left3A_280 : vector<16xi32> -> vector<16xf32>
        %and3A = arith.constant -65536 : i32
        %and3A_281 = vector.broadcast %and3A : i32 to vector<16xi32>
        %and3A_282 = arith.andi %get3A_278, %and3A_281 : vector<16xi32>
        %bitcast_convert_type3A_283 = tpu.bitcast %and3A_282 : vector<16xi32> -> vector<16xf32>
        %mul3A_284 = arith.mulf %bitcast_convert_type3A, %broadcast_in_dim3A_274 : vector<16xf32>
        %swap3A = arith.index_cast %add3A_273 : i32 to index
        %swap3A_285 = arith.constant 0 : index
        %swap3A_286 = tpu.vector_load %arg17[%swap3A, %swap3A_285] {strides = array<i32>} : memref<128x64xf32, #tpu.memory_space<vmem>>, vector<1x16xf32>,
        %swap3A_287 = vector.shape_cast %swap3A_286 : vector<1x16xf32> to vector<16xf32>
        %swap3A_288 = vector.shape_cast %mul3A_284 : vector<16xf32> to vector<1x16xf32>
        tpu.vector_store %arg17[%swap3A, %swap3A_285], %swap3A_288 {strides = array<i32>} : memref<128x64xf32, #tpu.memory_space<vmem>>, vector<1x16xf32>,
        %mul3A_289 = arith.mulf %bitcast_convert_type3A_283, %broadcast_in_dim3A_274 : vector<16xf32>
        %swap3A_290 = arith.index_cast %add3A_273 : i32 to index
        %swap3A_291 = arith.constant 16 : index
        %swap3A_292 = tpu.vector_load %arg17[%swap3A_290, %swap3A_291] {strides = array<i32>} : memref<128x64xf32, #tpu.memory_space<vmem>>, vector<1x16xf32>,
        %swap3A_293 = vector.shape_cast %swap3A_292 : vector<1x16xf32> to vector<16xf32>
        %swap3A_294 = vector.shape_cast %mul3A_289 : vector<16xf32> to vector<1x16xf32>
        tpu.vector_store %arg17[%swap3A_290, %swap3A_291], %swap3A_294 {strides = array<i32>} : memref<128x64xf32, #tpu.memory_space<vmem>>, vector<1x16xf32>,
        %get3A_295 = arith.index_cast %add3A_273 : i32 to index
        %get3A_296 = arith.constant 16 : index
        %get3A_297 = tpu.vector_load %arg15[%get3A_295, %get3A_296] {strides = array<i32>} : memref<128x32xi32, #tpu.memory_space<vmem>>, vector<1x16xi32>,
        %get3A_298 = vector.shape_cast %get3A_297 : vector<1x16xi32> to vector<16xi32>
        %shift_left3A_299 = arith.constant 16 : i32
        %shift_left3A_300 = vector.broadcast %shift_left3A_299 : i32 to vector<16xi32>
        %shift_left3A_301 = arith.shli %get3A_298, %shift_left3A_300 : vector<16xi32>
        %bitcast_convert_type3A_302 = tpu.bitcast %shift_left3A_301 : vector<16xi32> -> vector<16xf32>
        %and3A_303 = arith.constant -65536 : i32
        %and3A_304 = vector.broadcast %and3A_303 : i32 to vector<16xi32>
        %and3A_305 = arith.andi %get3A_298, %and3A_304 : vector<16xi32>
        %bitcast_convert_type3A_306 = tpu.bitcast %and3A_305 : vector<16xi32> -> vector<16xf32>
        %mul3A_307 = arith.mulf %bitcast_convert_type3A_302, %broadcast_in_dim3A_274 : vector<16xf32>
        %swap3A_308 = arith.index_cast %add3A_273 : i32 to index
        %swap3A_309 = arith.constant 32 : index
        %swap3A_310 = tpu.vector_load %arg17[%swap3A_308, %swap3A_309] {strides = array<i32>} : memref<128x64xf32, #tpu.memory_space<vmem>>, vector<1x16xf32>,
        %swap3A_311 = vector.shape_cast %swap3A_310 : vector<1x16xf32> to vector<16xf32>
        %swap3A_312 = vector.shape_cast %mul3A_307 : vector<16xf32> to vector<1x16xf32>
        tpu.vector_store %arg17[%swap3A_308, %swap3A_309], %swap3A_312 {strides = array<i32>} : memref<128x64xf32, #tpu.memory_space<vmem>>, vector<1x16xf32>,
        %mul3A_313 = arith.mulf %bitcast_convert_type3A_306, %broadcast_in_dim3A_274 : vector<16xf32>
        %swap3A_314 = arith.index_cast %add3A_273 : i32 to index
        %swap3A_315 = arith.constant 48 : index
        %swap3A_316 = tpu.vector_load %arg17[%swap3A_314, %swap3A_315] {strides = array<i32>} : memref<128x64xf32, #tpu.memory_space<vmem>>, vector<1x16xf32>,
        %swap3A_317 = vector.shape_cast %swap3A_316 : vector<1x16xf32> to vector<16xf32>
        %swap3A_318 = vector.shape_cast %mul3A_313 : vector<16xf32> to vector<1x16xf32>
        tpu.vector_store %arg17[%swap3A_314, %swap3A_315], %swap3A_318 {strides = array<i32>} : memref<128x64xf32, #tpu.memory_space<vmem>>, vector<1x16xf32>,
        %add3A_319 = arith.constant 1 : i32
        %add3A_320 = arith.addi %mul3A_269, %add3A_319 : i32
        %slice3A_321 = vector.extract_strided_slice %get3A_271 {offsets = [1], sizes = [1], strides = [1]} : vector<16xf32> to vector<1xf32>
        %squeeze3A_322 = vector.extract %slice3A_321[0] : f32 from vector<1xf32>
        %broadcast_in_dim3A_323 = vector.broadcast %squeeze3A_322 : f32 to vector<16xf32>
        %get3A_324 = arith.index_cast %add3A_320 : i32 to index
        %get3A_325 = arith.constant 0 : index
        %get3A_326 = tpu.vector_load %arg15[%get3A_324, %get3A_325] {strides = array<i32>} : memref<128x32xi32, #tpu.memory_space<vmem>>, vector<1x16xi32>,
        %get3A_327 = vector.shape_cast %get3A_326 : vector<1x16xi32> to vector<16xi32>
        %shift_left3A_328 = arith.constant 16 : i32
        %shift_left3A_329 = vector.broadcast %shift_left3A_328 : i32 to vector<16xi32>
        %shift_left3A_330 = arith.shli %get3A_327, %shift_left3A_329 : vector<16xi32>
        %bitcast_convert_type3A_331 = tpu.bitcast %shift_left3A_330 : vector<16xi32> -> vector<16xf32>
        %and3A_332 = arith.constant -65536 : i32
        %and3A_333 = vector.broadcast %and3A_332 : i32 to vector<16xi32>
        %and3A_334 = arith.andi %get3A_327, %and3A_333 : vector<16xi32>
        %bitcast_convert_type3A_335 = tpu.bitcast %and3A_334 : vector<16xi32> -> vector<16xf32>
        %mul3A_336 = arith.mulf %bitcast_convert_type3A_331, %broadcast_in_dim3A_323 : vector<16xf32>
        %swap3A_337 = arith.index_cast %add3A_320 : i32 to index
        %swap3A_338 = arith.constant 0 : index
        %swap3A_339 = tpu.vector_load %arg17[%swap3A_337, %swap3A_338] {strides = array<i32>} : memref<128x64xf32, #tpu.memory_space<vmem>>, vector<1x16xf32>,
        %swap3A_340 = vector.shape_cast %swap3A_339 : vector<1x16xf32> to vector<16xf32>
        %swap3A_341 = vector.shape_cast %mul3A_336 : vector<16xf32> to vector<1x16xf32>
        tpu.vector_store %arg17[%swap3A_337, %swap3A_338], %swap3A_341 {strides = array<i32>} : memref<128x64xf32, #tpu.memory_space<vmem>>, vector<1x16xf32>,
        %mul3A_342 = arith.mulf %bitcast_convert_type3A_335, %broadcast_in_dim3A_323 : vector<16xf32>
        %swap3A_343 = arith.index_cast %add3A_320 : i32 to index
        %swap3A_344 = arith.constant 16 : index
        %swap3A_345 = tpu.vector_load %arg17[%swap3A_343, %swap3A_344] {strides = array<i32>} : memref<128x64xf32, #tpu.memory_space<vmem>>, vector<1x16xf32>,
        %swap3A_346 = vector.shape_cast %swap3A_345 : vector<1x16xf32> to vector<16xf32>
        %swap3A_347 = vector.shape_cast %mul3A_342 : vector<16xf32> to vector<1x16xf32>
        tpu.vector_store %arg17[%swap3A_343, %swap3A_344], %swap3A_347 {strides = array<i32>} : memref<128x64xf32, #tpu.memory_space<vmem>>, vector<1x16xf32>,
        %get3A_348 = arith.index_cast %add3A_320 : i32 to index
        %get3A_349 = arith.constant 16 : index
        %get3A_350 = tpu.vector_load %arg15[%get3A_348, %get3A_349] {strides = array<i32>} : memref<128x32xi32, #tpu.memory_space<vmem>>, vector<1x16xi32>,
        %get3A_351 = vector.shape_cast %get3A_350 : vector<1x16xi32> to vector<16xi32>
        %shift_left3A_352 = arith.constant 16 : i32
        %shift_left3A_353 = vector.broadcast %shift_left3A_352 : i32 to vector<16xi32>
        %shift_left3A_354 = arith.shli %get3A_351, %shift_left3A_353 : vector<16xi32>
        %bitcast_convert_type3A_355 = tpu.bitcast %shift_left3A_354 : vector<16xi32> -> vector<16xf32>
        %and3A_356 = arith.constant -65536 : i32
        %and3A_357 = vector.broadcast %and3A_356 : i32 to vector<16xi32>
        %and3A_358 = arith.andi %get3A_351, %and3A_357 : vector<16xi32>
        %bitcast_convert_type3A_359 = tpu.bitcast %and3A_358 : vector<16xi32> -> vector<16xf32>
        %mul3A_360 = arith.mulf %bitcast_convert_type3A_355, %broadcast_in_dim3A_323 : vector<16xf32>
        %swap3A_361 = arith.index_cast %add3A_320 : i32 to index
        %swap3A_362 = arith.constant 32 : index
        %swap3A_363 = tpu.vector_load %arg17[%swap3A_361, %swap3A_362] {strides = array<i32>} : memref<128x64xf32, #tpu.memory_space<vmem>>, vector<1x16xf32>,
        %swap3A_364 = vector.shape_cast %swap3A_363 : vector<1x16xf32> to vector<16xf32>
        %swap3A_365 = vector.shape_cast %mul3A_360 : vector<16xf32> to vector<1x16xf32>
        tpu.vector_store %arg17[%swap3A_361, %swap3A_362], %swap3A_365 {strides = array<i32>} : memref<128x64xf32, #tpu.memory_space<vmem>>, vector<1x16xf32>,
        %mul3A_366 = arith.mulf %bitcast_convert_type3A_359, %broadcast_in_dim3A_323 : vector<16xf32>
        %swap3A_367 = arith.index_cast %add3A_320 : i32 to index
        %swap3A_368 = arith.constant 48 : index
        %swap3A_369 = tpu.vector_load %arg17[%swap3A_367, %swap3A_368] {strides = array<i32>} : memref<128x64xf32, #tpu.memory_space<vmem>>, vector<1x16xf32>,
        %swap3A_370 = vector.shape_cast %swap3A_369 : vector<1x16xf32> to vector<16xf32>
        %swap3A_371 = vector.shape_cast %mul3A_366 : vector<16xf32> to vector<1x16xf32>
        tpu.vector_store %arg17[%swap3A_367, %swap3A_368], %swap3A_371 {strides = array<i32>} : memref<128x64xf32, #tpu.memory_space<vmem>>, vector<1x16xf32>,
        %add3A_372 = arith.constant 2 : i32
        %add3A_373 = arith.addi %mul3A_269, %add3A_372 : i32
        %slice3A_374 = vector.extract_strided_slice %get3A_271 {offsets = [2], sizes = [1], strides = [1]} : vector<16xf32> to vector<1xf32>
        %squeeze3A_375 = vector.extract %slice3A_374[0] : f32 from vector<1xf32>
        %broadcast_in_dim3A_376 = vector.broadcast %squeeze3A_375 : f32 to vector<16xf32>
        %get3A_377 = arith.index_cast %add3A_373 : i32 to index
        %get3A_378 = arith.constant 0 : index
        %get3A_379 = tpu.vector_load %arg15[%get3A_377, %get3A_378] {strides = array<i32>} : memref<128x32xi32, #tpu.memory_space<vmem>>, vector<1x16xi32>,
        %get3A_380 = vector.shape_cast %get3A_379 : vector<1x16xi32> to vector<16xi32>
        %shift_left3A_381 = arith.constant 16 : i32
        %shift_left3A_382 = vector.broadcast %shift_left3A_381 : i32 to vector<16xi32>
        %shift_left3A_383 = arith.shli %get3A_380, %shift_left3A_382 : vector<16xi32>
        %bitcast_convert_type3A_384 = tpu.bitcast %shift_left3A_383 : vector<16xi32> -> vector<16xf32>
        %and3A_385 = arith.constant -65536 : i32
        %and3A_386 = vector.broadcast %and3A_385 : i32 to vector<16xi32>
        %and3A_387 = arith.andi %get3A_380, %and3A_386 : vector<16xi32>
        %bitcast_convert_type3A_388 = tpu.bitcast %and3A_387 : vector<16xi32> -> vector<16xf32>
        %mul3A_389 = arith.mulf %bitcast_convert_type3A_384, %broadcast_in_dim3A_376 : vector<16xf32>
        %swap3A_390 = arith.index_cast %add3A_373 : i32 to index
        %swap3A_391 = arith.constant 0 : index
        %swap3A_392 = tpu.vector_load %arg17[%swap3A_390, %swap3A_391] {strides = array<i32>} : memref<128x64xf32, #tpu.memory_space<vmem>>, vector<1x16xf32>,
        %swap3A_393 = vector.shape_cast %swap3A_392 : vector<1x16xf32> to vector<16xf32>
        %swap3A_394 = vector.shape_cast %mul3A_389 : vector<16xf32> to vector<1x16xf32>
        tpu.vector_store %arg17[%swap3A_390, %swap3A_391], %swap3A_394 {strides = array<i32>} : memref<128x64xf32, #tpu.memory_space<vmem>>, vector<1x16xf32>,
        %mul3A_395 = arith.mulf %bitcast_convert_type3A_388, %broadcast_in_dim3A_376 : vector<16xf32>
        %swap3A_396 = arith.index_cast %add3A_373 : i32 to index
        %swap3A_397 = arith.constant 16 : index
        %swap3A_398 = tpu.vector_load %arg17[%swap3A_396, %swap3A_397] {strides = array<i32>} : memref<128x64xf32, #tpu.memory_space<vmem>>, vector<1x16xf32>,
        %swap3A_399 = vector.shape_cast %swap3A_398 : vector<1x16xf32> to vector<16xf32>
        %swap3A_400 = vector.shape_cast %mul3A_395 : vector<16xf32> to vector<1x16xf32>
        tpu.vector_store %arg17[%swap3A_396, %swap3A_397], %swap3A_400 {strides = array<i32>} : memref<128x64xf32, #tpu.memory_space<vmem>>, vector<1x16xf32>,
        %get3A_401 = arith.index_cast %add3A_373 : i32 to index
        %get3A_402 = arith.constant 16 : index
        %get3A_403 = tpu.vector_load %arg15[%get3A_401, %get3A_402] {strides = array<i32>} : memref<128x32xi32, #tpu.memory_space<vmem>>, vector<1x16xi32>,
        %get3A_404 = vector.shape_cast %get3A_403 : vector<1x16xi32> to vector<16xi32>
        %shift_left3A_405 = arith.constant 16 : i32
        %shift_left3A_406 = vector.broadcast %shift_left3A_405 : i32 to vector<16xi32>
        %shift_left3A_407 = arith.shli %get3A_404, %shift_left3A_406 : vector<16xi32>
        %bitcast_convert_type3A_408 = tpu.bitcast %shift_left3A_407 : vector<16xi32> -> vector<16xf32>
        %and3A_409 = arith.constant -65536 : i32
        %and3A_410 = vector.broadcast %and3A_409 : i32 to vector<16xi32>
        %and3A_411 = arith.andi %get3A_404, %and3A_410 : vector<16xi32>
        %bitcast_convert_type3A_412 = tpu.bitcast %and3A_411 : vector<16xi32> -> vector<16xf32>
        %mul3A_413 = arith.mulf %bitcast_convert_type3A_408, %broadcast_in_dim3A_376 : vector<16xf32>
        %swap3A_414 = arith.index_cast %add3A_373 : i32 to index
        %swap3A_415 = arith.constant 32 : index
        %swap3A_416 = tpu.vector_load %arg17[%swap3A_414, %swap3A_415] {strides = array<i32>} : memref<128x64xf32, #tpu.memory_space<vmem>>, vector<1x16xf32>,
        %swap3A_417 = vector.shape_cast %swap3A_416 : vector<1x16xf32> to vector<16xf32>
        %swap3A_418 = vector.shape_cast %mul3A_413 : vector<16xf32> to vector<1x16xf32>
        tpu.vector_store %arg17[%swap3A_414, %swap3A_415], %swap3A_418 {strides = array<i32>} : memref<128x64xf32, #tpu.memory_space<vmem>>, vector<1x16xf32>,
        %mul3A_419 = arith.mulf %bitcast_convert_type3A_412, %broadcast_in_dim3A_376 : vector<16xf32>
        %swap3A_420 = arith.index_cast %add3A_373 : i32 to index
        %swap3A_421 = arith.constant 48 : index
        %swap3A_422 = tpu.vector_load %arg17[%swap3A_420, %swap3A_421] {strides = array<i32>} : memref<128x64xf32, #tpu.memory_space<vmem>>, vector<1x16xf32>,
        %swap3A_423 = vector.shape_cast %swap3A_422 : vector<1x16xf32> to vector<16xf32>
        %swap3A_424 = vector.shape_cast %mul3A_419 : vector<16xf32> to vector<1x16xf32>
        tpu.vector_store %arg17[%swap3A_420, %swap3A_421], %swap3A_424 {strides = array<i32>} : memref<128x64xf32, #tpu.memory_space<vmem>>, vector<1x16xf32>,
        %add3A_425 = arith.constant 3 : i32
        %add3A_426 = arith.addi %mul3A_269, %add3A_425 : i32
        %slice3A_427 = vector.extract_strided_slice %get3A_271 {offsets = [3], sizes = [1], strides = [1]} : vector<16xf32> to vector<1xf32>
        %squeeze3A_428 = vector.extract %slice3A_427[0] : f32 from vector<1xf32>
        %broadcast_in_dim3A_429 = vector.broadcast %squeeze3A_428 : f32 to vector<16xf32>
        %get3A_430 = arith.index_cast %add3A_426 : i32 to index
        %get3A_431 = arith.constant 0 : index
        %get3A_432 = tpu.vector_load %arg15[%get3A_430, %get3A_431] {strides = array<i32>} : memref<128x32xi32, #tpu.memory_space<vmem>>, vector<1x16xi32>,
        %get3A_433 = vector.shape_cast %get3A_432 : vector<1x16xi32> to vector<16xi32>
        %shift_left3A_434 = arith.constant 16 : i32
        %shift_left3A_435 = vector.broadcast %shift_left3A_434 : i32 to vector<16xi32>
        %shift_left3A_436 = arith.shli %get3A_433, %shift_left3A_435 : vector<16xi32>
        %bitcast_convert_type3A_437 = tpu.bitcast %shift_left3A_436 : vector<16xi32> -> vector<16xf32>
        %and3A_438 = arith.constant -65536 : i32
        %and3A_439 = vector.broadcast %and3A_438 : i32 to vector<16xi32>
        %and3A_440 = arith.andi %get3A_433, %and3A_439 : vector<16xi32>
        %bitcast_convert_type3A_441 = tpu.bitcast %and3A_440 : vector<16xi32> -> vector<16xf32>
        %mul3A_442 = arith.mulf %bitcast_convert_type3A_437, %broadcast_in_dim3A_429 : vector<16xf32>
        %swap3A_443 = arith.index_cast %add3A_426 : i32 to index
        %swap3A_444 = arith.constant 0 : index
        %swap3A_445 = tpu.vector_load %arg17[%swap3A_443, %swap3A_444] {strides = array<i32>} : memref<128x64xf32, #tpu.memory_space<vmem>>, vector<1x16xf32>,
        %swap3A_446 = vector.shape_cast %swap3A_445 : vector<1x16xf32> to vector<16xf32>
        %swap3A_447 = vector.shape_cast %mul3A_442 : vector<16xf32> to vector<1x16xf32>
        tpu.vector_store %arg17[%swap3A_443, %swap3A_444], %swap3A_447 {strides = array<i32>} : memref<128x64xf32, #tpu.memory_space<vmem>>, vector<1x16xf32>,
        %mul3A_448 = arith.mulf %bitcast_convert_type3A_441, %broadcast_in_dim3A_429 : vector<16xf32>
        %swap3A_449 = arith.index_cast %add3A_426 : i32 to index
        %swap3A_450 = arith.constant 16 : index
        %swap3A_451 = tpu.vector_load %arg17[%swap3A_449, %swap3A_450] {strides = array<i32>} : memref<128x64xf32, #tpu.memory_space<vmem>>, vector<1x16xf32>,
        %swap3A_452 = vector.shape_cast %swap3A_451 : vector<1x16xf32> to vector<16xf32>
        %swap3A_453 = vector.shape_cast %mul3A_448 : vector<16xf32> to vector<1x16xf32>
        tpu.vector_store %arg17[%swap3A_449, %swap3A_450], %swap3A_453 {strides = array<i32>} : memref<128x64xf32, #tpu.memory_space<vmem>>, vector<1x16xf32>,
        %get3A_454 = arith.index_cast %add3A_426 : i32 to index
        %get3A_455 = arith.constant 16 : index
        %get3A_456 = tpu.vector_load %arg15[%get3A_454, %get3A_455] {strides = array<i32>} : memref<128x32xi32, #tpu.memory_space<vmem>>, vector<1x16xi32>,
        %get3A_457 = vector.shape_cast %get3A_456 : vector<1x16xi32> to vector<16xi32>
        %shift_left3A_458 = arith.constant 16 : i32
        %shift_left3A_459 = vector.broadcast %shift_left3A_458 : i32 to vector<16xi32>
        %shift_left3A_460 = arith.shli %get3A_457, %shift_left3A_459 : vector<16xi32>
        %bitcast_convert_type3A_461 = tpu.bitcast %shift_left3A_460 : vector<16xi32> -> vector<16xf32>
        %and3A_462 = arith.constant -65536 : i32
        %and3A_463 = vector.broadcast %and3A_462 : i32 to vector<16xi32>
        %and3A_464 = arith.andi %get3A_457, %and3A_463 : vector<16xi32>
        %bitcast_convert_type3A_465 = tpu.bitcast %and3A_464 : vector<16xi32> -> vector<16xf32>
        %mul3A_466 = arith.mulf %bitcast_convert_type3A_461, %broadcast_in_dim3A_429 : vector<16xf32>
        %swap3A_467 = arith.index_cast %add3A_426 : i32 to index
        %swap3A_468 = arith.constant 32 : index
        %swap3A_469 = tpu.vector_load %arg17[%swap3A_467, %swap3A_468] {strides = array<i32>} : memref<128x64xf32, #tpu.memory_space<vmem>>, vector<1x16xf32>,
        %swap3A_470 = vector.shape_cast %swap3A_469 : vector<1x16xf32> to vector<16xf32>
        %swap3A_471 = vector.shape_cast %mul3A_466 : vector<16xf32> to vector<1x16xf32>
        tpu.vector_store %arg17[%swap3A_467, %swap3A_468], %swap3A_471 {strides = array<i32>} : memref<128x64xf32, #tpu.memory_space<vmem>>, vector<1x16xf32>,
        %mul3A_472 = arith.mulf %bitcast_convert_type3A_465, %broadcast_in_dim3A_429 : vector<16xf32>
        %swap3A_473 = arith.index_cast %add3A_426 : i32 to index
        %swap3A_474 = arith.constant 48 : index
        %swap3A_475 = tpu.vector_load %arg17[%swap3A_473, %swap3A_474] {strides = array<i32>} : memref<128x64xf32, #tpu.memory_space<vmem>>, vector<1x16xf32>,
        %swap3A_476 = vector.shape_cast %swap3A_475 : vector<1x16xf32> to vector<16xf32>
        %swap3A_477 = vector.shape_cast %mul3A_472 : vector<16xf32> to vector<1x16xf32>
        tpu.vector_store %arg17[%swap3A_473, %swap3A_474], %swap3A_477 {strides = array<i32>} : memref<128x64xf32, #tpu.memory_space<vmem>>, vector<1x16xf32>,
        %add3A_478 = arith.constant 4 : i32
        %add3A_479 = arith.addi %mul3A_269, %add3A_478 : i32
        %slice3A_480 = vector.extract_strided_slice %get3A_271 {offsets = [4], sizes = [1], strides = [1]} : vector<16xf32> to vector<1xf32>
        %squeeze3A_481 = vector.extract %slice3A_480[0] : f32 from vector<1xf32>
        %broadcast_in_dim3A_482 = vector.broadcast %squeeze3A_481 : f32 to vector<16xf32>
        %get3A_483 = arith.index_cast %add3A_479 : i32 to index
        %get3A_484 = arith.constant 0 : index
        %get3A_485 = tpu.vector_load %arg15[%get3A_483, %get3A_484] {strides = array<i32>} : memref<128x32xi32, #tpu.memory_space<vmem>>, vector<1x16xi32>,
        %get3A_486 = vector.shape_cast %get3A_485 : vector<1x16xi32> to vector<16xi32>
        %shift_left3A_487 = arith.constant 16 : i32
        %shift_left3A_488 = vector.broadcast %shift_left3A_487 : i32 to vector<16xi32>
        %shift_left3A_489 = arith.shli %get3A_486, %shift_left3A_488 : vector<16xi32>
        %bitcast_convert_type3A_490 = tpu.bitcast %shift_left3A_489 : vector<16xi32> -> vector<16xf32>
        %and3A_491 = arith.constant -65536 : i32
        %and3A_492 = vector.broadcast %and3A_491 : i32 to vector<16xi32>
        %and3A_493 = arith.andi %get3A_486, %and3A_492 : vector<16xi32>
        %bitcast_convert_type3A_494 = tpu.bitcast %and3A_493 : vector<16xi32> -> vector<16xf32>
        %mul3A_495 = arith.mulf %bitcast_convert_type3A_490, %broadcast_in_dim3A_482 : vector<16xf32>
        %swap3A_496 = arith.index_cast %add3A_479 : i32 to index
        %swap3A_497 = arith.constant 0 : index
        %swap3A_498 = tpu.vector_load %arg17[%swap3A_496, %swap3A_497] {strides = array<i32>} : memref<128x64xf32, #tpu.memory_space<vmem>>, vector<1x16xf32>,
        %swap3A_499 = vector.shape_cast %swap3A_498 : vector<1x16xf32> to vector<16xf32>
        %swap3A_500 = vector.shape_cast %mul3A_495 : vector<16xf32> to vector<1x16xf32>
        tpu.vector_store %arg17[%swap3A_496, %swap3A_497], %swap3A_500 {strides = array<i32>} : memref<128x64xf32, #tpu.memory_space<vmem>>, vector<1x16xf32>,
        %mul3A_501 = arith.mulf %bitcast_convert_type3A_494, %broadcast_in_dim3A_482 : vector<16xf32>
        %swap3A_502 = arith.index_cast %add3A_479 : i32 to index
        %swap3A_503 = arith.constant 16 : index
        %swap3A_504 = tpu.vector_load %arg17[%swap3A_502, %swap3A_503] {strides = array<i32>} : memref<128x64xf32, #tpu.memory_space<vmem>>, vector<1x16xf32>,
        %swap3A_505 = vector.shape_cast %swap3A_504 : vector<1x16xf32> to vector<16xf32>
        %swap3A_506 = vector.shape_cast %mul3A_501 : vector<16xf32> to vector<1x16xf32>
        tpu.vector_store %arg17[%swap3A_502, %swap3A_503], %swap3A_506 {strides = array<i32>} : memref<128x64xf32, #tpu.memory_space<vmem>>, vector<1x16xf32>,
        %get3A_507 = arith.index_cast %add3A_479 : i32 to index
        %get3A_508 = arith.constant 16 : index
        %get3A_509 = tpu.vector_load %arg15[%get3A_507, %get3A_508] {strides = array<i32>} : memref<128x32xi32, #tpu.memory_space<vmem>>, vector<1x16xi32>,
        %get3A_510 = vector.shape_cast %get3A_509 : vector<1x16xi32> to vector<16xi32>
        %shift_left3A_511 = arith.constant 16 : i32
        %shift_left3A_512 = vector.broadcast %shift_left3A_511 : i32 to vector<16xi32>
        %shift_left3A_513 = arith.shli %get3A_510, %shift_left3A_512 : vector<16xi32>
        %bitcast_convert_type3A_514 = tpu.bitcast %shift_left3A_513 : vector<16xi32> -> vector<16xf32>
        %and3A_515 = arith.constant -65536 : i32
        %and3A_516 = vector.broadcast %and3A_515 : i32 to vector<16xi32>
        %and3A_517 = arith.andi %get3A_510, %and3A_516 : vector<16xi32>
        %bitcast_convert_type3A_518 = tpu.bitcast %and3A_517 : vector<16xi32> -> vector<16xf32>
        %mul3A_519 = arith.mulf %bitcast_convert_type3A_514, %broadcast_in_dim3A_482 : vector<16xf32>
        %swap3A_520 = arith.index_cast %add3A_479 : i32 to index
        %swap3A_521 = arith.constant 32 : index
        %swap3A_522 = tpu.vector_load %arg17[%swap3A_520, %swap3A_521] {strides = array<i32>} : memref<128x64xf32, #tpu.memory_space<vmem>>, vector<1x16xf32>,
        %swap3A_523 = vector.shape_cast %swap3A_522 : vector<1x16xf32> to vector<16xf32>
        %swap3A_524 = vector.shape_cast %mul3A_519 : vector<16xf32> to vector<1x16xf32>
        tpu.vector_store %arg17[%swap3A_520, %swap3A_521], %swap3A_524 {strides = array<i32>} : memref<128x64xf32, #tpu.memory_space<vmem>>, vector<1x16xf32>,
        %mul3A_525 = arith.mulf %bitcast_convert_type3A_518, %broadcast_in_dim3A_482 : vector<16xf32>
        %swap3A_526 = arith.index_cast %add3A_479 : i32 to index
        %swap3A_527 = arith.constant 48 : index
        %swap3A_528 = tpu.vector_load %arg17[%swap3A_526, %swap3A_527] {strides = array<i32>} : memref<128x64xf32, #tpu.memory_space<vmem>>, vector<1x16xf32>,
        %swap3A_529 = vector.shape_cast %swap3A_528 : vector<1x16xf32> to vector<16xf32>
        %swap3A_530 = vector.shape_cast %mul3A_525 : vector<16xf32> to vector<1x16xf32>
        tpu.vector_store %arg17[%swap3A_526, %swap3A_527], %swap3A_530 {strides = array<i32>} : memref<128x64xf32, #tpu.memory_space<vmem>>, vector<1x16xf32>,
        %add3A_531 = arith.constant 5 : i32
        %add3A_532 = arith.addi %mul3A_269, %add3A_531 : i32
        %slice3A_533 = vector.extract_strided_slice %get3A_271 {offsets = [5], sizes = [1], strides = [1]} : vector<16xf32> to vector<1xf32>
        %squeeze3A_534 = vector.extract %slice3A_533[0] : f32 from vector<1xf32>
        %broadcast_in_dim3A_535 = vector.broadcast %squeeze3A_534 : f32 to vector<16xf32>
        %get3A_536 = arith.index_cast %add3A_532 : i32 to index
        %get3A_537 = arith.constant 0 : index
        %get3A_538 = tpu.vector_load %arg15[%get3A_536, %get3A_537] {strides = array<i32>} : memref<128x32xi32, #tpu.memory_space<vmem>>, vector<1x16xi32>,
        %get3A_539 = vector.shape_cast %get3A_538 : vector<1x16xi32> to vector<16xi32>
        %shift_left3A_540 = arith.constant 16 : i32
        %shift_left3A_541 = vector.broadcast %shift_left3A_540 : i32 to vector<16xi32>
        %shift_left3A_542 = arith.shli %get3A_539, %shift_left3A_541 : vector<16xi32>
        %bitcast_convert_type3A_543 = tpu.bitcast %shift_left3A_542 : vector<16xi32> -> vector<16xf32>
        %and3A_544 = arith.constant -65536 : i32
        %and3A_545 = vector.broadcast %and3A_544 : i32 to vector<16xi32>
        %and3A_546 = arith.andi %get3A_539, %and3A_545 : vector<16xi32>
        %bitcast_convert_type3A_547 = tpu.bitcast %and3A_546 : vector<16xi32> -> vector<16xf32>
        %mul3A_548 = arith.mulf %bitcast_convert_type3A_543, %broadcast_in_dim3A_535 : vector<16xf32>
        %swap3A_549 = arith.index_cast %add3A_532 : i32 to index
        %swap3A_550 = arith.constant 0 : index
        %swap3A_551 = tpu.vector_load %arg17[%swap3A_549, %swap3A_550] {strides = array<i32>} : memref<128x64xf32, #tpu.memory_space<vmem>>, vector<1x16xf32>,
        %swap3A_552 = vector.shape_cast %swap3A_551 : vector<1x16xf32> to vector<16xf32>
        %swap3A_553 = vector.shape_cast %mul3A_548 : vector<16xf32> to vector<1x16xf32>
        tpu.vector_store %arg17[%swap3A_549, %swap3A_550], %swap3A_553 {strides = array<i32>} : memref<128x64xf32, #tpu.memory_space<vmem>>, vector<1x16xf32>,
        %mul3A_554 = arith.mulf %bitcast_convert_type3A_547, %broadcast_in_dim3A_535 : vector<16xf32>
        %swap3A_555 = arith.index_cast %add3A_532 : i32 to index
        %swap3A_556 = arith.constant 16 : index
        %swap3A_557 = tpu.vector_load %arg17[%swap3A_555, %swap3A_556] {strides = array<i32>} : memref<128x64xf32, #tpu.memory_space<vmem>>, vector<1x16xf32>,
        %swap3A_558 = vector.shape_cast %swap3A_557 : vector<1x16xf32> to vector<16xf32>
        %swap3A_559 = vector.shape_cast %mul3A_554 : vector<16xf32> to vector<1x16xf32>
        tpu.vector_store %arg17[%swap3A_555, %swap3A_556], %swap3A_559 {strides = array<i32>} : memref<128x64xf32, #tpu.memory_space<vmem>>, vector<1x16xf32>,
        %get3A_560 = arith.index_cast %add3A_532 : i32 to index
        %get3A_561 = arith.constant 16 : index
        %get3A_562 = tpu.vector_load %arg15[%get3A_560, %get3A_561] {strides = array<i32>} : memref<128x32xi32, #tpu.memory_space<vmem>>, vector<1x16xi32>,
        %get3A_563 = vector.shape_cast %get3A_562 : vector<1x16xi32> to vector<16xi32>
        %shift_left3A_564 = arith.constant 16 : i32
        %shift_left3A_565 = vector.broadcast %shift_left3A_564 : i32 to vector<16xi32>
        %shift_left3A_566 = arith.shli %get3A_563, %shift_left3A_565 : vector<16xi32>
        %bitcast_convert_type3A_567 = tpu.bitcast %shift_left3A_566 : vector<16xi32> -> vector<16xf32>
        %and3A_568 = arith.constant -65536 : i32
        %and3A_569 = vector.broadcast %and3A_568 : i32 to vector<16xi32>
        %and3A_570 = arith.andi %get3A_563, %and3A_569 : vector<16xi32>
        %bitcast_convert_type3A_571 = tpu.bitcast %and3A_570 : vector<16xi32> -> vector<16xf32>
        %mul3A_572 = arith.mulf %bitcast_convert_type3A_567, %broadcast_in_dim3A_535 : vector<16xf32>
        %swap3A_573 = arith.index_cast %add3A_532 : i32 to index
        %swap3A_574 = arith.constant 32 : index
        %swap3A_575 = tpu.vector_load %arg17[%swap3A_573, %swap3A_574] {strides = array<i32>} : memref<128x64xf32, #tpu.memory_space<vmem>>, vector<1x16xf32>,
        %swap3A_576 = vector.shape_cast %swap3A_575 : vector<1x16xf32> to vector<16xf32>
        %swap3A_577 = vector.shape_cast %mul3A_572 : vector<16xf32> to vector<1x16xf32>
        tpu.vector_store %arg17[%swap3A_573, %swap3A_574], %swap3A_577 {strides = array<i32>} : memref<128x64xf32, #tpu.memory_space<vmem>>, vector<1x16xf32>,
        %mul3A_578 = arith.mulf %bitcast_convert_type3A_571, %broadcast_in_dim3A_535 : vector<16xf32>
        %swap3A_579 = arith.index_cast %add3A_532 : i32 to index
        %swap3A_580 = arith.constant 48 : index
        %swap3A_581 = tpu.vector_load %arg17[%swap3A_579, %swap3A_580] {strides = array<i32>} : memref<128x64xf32, #tpu.memory_space<vmem>>, vector<1x16xf32>,
        %swap3A_582 = vector.shape_cast %swap3A_581 : vector<1x16xf32> to vector<16xf32>
        %swap3A_583 = vector.shape_cast %mul3A_578 : vector<16xf32> to vector<1x16xf32>
        tpu.vector_store %arg17[%swap3A_579, %swap3A_580], %swap3A_583 {strides = array<i32>} : memref<128x64xf32, #tpu.memory_space<vmem>>, vector<1x16xf32>,
        %add3A_584 = arith.constant 6 : i32
        %add3A_585 = arith.addi %mul3A_269, %add3A_584 : i32
        %slice3A_586 = vector.extract_strided_slice %get3A_271 {offsets = [6], sizes = [1], strides = [1]} : vector<16xf32> to vector<1xf32>
        %squeeze3A_587 = vector.extract %slice3A_586[0] : f32 from vector<1xf32>
        %broadcast_in_dim3A_588 = vector.broadcast %squeeze3A_587 : f32 to vector<16xf32>
        %get3A_589 = arith.index_cast %add3A_585 : i32 to index
        %get3A_590 = arith.constant 0 : index
        %get3A_591 = tpu.vector_load %arg15[%get3A_589, %get3A_590] {strides = array<i32>} : memref<128x32xi32, #tpu.memory_space<vmem>>, vector<1x16xi32>,
        %get3A_592 = vector.shape_cast %get3A_591 : vector<1x16xi32> to vector<16xi32>
        %shift_left3A_593 = arith.constant 16 : i32
        %shift_left3A_594 = vector.broadcast %shift_left3A_593 : i32 to vector<16xi32>
        %shift_left3A_595 = arith.shli %get3A_592, %shift_left3A_594 : vector<16xi32>
        %bitcast_convert_type3A_596 = tpu.bitcast %shift_left3A_595 : vector<16xi32> -> vector<16xf32>
        %and3A_597 = arith.constant -65536 : i32
        %and3A_598 = vector.broadcast %and3A_597 : i32 to vector<16xi32>
        %and3A_599 = arith.andi %get3A_592, %and3A_598 : vector<16xi32>
        %bitcast_convert_type3A_600 = tpu.bitcast %and3A_599 : vector<16xi32> -> vector<16xf32>
        %mul3A_601 = arith.mulf %bitcast_convert_type3A_596, %broadcast_in_dim3A_588 : vector<16xf32>
        %swap3A_602 = arith.index_cast %add3A_585 : i32 to index
        %swap3A_603 = arith.constant 0 : index
        %swap3A_604 = tpu.vector_load %arg17[%swap3A_602, %swap3A_603] {strides = array<i32>} : memref<128x64xf32, #tpu.memory_space<vmem>>, vector<1x16xf32>,
        %swap3A_605 = vector.shape_cast %swap3A_604 : vector<1x16xf32> to vector<16xf32>
        %swap3A_606 = vector.shape_cast %mul3A_601 : vector<16xf32> to vector<1x16xf32>
        tpu.vector_store %arg17[%swap3A_602, %swap3A_603], %swap3A_606 {strides = array<i32>} : memref<128x64xf32, #tpu.memory_space<vmem>>, vector<1x16xf32>,
        %mul3A_607 = arith.mulf %bitcast_convert_type3A_600, %broadcast_in_dim3A_588 : vector<16xf32>
        %swap3A_608 = arith.index_cast %add3A_585 : i32 to index
        %swap3A_609 = arith.constant 16 : index
        %swap3A_610 = tpu.vector_load %arg17[%swap3A_608, %swap3A_609] {strides = array<i32>} : memref<128x64xf32, #tpu.memory_space<vmem>>, vector<1x16xf32>,
        %swap3A_611 = vector.shape_cast %swap3A_610 : vector<1x16xf32> to vector<16xf32>
        %swap3A_612 = vector.shape_cast %mul3A_607 : vector<16xf32> to vector<1x16xf32>
        tpu.vector_store %arg17[%swap3A_608, %swap3A_609], %swap3A_612 {strides = array<i32>} : memref<128x64xf32, #tpu.memory_space<vmem>>, vector<1x16xf32>,
        %get3A_613 = arith.index_cast %add3A_585 : i32 to index
        %get3A_614 = arith.constant 16 : index
        %get3A_615 = tpu.vector_load %arg15[%get3A_613, %get3A_614] {strides = array<i32>} : memref<128x32xi32, #tpu.memory_space<vmem>>, vector<1x16xi32>,
        %get3A_616 = vector.shape_cast %get3A_615 : vector<1x16xi32> to vector<16xi32>
        %shift_left3A_617 = arith.constant 16 : i32
        %shift_left3A_618 = vector.broadcast %shift_left3A_617 : i32 to vector<16xi32>
        %shift_left3A_619 = arith.shli %get3A_616, %shift_left3A_618 : vector<16xi32>
        %bitcast_convert_type3A_620 = tpu.bitcast %shift_left3A_619 : vector<16xi32> -> vector<16xf32>
        %and3A_621 = arith.constant -65536 : i32
        %and3A_622 = vector.broadcast %and3A_621 : i32 to vector<16xi32>
        %and3A_623 = arith.andi %get3A_616, %and3A_622 : vector<16xi32>
        %bitcast_convert_type3A_624 = tpu.bitcast %and3A_623 : vector<16xi32> -> vector<16xf32>
        %mul3A_625 = arith.mulf %bitcast_convert_type3A_620, %broadcast_in_dim3A_588 : vector<16xf32>
        %swap3A_626 = arith.index_cast %add3A_585 : i32 to index
        %swap3A_627 = arith.constant 32 : index
        %swap3A_628 = tpu.vector_load %arg17[%swap3A_626, %swap3A_627] {strides = array<i32>} : memref<128x64xf32, #tpu.memory_space<vmem>>, vector<1x16xf32>,
        %swap3A_629 = vector.shape_cast %swap3A_628 : vector<1x16xf32> to vector<16xf32>
        %swap3A_630 = vector.shape_cast %mul3A_625 : vector<16xf32> to vector<1x16xf32>
        tpu.vector_store %arg17[%swap3A_626, %swap3A_627], %swap3A_630 {strides = array<i32>} : memref<128x64xf32, #tpu.memory_space<vmem>>, vector<1x16xf32>,
        %mul3A_631 = arith.mulf %bitcast_convert_type3A_624, %broadcast_in_dim3A_588 : vector<16xf32>
        %swap3A_632 = arith.index_cast %add3A_585 : i32 to index
        %swap3A_633 = arith.constant 48 : index
        %swap3A_634 = tpu.vector_load %arg17[%swap3A_632, %swap3A_633] {strides = array<i32>} : memref<128x64xf32, #tpu.memory_space<vmem>>, vector<1x16xf32>,
        %swap3A_635 = vector.shape_cast %swap3A_634 : vector<1x16xf32> to vector<16xf32>
        %swap3A_636 = vector.shape_cast %mul3A_631 : vector<16xf32> to vector<1x16xf32>
        tpu.vector_store %arg17[%swap3A_632, %swap3A_633], %swap3A_636 {strides = array<i32>} : memref<128x64xf32, #tpu.memory_space<vmem>>, vector<1x16xf32>,
        %add3A_637 = arith.constant 7 : i32
        %add3A_638 = arith.addi %mul3A_269, %add3A_637 : i32
        %slice3A_639 = vector.extract_strided_slice %get3A_271 {offsets = [7], sizes = [1], strides = [1]} : vector<16xf32> to vector<1xf32>
        %squeeze3A_640 = vector.extract %slice3A_639[0] : f32 from vector<1xf32>
        %broadcast_in_dim3A_641 = vector.broadcast %squeeze3A_640 : f32 to vector<16xf32>
        %get3A_642 = arith.index_cast %add3A_638 : i32 to index
        %get3A_643 = arith.constant 0 : index
        %get3A_644 = tpu.vector_load %arg15[%get3A_642, %get3A_643] {strides = array<i32>} : memref<128x32xi32, #tpu.memory_space<vmem>>, vector<1x16xi32>,
        %get3A_645 = vector.shape_cast %get3A_644 : vector<1x16xi32> to vector<16xi32>
        %shift_left3A_646 = arith.constant 16 : i32
        %shift_left3A_647 = vector.broadcast %shift_left3A_646 : i32 to vector<16xi32>
        %shift_left3A_648 = arith.shli %get3A_645, %shift_left3A_647 : vector<16xi32>
        %bitcast_convert_type3A_649 = tpu.bitcast %shift_left3A_648 : vector<16xi32> -> vector<16xf32>
        %and3A_650 = arith.constant -65536 : i32
        %and3A_651 = vector.broadcast %and3A_650 : i32 to vector<16xi32>
        %and3A_652 = arith.andi %get3A_645, %and3A_651 : vector<16xi32>
        %bitcast_convert_type3A_653 = tpu.bitcast %and3A_652 : vector<16xi32> -> vector<16xf32>
        %mul3A_654 = arith.mulf %bitcast_convert_type3A_649, %broadcast_in_dim3A_641 : vector<16xf32>
        %swap3A_655 = arith.index_cast %add3A_638 : i32 to index
        %swap3A_656 = arith.constant 0 : index
        %swap3A_657 = tpu.vector_load %arg17[%swap3A_655, %swap3A_656] {strides = array<i32>} : memref<128x64xf32, #tpu.memory_space<vmem>>, vector<1x16xf32>,
        %swap3A_658 = vector.shape_cast %swap3A_657 : vector<1x16xf32> to vector<16xf32>
        %swap3A_659 = vector.shape_cast %mul3A_654 : vector<16xf32> to vector<1x16xf32>
        tpu.vector_store %arg17[%swap3A_655, %swap3A_656], %swap3A_659 {strides = array<i32>} : memref<128x64xf32, #tpu.memory_space<vmem>>, vector<1x16xf32>,
        %mul3A_660 = arith.mulf %bitcast_convert_type3A_653, %broadcast_in_dim3A_641 : vector<16xf32>
        %swap3A_661 = arith.index_cast %add3A_638 : i32 to index
        %swap3A_662 = arith.constant 16 : index
        %swap3A_663 = tpu.vector_load %arg17[%swap3A_661, %swap3A_662] {strides = array<i32>} : memref<128x64xf32, #tpu.memory_space<vmem>>, vector<1x16xf32>,
        %swap3A_664 = vector.shape_cast %swap3A_663 : vector<1x16xf32> to vector<16xf32>
        %swap3A_665 = vector.shape_cast %mul3A_660 : vector<16xf32> to vector<1x16xf32>
        tpu.vector_store %arg17[%swap3A_661, %swap3A_662], %swap3A_665 {strides = array<i32>} : memref<128x64xf32, #tpu.memory_space<vmem>>, vector<1x16xf32>,
        %get3A_666 = arith.index_cast %add3A_638 : i32 to index
        %get3A_667 = arith.constant 16 : index
        %get3A_668 = tpu.vector_load %arg15[%get3A_666, %get3A_667] {strides = array<i32>} : memref<128x32xi32, #tpu.memory_space<vmem>>, vector<1x16xi32>,
        %get3A_669 = vector.shape_cast %get3A_668 : vector<1x16xi32> to vector<16xi32>
        %shift_left3A_670 = arith.constant 16 : i32
        %shift_left3A_671 = vector.broadcast %shift_left3A_670 : i32 to vector<16xi32>
        %shift_left3A_672 = arith.shli %get3A_669, %shift_left3A_671 : vector<16xi32>
        %bitcast_convert_type3A_673 = tpu.bitcast %shift_left3A_672 : vector<16xi32> -> vector<16xf32>
        %and3A_674 = arith.constant -65536 : i32
        %and3A_675 = vector.broadcast %and3A_674 : i32 to vector<16xi32>
        %and3A_676 = arith.andi %get3A_669, %and3A_675 : vector<16xi32>
        %bitcast_convert_type3A_677 = tpu.bitcast %and3A_676 : vector<16xi32> -> vector<16xf32>
        %mul3A_678 = arith.mulf %bitcast_convert_type3A_673, %broadcast_in_dim3A_641 : vector<16xf32>
        %swap3A_679 = arith.index_cast %add3A_638 : i32 to index
        %swap3A_680 = arith.constant 32 : index
        %swap3A_681 = tpu.vector_load %arg17[%swap3A_679, %swap3A_680] {strides = array<i32>} : memref<128x64xf32, #tpu.memory_space<vmem>>, vector<1x16xf32>,
        %swap3A_682 = vector.shape_cast %swap3A_681 : vector<1x16xf32> to vector<16xf32>
        %swap3A_683 = vector.shape_cast %mul3A_678 : vector<16xf32> to vector<1x16xf32>
        tpu.vector_store %arg17[%swap3A_679, %swap3A_680], %swap3A_683 {strides = array<i32>} : memref<128x64xf32, #tpu.memory_space<vmem>>, vector<1x16xf32>,
        %mul3A_684 = arith.mulf %bitcast_convert_type3A_677, %broadcast_in_dim3A_641 : vector<16xf32>
        %swap3A_685 = arith.index_cast %add3A_638 : i32 to index
        %swap3A_686 = arith.constant 48 : index
        %swap3A_687 = tpu.vector_load %arg17[%swap3A_685, %swap3A_686] {strides = array<i32>} : memref<128x64xf32, #tpu.memory_space<vmem>>, vector<1x16xf32>,
        %swap3A_688 = vector.shape_cast %swap3A_687 : vector<1x16xf32> to vector<16xf32>
        %swap3A_689 = vector.shape_cast %mul3A_684 : vector<16xf32> to vector<1x16xf32>
        tpu.vector_store %arg17[%swap3A_685, %swap3A_686], %swap3A_689 {strides = array<i32>} : memref<128x64xf32, #tpu.memory_space<vmem>>, vector<1x16xf32>,
        %add3A_690 = arith.constant 8 : i32
        %add3A_691 = arith.addi %mul3A_269, %add3A_690 : i32
        %slice3A_692 = vector.extract_strided_slice %get3A_271 {offsets = [8], sizes = [1], strides = [1]} : vector<16xf32> to vector<1xf32>
        %squeeze3A_693 = vector.extract %slice3A_692[0] : f32 from vector<1xf32>
        %broadcast_in_dim3A_694 = vector.broadcast %squeeze3A_693 : f32 to vector<16xf32>
        %get3A_695 = arith.index_cast %add3A_691 : i32 to index
        %get3A_696 = arith.constant 0 : index
        %get3A_697 = tpu.vector_load %arg15[%get3A_695, %get3A_696] {strides = array<i32>} : memref<128x32xi32, #tpu.memory_space<vmem>>, vector<1x16xi32>,
        %get3A_698 = vector.shape_cast %get3A_697 : vector<1x16xi32> to vector<16xi32>
        %shift_left3A_699 = arith.constant 16 : i32
        %shift_left3A_700 = vector.broadcast %shift_left3A_699 : i32 to vector<16xi32>
        %shift_left3A_701 = arith.shli %get3A_698, %shift_left3A_700 : vector<16xi32>
        %bitcast_convert_type3A_702 = tpu.bitcast %shift_left3A_701 : vector<16xi32> -> vector<16xf32>
        %and3A_703 = arith.constant -65536 : i32
        %and3A_704 = vector.broadcast %and3A_703 : i32 to vector<16xi32>
        %and3A_705 = arith.andi %get3A_698, %and3A_704 : vector<16xi32>
        %bitcast_convert_type3A_706 = tpu.bitcast %and3A_705 : vector<16xi32> -> vector<16xf32>
        %mul3A_707 = arith.mulf %bitcast_convert_type3A_702, %broadcast_in_dim3A_694 : vector<16xf32>
        %swap3A_708 = arith.index_cast %add3A_691 : i32 to index
        %swap3A_709 = arith.constant 0 : index
        %swap3A_710 = tpu.vector_load %arg17[%swap3A_708, %swap3A_709] {strides = array<i32>} : memref<128x64xf32, #tpu.memory_space<vmem>>, vector<1x16xf32>,
        %swap3A_711 = vector.shape_cast %swap3A_710 : vector<1x16xf32> to vector<16xf32>
        %swap3A_712 = vector.shape_cast %mul3A_707 : vector<16xf32> to vector<1x16xf32>
        tpu.vector_store %arg17[%swap3A_708, %swap3A_709], %swap3A_712 {strides = array<i32>} : memref<128x64xf32, #tpu.memory_space<vmem>>, vector<1x16xf32>,
        %mul3A_713 = arith.mulf %bitcast_convert_type3A_706, %broadcast_in_dim3A_694 : vector<16xf32>
        %swap3A_714 = arith.index_cast %add3A_691 : i32 to index
        %swap3A_715 = arith.constant 16 : index
        %swap3A_716 = tpu.vector_load %arg17[%swap3A_714, %swap3A_715] {strides = array<i32>} : memref<128x64xf32, #tpu.memory_space<vmem>>, vector<1x16xf32>,
        %swap3A_717 = vector.shape_cast %swap3A_716 : vector<1x16xf32> to vector<16xf32>
        %swap3A_718 = vector.shape_cast %mul3A_713 : vector<16xf32> to vector<1x16xf32>
        tpu.vector_store %arg17[%swap3A_714, %swap3A_715], %swap3A_718 {strides = array<i32>} : memref<128x64xf32, #tpu.memory_space<vmem>>, vector<1x16xf32>,
        %get3A_719 = arith.index_cast %add3A_691 : i32 to index
        %get3A_720 = arith.constant 16 : index
        %get3A_721 = tpu.vector_load %arg15[%get3A_719, %get3A_720] {strides = array<i32>} : memref<128x32xi32, #tpu.memory_space<vmem>>, vector<1x16xi32>,
        %get3A_722 = vector.shape_cast %get3A_721 : vector<1x16xi32> to vector<16xi32>
        %shift_left3A_723 = arith.constant 16 : i32
        %shift_left3A_724 = vector.broadcast %shift_left3A_723 : i32 to vector<16xi32>
        %shift_left3A_725 = arith.shli %get3A_722, %shift_left3A_724 : vector<16xi32>
        %bitcast_convert_type3A_726 = tpu.bitcast %shift_left3A_725 : vector<16xi32> -> vector<16xf32>
        %and3A_727 = arith.constant -65536 : i32
        %and3A_728 = vector.broadcast %and3A_727 : i32 to vector<16xi32>
        %and3A_729 = arith.andi %get3A_722, %and3A_728 : vector<16xi32>
        %bitcast_convert_type3A_730 = tpu.bitcast %and3A_729 : vector<16xi32> -> vector<16xf32>
        %mul3A_731 = arith.mulf %bitcast_convert_type3A_726, %broadcast_in_dim3A_694 : vector<16xf32>
        %swap3A_732 = arith.index_cast %add3A_691 : i32 to index
        %swap3A_733 = arith.constant 32 : index
        %swap3A_734 = tpu.vector_load %arg17[%swap3A_732, %swap3A_733] {strides = array<i32>} : memref<128x64xf32, #tpu.memory_space<vmem>>, vector<1x16xf32>,
        %swap3A_735 = vector.shape_cast %swap3A_734 : vector<1x16xf32> to vector<16xf32>
        %swap3A_736 = vector.shape_cast %mul3A_731 : vector<16xf32> to vector<1x16xf32>
        tpu.vector_store %arg17[%swap3A_732, %swap3A_733], %swap3A_736 {strides = array<i32>} : memref<128x64xf32, #tpu.memory_space<vmem>>, vector<1x16xf32>,
        %mul3A_737 = arith.mulf %bitcast_convert_type3A_730, %broadcast_in_dim3A_694 : vector<16xf32>
        %swap3A_738 = arith.index_cast %add3A_691 : i32 to index
        %swap3A_739 = arith.constant 48 : index
        %swap3A_740 = tpu.vector_load %arg17[%swap3A_738, %swap3A_739] {strides = array<i32>} : memref<128x64xf32, #tpu.memory_space<vmem>>, vector<1x16xf32>,
        %swap3A_741 = vector.shape_cast %swap3A_740 : vector<1x16xf32> to vector<16xf32>
        %swap3A_742 = vector.shape_cast %mul3A_737 : vector<16xf32> to vector<1x16xf32>
        tpu.vector_store %arg17[%swap3A_738, %swap3A_739], %swap3A_742 {strides = array<i32>} : memref<128x64xf32, #tpu.memory_space<vmem>>, vector<1x16xf32>,
        %add3A_743 = arith.constant 9 : i32
        %add3A_744 = arith.addi %mul3A_269, %add3A_743 : i32
        %slice3A_745 = vector.extract_strided_slice %get3A_271 {offsets = [9], sizes = [1], strides = [1]} : vector<16xf32> to vector<1xf32>
        %squeeze3A_746 = vector.extract %slice3A_745[0] : f32 from vector<1xf32>
        %broadcast_in_dim3A_747 = vector.broadcast %squeeze3A_746 : f32 to vector<16xf32>
        %get3A_748 = arith.index_cast %add3A_744 : i32 to index
        %get3A_749 = arith.constant 0 : index
        %get3A_750 = tpu.vector_load %arg15[%get3A_748, %get3A_749] {strides = array<i32>} : memref<128x32xi32, #tpu.memory_space<vmem>>, vector<1x16xi32>,
        %get3A_751 = vector.shape_cast %get3A_750 : vector<1x16xi32> to vector<16xi32>
        %shift_left3A_752 = arith.constant 16 : i32
        %shift_left3A_753 = vector.broadcast %shift_left3A_752 : i32 to vector<16xi32>
        %shift_left3A_754 = arith.shli %get3A_751, %shift_left3A_753 : vector<16xi32>
        %bitcast_convert_type3A_755 = tpu.bitcast %shift_left3A_754 : vector<16xi32> -> vector<16xf32>
        %and3A_756 = arith.constant -65536 : i32
        %and3A_757 = vector.broadcast %and3A_756 : i32 to vector<16xi32>
        %and3A_758 = arith.andi %get3A_751, %and3A_757 : vector<16xi32>
        %bitcast_convert_type3A_759 = tpu.bitcast %and3A_758 : vector<16xi32> -> vector<16xf32>
        %mul3A_760 = arith.mulf %bitcast_convert_type3A_755, %broadcast_in_dim3A_747 : vector<16xf32>
        %swap3A_761 = arith.index_cast %add3A_744 : i32 to index
        %swap3A_762 = arith.constant 0 : index
        %swap3A_763 = tpu.vector_load %arg17[%swap3A_761, %swap3A_762] {strides = array<i32>} : memref<128x64xf32, #tpu.memory_space<vmem>>, vector<1x16xf32>,
        %swap3A_764 = vector.shape_cast %swap3A_763 : vector<1x16xf32> to vector<16xf32>
        %swap3A_765 = vector.shape_cast %mul3A_760 : vector<16xf32> to vector<1x16xf32>
        tpu.vector_store %arg17[%swap3A_761, %swap3A_762], %swap3A_765 {strides = array<i32>} : memref<128x64xf32, #tpu.memory_space<vmem>>, vector<1x16xf32>,
        %mul3A_766 = arith.mulf %bitcast_convert_type3A_759, %broadcast_in_dim3A_747 : vector<16xf32>
        %swap3A_767 = arith.index_cast %add3A_744 : i32 to index
        %swap3A_768 = arith.constant 16 : index
        %swap3A_769 = tpu.vector_load %arg17[%swap3A_767, %swap3A_768] {strides = array<i32>} : memref<128x64xf32, #tpu.memory_space<vmem>>, vector<1x16xf32>,
        %swap3A_770 = vector.shape_cast %swap3A_769 : vector<1x16xf32> to vector<16xf32>
        %swap3A_771 = vector.shape_cast %mul3A_766 : vector<16xf32> to vector<1x16xf32>
        tpu.vector_store %arg17[%swap3A_767, %swap3A_768], %swap3A_771 {strides = array<i32>} : memref<128x64xf32, #tpu.memory_space<vmem>>, vector<1x16xf32>,
        %get3A_772 = arith.index_cast %add3A_744 : i32 to index
        %get3A_773 = arith.constant 16 : index
        %get3A_774 = tpu.vector_load %arg15[%get3A_772, %get3A_773] {strides = array<i32>} : memref<128x32xi32, #tpu.memory_space<vmem>>, vector<1x16xi32>,
        %get3A_775 = vector.shape_cast %get3A_774 : vector<1x16xi32> to vector<16xi32>
        %shift_left3A_776 = arith.constant 16 : i32
        %shift_left3A_777 = vector.broadcast %shift_left3A_776 : i32 to vector<16xi32>
        %shift_left3A_778 = arith.shli %get3A_775, %shift_left3A_777 : vector<16xi32>
        %bitcast_convert_type3A_779 = tpu.bitcast %shift_left3A_778 : vector<16xi32> -> vector<16xf32>
        %and3A_780 = arith.constant -65536 : i32
        %and3A_781 = vector.broadcast %and3A_780 : i32 to vector<16xi32>
        %and3A_782 = arith.andi %get3A_775, %and3A_781 : vector<16xi32>
        %bitcast_convert_type3A_783 = tpu.bitcast %and3A_782 : vector<16xi32> -> vector<16xf32>
        %mul3A_784 = arith.mulf %bitcast_convert_type3A_779, %broadcast_in_dim3A_747 : vector<16xf32>
        %swap3A_785 = arith.index_cast %add3A_744 : i32 to index
        %swap3A_786 = arith.constant 32 : index
        %swap3A_787 = tpu.vector_load %arg17[%swap3A_785, %swap3A_786] {strides = array<i32>} : memref<128x64xf32, #tpu.memory_space<vmem>>, vector<1x16xf32>,
        %swap3A_788 = vector.shape_cast %swap3A_787 : vector<1x16xf32> to vector<16xf32>
        %swap3A_789 = vector.shape_cast %mul3A_784 : vector<16xf32> to vector<1x16xf32>
        tpu.vector_store %arg17[%swap3A_785, %swap3A_786], %swap3A_789 {strides = array<i32>} : memref<128x64xf32, #tpu.memory_space<vmem>>, vector<1x16xf32>,
        %mul3A_790 = arith.mulf %bitcast_convert_type3A_783, %broadcast_in_dim3A_747 : vector<16xf32>
        %swap3A_791 = arith.index_cast %add3A_744 : i32 to index
        %swap3A_792 = arith.constant 48 : index
        %swap3A_793 = tpu.vector_load %arg17[%swap3A_791, %swap3A_792] {strides = array<i32>} : memref<128x64xf32, #tpu.memory_space<vmem>>, vector<1x16xf32>,
        %swap3A_794 = vector.shape_cast %swap3A_793 : vector<1x16xf32> to vector<16xf32>
        %swap3A_795 = vector.shape_cast %mul3A_790 : vector<16xf32> to vector<1x16xf32>
        tpu.vector_store %arg17[%swap3A_791, %swap3A_792], %swap3A_795 {strides = array<i32>} : memref<128x64xf32, #tpu.memory_space<vmem>>, vector<1x16xf32>,
        %add3A_796 = arith.constant 10 : i32
        %add3A_797 = arith.addi %mul3A_269, %add3A_796 : i32
        %slice3A_798 = vector.extract_strided_slice %get3A_271 {offsets = [10], sizes = [1], strides = [1]} : vector<16xf32> to vector<1xf32>
        %squeeze3A_799 = vector.extract %slice3A_798[0] : f32 from vector<1xf32>
        %broadcast_in_dim3A_800 = vector.broadcast %squeeze3A_799 : f32 to vector<16xf32>
        %get3A_801 = arith.index_cast %add3A_797 : i32 to index
        %get3A_802 = arith.constant 0 : index
        %get3A_803 = tpu.vector_load %arg15[%get3A_801, %get3A_802] {strides = array<i32>} : memref<128x32xi32, #tpu.memory_space<vmem>>, vector<1x16xi32>,
        %get3A_804 = vector.shape_cast %get3A_803 : vector<1x16xi32> to vector<16xi32>
        %shift_left3A_805 = arith.constant 16 : i32
        %shift_left3A_806 = vector.broadcast %shift_left3A_805 : i32 to vector<16xi32>
        %shift_left3A_807 = arith.shli %get3A_804, %shift_left3A_806 : vector<16xi32>
        %bitcast_convert_type3A_808 = tpu.bitcast %shift_left3A_807 : vector<16xi32> -> vector<16xf32>
        %and3A_809 = arith.constant -65536 : i32
        %and3A_810 = vector.broadcast %and3A_809 : i32 to vector<16xi32>
        %and3A_811 = arith.andi %get3A_804, %and3A_810 : vector<16xi32>
        %bitcast_convert_type3A_812 = tpu.bitcast %and3A_811 : vector<16xi32> -> vector<16xf32>
        %mul3A_813 = arith.mulf %bitcast_convert_type3A_808, %broadcast_in_dim3A_800 : vector<16xf32>
        %swap3A_814 = arith.index_cast %add3A_797 : i32 to index
        %swap3A_815 = arith.constant 0 : index
        %swap3A_816 = tpu.vector_load %arg17[%swap3A_814, %swap3A_815] {strides = array<i32>} : memref<128x64xf32, #tpu.memory_space<vmem>>, vector<1x16xf32>,
        %swap3A_817 = vector.shape_cast %swap3A_816 : vector<1x16xf32> to vector<16xf32>
        %swap3A_818 = vector.shape_cast %mul3A_813 : vector<16xf32> to vector<1x16xf32>
        tpu.vector_store %arg17[%swap3A_814, %swap3A_815], %swap3A_818 {strides = array<i32>} : memref<128x64xf32, #tpu.memory_space<vmem>>, vector<1x16xf32>,
        %mul3A_819 = arith.mulf %bitcast_convert_type3A_812, %broadcast_in_dim3A_800 : vector<16xf32>
        %swap3A_820 = arith.index_cast %add3A_797 : i32 to index
        %swap3A_821 = arith.constant 16 : index
        %swap3A_822 = tpu.vector_load %arg17[%swap3A_820, %swap3A_821] {strides = array<i32>} : memref<128x64xf32, #tpu.memory_space<vmem>>, vector<1x16xf32>,
        %swap3A_823 = vector.shape_cast %swap3A_822 : vector<1x16xf32> to vector<16xf32>
        %swap3A_824 = vector.shape_cast %mul3A_819 : vector<16xf32> to vector<1x16xf32>
        tpu.vector_store %arg17[%swap3A_820, %swap3A_821], %swap3A_824 {strides = array<i32>} : memref<128x64xf32, #tpu.memory_space<vmem>>, vector<1x16xf32>,
        %get3A_825 = arith.index_cast %add3A_797 : i32 to index
        %get3A_826 = arith.constant 16 : index
        %get3A_827 = tpu.vector_load %arg15[%get3A_825, %get3A_826] {strides = array<i32>} : memref<128x32xi32, #tpu.memory_space<vmem>>, vector<1x16xi32>,
        %get3A_828 = vector.shape_cast %get3A_827 : vector<1x16xi32> to vector<16xi32>
        %shift_left3A_829 = arith.constant 16 : i32
        %shift_left3A_830 = vector.broadcast %shift_left3A_829 : i32 to vector<16xi32>
        %shift_left3A_831 = arith.shli %get3A_828, %shift_left3A_830 : vector<16xi32>
        %bitcast_convert_type3A_832 = tpu.bitcast %shift_left3A_831 : vector<16xi32> -> vector<16xf32>
        %and3A_833 = arith.constant -65536 : i32
        %and3A_834 = vector.broadcast %and3A_833 : i32 to vector<16xi32>
        %and3A_835 = arith.andi %get3A_828, %and3A_834 : vector<16xi32>
        %bitcast_convert_type3A_836 = tpu.bitcast %and3A_835 : vector<16xi32> -> vector<16xf32>
        %mul3A_837 = arith.mulf %bitcast_convert_type3A_832, %broadcast_in_dim3A_800 : vector<16xf32>
        %swap3A_838 = arith.index_cast %add3A_797 : i32 to index
        %swap3A_839 = arith.constant 32 : index
        %swap3A_840 = tpu.vector_load %arg17[%swap3A_838, %swap3A_839] {strides = array<i32>} : memref<128x64xf32, #tpu.memory_space<vmem>>, vector<1x16xf32>,
        %swap3A_841 = vector.shape_cast %swap3A_840 : vector<1x16xf32> to vector<16xf32>
        %swap3A_842 = vector.shape_cast %mul3A_837 : vector<16xf32> to vector<1x16xf32>
        tpu.vector_store %arg17[%swap3A_838, %swap3A_839], %swap3A_842 {strides = array<i32>} : memref<128x64xf32, #tpu.memory_space<vmem>>, vector<1x16xf32>,
        %mul3A_843 = arith.mulf %bitcast_convert_type3A_836, %broadcast_in_dim3A_800 : vector<16xf32>
        %swap3A_844 = arith.index_cast %add3A_797 : i32 to index
        %swap3A_845 = arith.constant 48 : index
        %swap3A_846 = tpu.vector_load %arg17[%swap3A_844, %swap3A_845] {strides = array<i32>} : memref<128x64xf32, #tpu.memory_space<vmem>>, vector<1x16xf32>,
        %swap3A_847 = vector.shape_cast %swap3A_846 : vector<1x16xf32> to vector<16xf32>
        %swap3A_848 = vector.shape_cast %mul3A_843 : vector<16xf32> to vector<1x16xf32>
        tpu.vector_store %arg17[%swap3A_844, %swap3A_845], %swap3A_848 {strides = array<i32>} : memref<128x64xf32, #tpu.memory_space<vmem>>, vector<1x16xf32>,
        %add3A_849 = arith.constant 11 : i32
        %add3A_850 = arith.addi %mul3A_269, %add3A_849 : i32
        %slice3A_851 = vector.extract_strided_slice %get3A_271 {offsets = [11], sizes = [1], strides = [1]} : vector<16xf32> to vector<1xf32>
        %squeeze3A_852 = vector.extract %slice3A_851[0] : f32 from vector<1xf32>
        %broadcast_in_dim3A_853 = vector.broadcast %squeeze3A_852 : f32 to vector<16xf32>
        %get3A_854 = arith.index_cast %add3A_850 : i32 to index
        %get3A_855 = arith.constant 0 : index
        %get3A_856 = tpu.vector_load %arg15[%get3A_854, %get3A_855] {strides = array<i32>} : memref<128x32xi32, #tpu.memory_space<vmem>>, vector<1x16xi32>,
        %get3A_857 = vector.shape_cast %get3A_856 : vector<1x16xi32> to vector<16xi32>
        %shift_left3A_858 = arith.constant 16 : i32
        %shift_left3A_859 = vector.broadcast %shift_left3A_858 : i32 to vector<16xi32>
        %shift_left3A_860 = arith.shli %get3A_857, %shift_left3A_859 : vector<16xi32>
        %bitcast_convert_type3A_861 = tpu.bitcast %shift_left3A_860 : vector<16xi32> -> vector<16xf32>
        %and3A_862 = arith.constant -65536 : i32
        %and3A_863 = vector.broadcast %and3A_862 : i32 to vector<16xi32>
        %and3A_864 = arith.andi %get3A_857, %and3A_863 : vector<16xi32>
        %bitcast_convert_type3A_865 = tpu.bitcast %and3A_864 : vector<16xi32> -> vector<16xf32>
        %mul3A_866 = arith.mulf %bitcast_convert_type3A_861, %broadcast_in_dim3A_853 : vector<16xf32>
        %swap3A_867 = arith.index_cast %add3A_850 : i32 to index
        %swap3A_868 = arith.constant 0 : index
        %swap3A_869 = tpu.vector_load %arg17[%swap3A_867, %swap3A_868] {strides = array<i32>} : memref<128x64xf32, #tpu.memory_space<vmem>>, vector<1x16xf32>,
        %swap3A_870 = vector.shape_cast %swap3A_869 : vector<1x16xf32> to vector<16xf32>
        %swap3A_871 = vector.shape_cast %mul3A_866 : vector<16xf32> to vector<1x16xf32>
        tpu.vector_store %arg17[%swap3A_867, %swap3A_868], %swap3A_871 {strides = array<i32>} : memref<128x64xf32, #tpu.memory_space<vmem>>, vector<1x16xf32>,
        %mul3A_872 = arith.mulf %bitcast_convert_type3A_865, %broadcast_in_dim3A_853 : vector<16xf32>
        %swap3A_873 = arith.index_cast %add3A_850 : i32 to index
        %swap3A_874 = arith.constant 16 : index
        %swap3A_875 = tpu.vector_load %arg17[%swap3A_873, %swap3A_874] {strides = array<i32>} : memref<128x64xf32, #tpu.memory_space<vmem>>, vector<1x16xf32>,
        %swap3A_876 = vector.shape_cast %swap3A_875 : vector<1x16xf32> to vector<16xf32>
        %swap3A_877 = vector.shape_cast %mul3A_872 : vector<16xf32> to vector<1x16xf32>
        tpu.vector_store %arg17[%swap3A_873, %swap3A_874], %swap3A_877 {strides = array<i32>} : memref<128x64xf32, #tpu.memory_space<vmem>>, vector<1x16xf32>,
        %get3A_878 = arith.index_cast %add3A_850 : i32 to index
        %get3A_879 = arith.constant 16 : index
        %get3A_880 = tpu.vector_load %arg15[%get3A_878, %get3A_879] {strides = array<i32>} : memref<128x32xi32, #tpu.memory_space<vmem>>, vector<1x16xi32>,
        %get3A_881 = vector.shape_cast %get3A_880 : vector<1x16xi32> to vector<16xi32>
        %shift_left3A_882 = arith.constant 16 : i32
        %shift_left3A_883 = vector.broadcast %shift_left3A_882 : i32 to vector<16xi32>
        %shift_left3A_884 = arith.shli %get3A_881, %shift_left3A_883 : vector<16xi32>
        %bitcast_convert_type3A_885 = tpu.bitcast %shift_left3A_884 : vector<16xi32> -> vector<16xf32>
        %and3A_886 = arith.constant -65536 : i32
        %and3A_887 = vector.broadcast %and3A_886 : i32 to vector<16xi32>
        %and3A_888 = arith.andi %get3A_881, %and3A_887 : vector<16xi32>
        %bitcast_convert_type3A_889 = tpu.bitcast %and3A_888 : vector<16xi32> -> vector<16xf32>
        %mul3A_890 = arith.mulf %bitcast_convert_type3A_885, %broadcast_in_dim3A_853 : vector<16xf32>
        %swap3A_891 = arith.index_cast %add3A_850 : i32 to index
        %swap3A_892 = arith.constant 32 : index
        %swap3A_893 = tpu.vector_load %arg17[%swap3A_891, %swap3A_892] {strides = array<i32>} : memref<128x64xf32, #tpu.memory_space<vmem>>, vector<1x16xf32>,
        %swap3A_894 = vector.shape_cast %swap3A_893 : vector<1x16xf32> to vector<16xf32>
        %swap3A_895 = vector.shape_cast %mul3A_890 : vector<16xf32> to vector<1x16xf32>
        tpu.vector_store %arg17[%swap3A_891, %swap3A_892], %swap3A_895 {strides = array<i32>} : memref<128x64xf32, #tpu.memory_space<vmem>>, vector<1x16xf32>,
        %mul3A_896 = arith.mulf %bitcast_convert_type3A_889, %broadcast_in_dim3A_853 : vector<16xf32>
        %swap3A_897 = arith.index_cast %add3A_850 : i32 to index
        %swap3A_898 = arith.constant 48 : index
        %swap3A_899 = tpu.vector_load %arg17[%swap3A_897, %swap3A_898] {strides = array<i32>} : memref<128x64xf32, #tpu.memory_space<vmem>>, vector<1x16xf32>,
        %swap3A_900 = vector.shape_cast %swap3A_899 : vector<1x16xf32> to vector<16xf32>
        %swap3A_901 = vector.shape_cast %mul3A_896 : vector<16xf32> to vector<1x16xf32>
        tpu.vector_store %arg17[%swap3A_897, %swap3A_898], %swap3A_901 {strides = array<i32>} : memref<128x64xf32, #tpu.memory_space<vmem>>, vector<1x16xf32>,
        %add3A_902 = arith.constant 12 : i32
        %add3A_903 = arith.addi %mul3A_269, %add3A_902 : i32
        %slice3A_904 = vector.extract_strided_slice %get3A_271 {offsets = [12], sizes = [1], strides = [1]} : vector<16xf32> to vector<1xf32>
        %squeeze3A_905 = vector.extract %slice3A_904[0] : f32 from vector<1xf32>
        %broadcast_in_dim3A_906 = vector.broadcast %squeeze3A_905 : f32 to vector<16xf32>
        %get3A_907 = arith.index_cast %add3A_903 : i32 to index
        %get3A_908 = arith.constant 0 : index
        %get3A_909 = tpu.vector_load %arg15[%get3A_907, %get3A_908] {strides = array<i32>} : memref<128x32xi32, #tpu.memory_space<vmem>>, vector<1x16xi32>,
        %get3A_910 = vector.shape_cast %get3A_909 : vector<1x16xi32> to vector<16xi32>
        %shift_left3A_911 = arith.constant 16 : i32
        %shift_left3A_912 = vector.broadcast %shift_left3A_911 : i32 to vector<16xi32>
        %shift_left3A_913 = arith.shli %get3A_910, %shift_left3A_912 : vector<16xi32>
        %bitcast_convert_type3A_914 = tpu.bitcast %shift_left3A_913 : vector<16xi32> -> vector<16xf32>
        %and3A_915 = arith.constant -65536 : i32
        %and3A_916 = vector.broadcast %and3A_915 : i32 to vector<16xi32>
        %and3A_917 = arith.andi %get3A_910, %and3A_916 : vector<16xi32>
        %bitcast_convert_type3A_918 = tpu.bitcast %and3A_917 : vector<16xi32> -> vector<16xf32>
        %mul3A_919 = arith.mulf %bitcast_convert_type3A_914, %broadcast_in_dim3A_906 : vector<16xf32>
        %swap3A_920 = arith.index_cast %add3A_903 : i32 to index
        %swap3A_921 = arith.constant 0 : index
        %swap3A_922 = tpu.vector_load %arg17[%swap3A_920, %swap3A_921] {strides = array<i32>} : memref<128x64xf32, #tpu.memory_space<vmem>>, vector<1x16xf32>,
        %swap3A_923 = vector.shape_cast %swap3A_922 : vector<1x16xf32> to vector<16xf32>
        %swap3A_924 = vector.shape_cast %mul3A_919 : vector<16xf32> to vector<1x16xf32>
        tpu.vector_store %arg17[%swap3A_920, %swap3A_921], %swap3A_924 {strides = array<i32>} : memref<128x64xf32, #tpu.memory_space<vmem>>, vector<1x16xf32>,
        %mul3A_925 = arith.mulf %bitcast_convert_type3A_918, %broadcast_in_dim3A_906 : vector<16xf32>
        %swap3A_926 = arith.index_cast %add3A_903 : i32 to index
        %swap3A_927 = arith.constant 16 : index
        %swap3A_928 = tpu.vector_load %arg17[%swap3A_926, %swap3A_927] {strides = array<i32>} : memref<128x64xf32, #tpu.memory_space<vmem>>, vector<1x16xf32>,
        %swap3A_929 = vector.shape_cast %swap3A_928 : vector<1x16xf32> to vector<16xf32>
        %swap3A_930 = vector.shape_cast %mul3A_925 : vector<16xf32> to vector<1x16xf32>
        tpu.vector_store %arg17[%swap3A_926, %swap3A_927], %swap3A_930 {strides = array<i32>} : memref<128x64xf32, #tpu.memory_space<vmem>>, vector<1x16xf32>,
        %get3A_931 = arith.index_cast %add3A_903 : i32 to index
        %get3A_932 = arith.constant 16 : index
        %get3A_933 = tpu.vector_load %arg15[%get3A_931, %get3A_932] {strides = array<i32>} : memref<128x32xi32, #tpu.memory_space<vmem>>, vector<1x16xi32>,
        %get3A_934 = vector.shape_cast %get3A_933 : vector<1x16xi32> to vector<16xi32>
        %shift_left3A_935 = arith.constant 16 : i32
        %shift_left3A_936 = vector.broadcast %shift_left3A_935 : i32 to vector<16xi32>
        %shift_left3A_937 = arith.shli %get3A_934, %shift_left3A_936 : vector<16xi32>
        %bitcast_convert_type3A_938 = tpu.bitcast %shift_left3A_937 : vector<16xi32> -> vector<16xf32>
        %and3A_939 = arith.constant -65536 : i32
        %and3A_940 = vector.broadcast %and3A_939 : i32 to vector<16xi32>
        %and3A_941 = arith.andi %get3A_934, %and3A_940 : vector<16xi32>
        %bitcast_convert_type3A_942 = tpu.bitcast %and3A_941 : vector<16xi32> -> vector<16xf32>
        %mul3A_943 = arith.mulf %bitcast_convert_type3A_938, %broadcast_in_dim3A_906 : vector<16xf32>
        %swap3A_944 = arith.index_cast %add3A_903 : i32 to index
        %swap3A_945 = arith.constant 32 : index
        %swap3A_946 = tpu.vector_load %arg17[%swap3A_944, %swap3A_945] {strides = array<i32>} : memref<128x64xf32, #tpu.memory_space<vmem>>, vector<1x16xf32>,
        %swap3A_947 = vector.shape_cast %swap3A_946 : vector<1x16xf32> to vector<16xf32>
        %swap3A_948 = vector.shape_cast %mul3A_943 : vector<16xf32> to vector<1x16xf32>
        tpu.vector_store %arg17[%swap3A_944, %swap3A_945], %swap3A_948 {strides = array<i32>} : memref<128x64xf32, #tpu.memory_space<vmem>>, vector<1x16xf32>,
        %mul3A_949 = arith.mulf %bitcast_convert_type3A_942, %broadcast_in_dim3A_906 : vector<16xf32>
        %swap3A_950 = arith.index_cast %add3A_903 : i32 to index
        %swap3A_951 = arith.constant 48 : index
        %swap3A_952 = tpu.vector_load %arg17[%swap3A_950, %swap3A_951] {strides = array<i32>} : memref<128x64xf32, #tpu.memory_space<vmem>>, vector<1x16xf32>,
        %swap3A_953 = vector.shape_cast %swap3A_952 : vector<1x16xf32> to vector<16xf32>
        %swap3A_954 = vector.shape_cast %mul3A_949 : vector<16xf32> to vector<1x16xf32>
        tpu.vector_store %arg17[%swap3A_950, %swap3A_951], %swap3A_954 {strides = array<i32>} : memref<128x64xf32, #tpu.memory_space<vmem>>, vector<1x16xf32>,
        %add3A_955 = arith.constant 13 : i32
        %add3A_956 = arith.addi %mul3A_269, %add3A_955 : i32
        %slice3A_957 = vector.extract_strided_slice %get3A_271 {offsets = [13], sizes = [1], strides = [1]} : vector<16xf32> to vector<1xf32>
        %squeeze3A_958 = vector.extract %slice3A_957[0] : f32 from vector<1xf32>
        %broadcast_in_dim3A_959 = vector.broadcast %squeeze3A_958 : f32 to vector<16xf32>
        %get3A_960 = arith.index_cast %add3A_956 : i32 to index
        %get3A_961 = arith.constant 0 : index
        %get3A_962 = tpu.vector_load %arg15[%get3A_960, %get3A_961] {strides = array<i32>} : memref<128x32xi32, #tpu.memory_space<vmem>>, vector<1x16xi32>,
        %get3A_963 = vector.shape_cast %get3A_962 : vector<1x16xi32> to vector<16xi32>
        %shift_left3A_964 = arith.constant 16 : i32
        %shift_left3A_965 = vector.broadcast %shift_left3A_964 : i32 to vector<16xi32>
        %shift_left3A_966 = arith.shli %get3A_963, %shift_left3A_965 : vector<16xi32>
        %bitcast_convert_type3A_967 = tpu.bitcast %shift_left3A_966 : vector<16xi32> -> vector<16xf32>
        %and3A_968 = arith.constant -65536 : i32
        %and3A_969 = vector.broadcast %and3A_968 : i32 to vector<16xi32>
        %and3A_970 = arith.andi %get3A_963, %and3A_969 : vector<16xi32>
        %bitcast_convert_type3A_971 = tpu.bitcast %and3A_970 : vector<16xi32> -> vector<16xf32>
        %mul3A_972 = arith.mulf %bitcast_convert_type3A_967, %broadcast_in_dim3A_959 : vector<16xf32>
        %swap3A_973 = arith.index_cast %add3A_956 : i32 to index
        %swap3A_974 = arith.constant 0 : index
        %swap3A_975 = tpu.vector_load %arg17[%swap3A_973, %swap3A_974] {strides = array<i32>} : memref<128x64xf32, #tpu.memory_space<vmem>>, vector<1x16xf32>,
        %swap3A_976 = vector.shape_cast %swap3A_975 : vector<1x16xf32> to vector<16xf32>
        %swap3A_977 = vector.shape_cast %mul3A_972 : vector<16xf32> to vector<1x16xf32>
        tpu.vector_store %arg17[%swap3A_973, %swap3A_974], %swap3A_977 {strides = array<i32>} : memref<128x64xf32, #tpu.memory_space<vmem>>, vector<1x16xf32>,
        %mul3A_978 = arith.mulf %bitcast_convert_type3A_971, %broadcast_in_dim3A_959 : vector<16xf32>
        %swap3A_979 = arith.index_cast %add3A_956 : i32 to index
        %swap3A_980 = arith.constant 16 : index
        %swap3A_981 = tpu.vector_load %arg17[%swap3A_979, %swap3A_980] {strides = array<i32>} : memref<128x64xf32, #tpu.memory_space<vmem>>, vector<1x16xf32>,
        %swap3A_982 = vector.shape_cast %swap3A_981 : vector<1x16xf32> to vector<16xf32>
        %swap3A_983 = vector.shape_cast %mul3A_978 : vector<16xf32> to vector<1x16xf32>
        tpu.vector_store %arg17[%swap3A_979, %swap3A_980], %swap3A_983 {strides = array<i32>} : memref<128x64xf32, #tpu.memory_space<vmem>>, vector<1x16xf32>,
        %get3A_984 = arith.index_cast %add3A_956 : i32 to index
        %get3A_985 = arith.constant 16 : index
        %get3A_986 = tpu.vector_load %arg15[%get3A_984, %get3A_985] {strides = array<i32>} : memref<128x32xi32, #tpu.memory_space<vmem>>, vector<1x16xi32>,
        %get3A_987 = vector.shape_cast %get3A_986 : vector<1x16xi32> to vector<16xi32>
        %shift_left3A_988 = arith.constant 16 : i32
        %shift_left3A_989 = vector.broadcast %shift_left3A_988 : i32 to vector<16xi32>
        %shift_left3A_990 = arith.shli %get3A_987, %shift_left3A_989 : vector<16xi32>
        %bitcast_convert_type3A_991 = tpu.bitcast %shift_left3A_990 : vector<16xi32> -> vector<16xf32>
        %and3A_992 = arith.constant -65536 : i32
        %and3A_993 = vector.broadcast %and3A_992 : i32 to vector<16xi32>
        %and3A_994 = arith.andi %get3A_987, %and3A_993 : vector<16xi32>
        %bitcast_convert_type3A_995 = tpu.bitcast %and3A_994 : vector<16xi32> -> vector<16xf32>
        %mul3A_996 = arith.mulf %bitcast_convert_type3A_991, %broadcast_in_dim3A_959 : vector<16xf32>
        %swap3A_997 = arith.index_cast %add3A_956 : i32 to index
        %swap3A_998 = arith.constant 32 : index
        %swap3A_999 = tpu.vector_load %arg17[%swap3A_997, %swap3A_998] {strides = array<i32>} : memref<128x64xf32, #tpu.memory_space<vmem>>, vector<1x16xf32>,
        %swap3A_1000 = vector.shape_cast %swap3A_999 : vector<1x16xf32> to vector<16xf32>
        %swap3A_1001 = vector.shape_cast %mul3A_996 : vector<16xf32> to vector<1x16xf32>
        tpu.vector_store %arg17[%swap3A_997, %swap3A_998], %swap3A_1001 {strides = array<i32>} : memref<128x64xf32, #tpu.memory_space<vmem>>, vector<1x16xf32>,
        %mul3A_1002 = arith.mulf %bitcast_convert_type3A_995, %broadcast_in_dim3A_959 : vector<16xf32>
        %swap3A_1003 = arith.index_cast %add3A_956 : i32 to index
        %swap3A_1004 = arith.constant 48 : index
        %swap3A_1005 = tpu.vector_load %arg17[%swap3A_1003, %swap3A_1004] {strides = array<i32>} : memref<128x64xf32, #tpu.memory_space<vmem>>, vector<1x16xf32>,
        %swap3A_1006 = vector.shape_cast %swap3A_1005 : vector<1x16xf32> to vector<16xf32>
        %swap3A_1007 = vector.shape_cast %mul3A_1002 : vector<16xf32> to vector<1x16xf32>
        tpu.vector_store %arg17[%swap3A_1003, %swap3A_1004], %swap3A_1007 {strides = array<i32>} : memref<128x64xf32, #tpu.memory_space<vmem>>, vector<1x16xf32>,
        %add3A_1008 = arith.constant 14 : i32
        %add3A_1009 = arith.addi %mul3A_269, %add3A_1008 : i32
        %slice3A_1010 = vector.extract_strided_slice %get3A_271 {offsets = [14], sizes = [1], strides = [1]} : vector<16xf32> to vector<1xf32>
        %squeeze3A_1011 = vector.extract %slice3A_1010[0] : f32 from vector<1xf32>
        %broadcast_in_dim3A_1012 = vector.broadcast %squeeze3A_1011 : f32 to vector<16xf32>
        %get3A_1013 = arith.index_cast %add3A_1009 : i32 to index
        %get3A_1014 = arith.constant 0 : index
        %get3A_1015 = tpu.vector_load %arg15[%get3A_1013, %get3A_1014] {strides = array<i32>} : memref<128x32xi32, #tpu.memory_space<vmem>>, vector<1x16xi32>,
        %get3A_1016 = vector.shape_cast %get3A_1015 : vector<1x16xi32> to vector<16xi32>
        %shift_left3A_1017 = arith.constant 16 : i32
        %shift_left3A_1018 = vector.broadcast %shift_left3A_1017 : i32 to vector<16xi32>
        %shift_left3A_1019 = arith.shli %get3A_1016, %shift_left3A_1018 : vector<16xi32>
        %bitcast_convert_type3A_1020 = tpu.bitcast %shift_left3A_1019 : vector<16xi32> -> vector<16xf32>
        %and3A_1021 = arith.constant -65536 : i32
        %and3A_1022 = vector.broadcast %and3A_1021 : i32 to vector<16xi32>
        %and3A_1023 = arith.andi %get3A_1016, %and3A_1022 : vector<16xi32>
        %bitcast_convert_type3A_1024 = tpu.bitcast %and3A_1023 : vector<16xi32> -> vector<16xf32>
        %mul3A_1025 = arith.mulf %bitcast_convert_type3A_1020, %broadcast_in_dim3A_1012 : vector<16xf32>
        %swap3A_1026 = arith.index_cast %add3A_1009 : i32 to index
        %swap3A_1027 = arith.constant 0 : index
        %swap3A_1028 = tpu.vector_load %arg17[%swap3A_1026, %swap3A_1027] {strides = array<i32>} : memref<128x64xf32, #tpu.memory_space<vmem>>, vector<1x16xf32>,
        %swap3A_1029 = vector.shape_cast %swap3A_1028 : vector<1x16xf32> to vector<16xf32>
        %swap3A_1030 = vector.shape_cast %mul3A_1025 : vector<16xf32> to vector<1x16xf32>
        tpu.vector_store %arg17[%swap3A_1026, %swap3A_1027], %swap3A_1030 {strides = array<i32>} : memref<128x64xf32, #tpu.memory_space<vmem>>, vector<1x16xf32>,
        %mul3A_1031 = arith.mulf %bitcast_convert_type3A_1024, %broadcast_in_dim3A_1012 : vector<16xf32>
        %swap3A_1032 = arith.index_cast %add3A_1009 : i32 to index
        %swap3A_1033 = arith.constant 16 : index
        %swap3A_1034 = tpu.vector_load %arg17[%swap3A_1032, %swap3A_1033] {strides = array<i32>} : memref<128x64xf32, #tpu.memory_space<vmem>>, vector<1x16xf32>,
        %swap3A_1035 = vector.shape_cast %swap3A_1034 : vector<1x16xf32> to vector<16xf32>
        %swap3A_1036 = vector.shape_cast %mul3A_1031 : vector<16xf32> to vector<1x16xf32>
        tpu.vector_store %arg17[%swap3A_1032, %swap3A_1033], %swap3A_1036 {strides = array<i32>} : memref<128x64xf32, #tpu.memory_space<vmem>>, vector<1x16xf32>,
        %get3A_1037 = arith.index_cast %add3A_1009 : i32 to index
        %get3A_1038 = arith.constant 16 : index
        %get3A_1039 = tpu.vector_load %arg15[%get3A_1037, %get3A_1038] {strides = array<i32>} : memref<128x32xi32, #tpu.memory_space<vmem>>, vector<1x16xi32>,
        %get3A_1040 = vector.shape_cast %get3A_1039 : vector<1x16xi32> to vector<16xi32>
        %shift_left3A_1041 = arith.constant 16 : i32
        %shift_left3A_1042 = vector.broadcast %shift_left3A_1041 : i32 to vector<16xi32>
        %shift_left3A_1043 = arith.shli %get3A_1040, %shift_left3A_1042 : vector<16xi32>
        %bitcast_convert_type3A_1044 = tpu.bitcast %shift_left3A_1043 : vector<16xi32> -> vector<16xf32>
        %and3A_1045 = arith.constant -65536 : i32
        %and3A_1046 = vector.broadcast %and3A_1045 : i32 to vector<16xi32>
        %and3A_1047 = arith.andi %get3A_1040, %and3A_1046 : vector<16xi32>
        %bitcast_convert_type3A_1048 = tpu.bitcast %and3A_1047 : vector<16xi32> -> vector<16xf32>
        %mul3A_1049 = arith.mulf %bitcast_convert_type3A_1044, %broadcast_in_dim3A_1012 : vector<16xf32>
        %swap3A_1050 = arith.index_cast %add3A_1009 : i32 to index
        %swap3A_1051 = arith.constant 32 : index
        %swap3A_1052 = tpu.vector_load %arg17[%swap3A_1050, %swap3A_1051] {strides = array<i32>} : memref<128x64xf32, #tpu.memory_space<vmem>>, vector<1x16xf32>,
        %swap3A_1053 = vector.shape_cast %swap3A_1052 : vector<1x16xf32> to vector<16xf32>
        %swap3A_1054 = vector.shape_cast %mul3A_1049 : vector<16xf32> to vector<1x16xf32>
        tpu.vector_store %arg17[%swap3A_1050, %swap3A_1051], %swap3A_1054 {strides = array<i32>} : memref<128x64xf32, #tpu.memory_space<vmem>>, vector<1x16xf32>,
        %mul3A_1055 = arith.mulf %bitcast_convert_type3A_1048, %broadcast_in_dim3A_1012 : vector<16xf32>
        %swap3A_1056 = arith.index_cast %add3A_1009 : i32 to index
        %swap3A_1057 = arith.constant 48 : index
        %swap3A_1058 = tpu.vector_load %arg17[%swap3A_1056, %swap3A_1057] {strides = array<i32>} : memref<128x64xf32, #tpu.memory_space<vmem>>, vector<1x16xf32>,
        %swap3A_1059 = vector.shape_cast %swap3A_1058 : vector<1x16xf32> to vector<16xf32>
        %swap3A_1060 = vector.shape_cast %mul3A_1055 : vector<16xf32> to vector<1x16xf32>
        tpu.vector_store %arg17[%swap3A_1056, %swap3A_1057], %swap3A_1060 {strides = array<i32>} : memref<128x64xf32, #tpu.memory_space<vmem>>, vector<1x16xf32>,
        %add3A_1061 = arith.constant 15 : i32
        %add3A_1062 = arith.addi %mul3A_269, %add3A_1061 : i32
        %slice3A_1063 = vector.extract_strided_slice %get3A_271 {offsets = [15], sizes = [1], strides = [1]} : vector<16xf32> to vector<1xf32>
        %squeeze3A_1064 = vector.extract %slice3A_1063[0] : f32 from vector<1xf32>
        %broadcast_in_dim3A_1065 = vector.broadcast %squeeze3A_1064 : f32 to vector<16xf32>
        %get3A_1066 = arith.index_cast %add3A_1062 : i32 to index
        %get3A_1067 = arith.constant 0 : index
        %get3A_1068 = tpu.vector_load %arg15[%get3A_1066, %get3A_1067] {strides = array<i32>} : memref<128x32xi32, #tpu.memory_space<vmem>>, vector<1x16xi32>,
        %get3A_1069 = vector.shape_cast %get3A_1068 : vector<1x16xi32> to vector<16xi32>
        %shift_left3A_1070 = arith.constant 16 : i32
        %shift_left3A_1071 = vector.broadcast %shift_left3A_1070 : i32 to vector<16xi32>
        %shift_left3A_1072 = arith.shli %get3A_1069, %shift_left3A_1071 : vector<16xi32>
        %bitcast_convert_type3A_1073 = tpu.bitcast %shift_left3A_1072 : vector<16xi32> -> vector<16xf32>
        %and3A_1074 = arith.constant -65536 : i32
        %and3A_1075 = vector.broadcast %and3A_1074 : i32 to vector<16xi32>
        %and3A_1076 = arith.andi %get3A_1069, %and3A_1075 : vector<16xi32>
        %bitcast_convert_type3A_1077 = tpu.bitcast %and3A_1076 : vector<16xi32> -> vector<16xf32>
        %mul3A_1078 = arith.mulf %bitcast_convert_type3A_1073, %broadcast_in_dim3A_1065 : vector<16xf32>
        %swap3A_1079 = arith.index_cast %add3A_1062 : i32 to index
        %swap3A_1080 = arith.constant 0 : index
        %swap3A_1081 = tpu.vector_load %arg17[%swap3A_1079, %swap3A_1080] {strides = array<i32>} : memref<128x64xf32, #tpu.memory_space<vmem>>, vector<1x16xf32>,
        %swap3A_1082 = vector.shape_cast %swap3A_1081 : vector<1x16xf32> to vector<16xf32>
        %swap3A_1083 = vector.shape_cast %mul3A_1078 : vector<16xf32> to vector<1x16xf32>
        tpu.vector_store %arg17[%swap3A_1079, %swap3A_1080], %swap3A_1083 {strides = array<i32>} : memref<128x64xf32, #tpu.memory_space<vmem>>, vector<1x16xf32>,
        %mul3A_1084 = arith.mulf %bitcast_convert_type3A_1077, %broadcast_in_dim3A_1065 : vector<16xf32>
        %swap3A_1085 = arith.index_cast %add3A_1062 : i32 to index
        %swap3A_1086 = arith.constant 16 : index
        %swap3A_1087 = tpu.vector_load %arg17[%swap3A_1085, %swap3A_1086] {strides = array<i32>} : memref<128x64xf32, #tpu.memory_space<vmem>>, vector<1x16xf32>,
        %swap3A_1088 = vector.shape_cast %swap3A_1087 : vector<1x16xf32> to vector<16xf32>
        %swap3A_1089 = vector.shape_cast %mul3A_1084 : vector<16xf32> to vector<1x16xf32>
        tpu.vector_store %arg17[%swap3A_1085, %swap3A_1086], %swap3A_1089 {strides = array<i32>} : memref<128x64xf32, #tpu.memory_space<vmem>>, vector<1x16xf32>,
        %get3A_1090 = arith.index_cast %add3A_1062 : i32 to index
        %get3A_1091 = arith.constant 16 : index
        %get3A_1092 = tpu.vector_load %arg15[%get3A_1090, %get3A_1091] {strides = array<i32>} : memref<128x32xi32, #tpu.memory_space<vmem>>, vector<1x16xi32>,
        %get3A_1093 = vector.shape_cast %get3A_1092 : vector<1x16xi32> to vector<16xi32>
        %shift_left3A_1094 = arith.constant 16 : i32
        %shift_left3A_1095 = vector.broadcast %shift_left3A_1094 : i32 to vector<16xi32>
        %shift_left3A_1096 = arith.shli %get3A_1093, %shift_left3A_1095 : vector<16xi32>
        %bitcast_convert_type3A_1097 = tpu.bitcast %shift_left3A_1096 : vector<16xi32> -> vector<16xf32>
        %and3A_1098 = arith.constant -65536 : i32
        %and3A_1099 = vector.broadcast %and3A_1098 : i32 to vector<16xi32>
        %and3A_1100 = arith.andi %get3A_1093, %and3A_1099 : vector<16xi32>
        %bitcast_convert_type3A_1101 = tpu.bitcast %and3A_1100 : vector<16xi32> -> vector<16xf32>
        %mul3A_1102 = arith.mulf %bitcast_convert_type3A_1097, %broadcast_in_dim3A_1065 : vector<16xf32>
        %swap3A_1103 = arith.index_cast %add3A_1062 : i32 to index
        %swap3A_1104 = arith.constant 32 : index
        %swap3A_1105 = tpu.vector_load %arg17[%swap3A_1103, %swap3A_1104] {strides = array<i32>} : memref<128x64xf32, #tpu.memory_space<vmem>>, vector<1x16xf32>,
        %swap3A_1106 = vector.shape_cast %swap3A_1105 : vector<1x16xf32> to vector<16xf32>
        %swap3A_1107 = vector.shape_cast %mul3A_1102 : vector<16xf32> to vector<1x16xf32>
        tpu.vector_store %arg17[%swap3A_1103, %swap3A_1104], %swap3A_1107 {strides = array<i32>} : memref<128x64xf32, #tpu.memory_space<vmem>>, vector<1x16xf32>,
        %mul3A_1108 = arith.mulf %bitcast_convert_type3A_1101, %broadcast_in_dim3A_1065 : vector<16xf32>
        %swap3A_1109 = arith.index_cast %add3A_1062 : i32 to index
        %swap3A_1110 = arith.constant 48 : index
        %swap3A_1111 = tpu.vector_load %arg17[%swap3A_1109, %swap3A_1110] {strides = array<i32>} : memref<128x64xf32, #tpu.memory_space<vmem>>, vector<1x16xf32>,
        %swap3A_1112 = vector.shape_cast %swap3A_1111 : vector<1x16xf32> to vector<16xf32>
        %swap3A_1113 = vector.shape_cast %mul3A_1108 : vector<16xf32> to vector<1x16xf32>
        tpu.vector_store %arg17[%swap3A_1109, %swap3A_1110], %swap3A_1113 {strides = array<i32>} : memref<128x64xf32, #tpu.memory_space<vmem>>, vector<1x16xf32>,
      }
      %scan3A_186 = arith.constant 8 : i32
      "tpu.region"() ({
        %run_scoped3A = tpu.sem_alloc : memref<!tpu.dma_semaphore, #tpu.memory_space<semaphore_mem>>
        %dma_start3A_267 = arith.constant 0 : i32
        %dma_start3A_268 = arith.constant 0 : i32
        %dma_start3A_269 = tpu.memref_slice %arg8[%dma_start3A_267, %dma_start3A_268] : memref<10240x64xf32, #tpu.memory_space<vmem_shared>> -> memref<10240x64xf32, #tpu.memory_space<vmem_shared>>
        tpu.enqueue_indirect_dma source(%arg17 : memref<128x64xf32, #tpu.memory_space<vmem>>) target(%dma_start3A_269 : memref<10240x64xf32, #tpu.memory_space<vmem_shared>>) offsets(%arg11 : memref<128xi32, #tpu.memory_space<vmem>>) semaphore(%run_scoped3A : memref<!tpu.dma_semaphore, #tpu.memory_space<semaphore_mem>>) {add = true}
        %dma_wait3A_270 = arith.constant 0 : i32
        %dma_wait3A_271 = arith.constant 0 : i32
        %dma_wait3A_272 = tpu.memref_slice %arg8[%dma_wait3A_270, %dma_wait3A_271] : memref<10240x64xf32, #tpu.memory_space<vmem_shared>> -> memref<10240x64xf32, #tpu.memory_space<vmem_shared>>
        tpu.wait_indirect_dma semaphore(%run_scoped3A : memref<!tpu.dma_semaphore, #tpu.memory_space<semaphore_mem>>) src(%arg17 : memref<128x64xf32, #tpu.memory_space<vmem>>) dst(%dma_wait3A_272 : memref<10240x64xf32, #tpu.memory_space<vmem_shared>>)
        tpu.yield
      }) : () -> ()
      %add3A_187 = arith.constant 2 : i32
      %add3A_188 = arith.addi %mul3A_140, %add3A_187 : i32
      %min3A_189 = arith.constant 159 : i32
      %min3A_190 = arith.minsi %add3A_188, %min3A_189 : i32
      %dma_start3A_191 = arith.constant 0 : i32
      %dma_start3A_192 = tpu.memref_slice %arg4[%arg1, %min3A_190, %dma_start3A_191] : memref<16x160x128xi32, #tpu.memory_space<hbm>> -> memref<1x1x128xi32, #tpu.memory_space<hbm>>
      %dma_start3A_193 = tpu.memref_squeeze %dma_start3A_192 : memref<1x1x128xi32, #tpu.memory_space<hbm>> -> memref<128xi32, #tpu.memory_space<hbm>>
      %dma_start3A_194 = arith.constant 0 : i32
      %dma_start3A_195 = tpu.memref_slice %arg4[%arg1, %min3A_190, %dma_start3A_194] : memref<16x160x128xi32, #tpu.memory_space<hbm>> -> memref<1x1x128xi32, #tpu.memory_space<hbm>>
      %dma_start3A_196 = tpu.memref_squeeze %dma_start3A_195 : memref<1x1x128xi32, #tpu.memory_space<hbm>> -> memref<128xi32, #tpu.memory_space<hbm>>
      tpu.enqueue_dma source(%dma_start3A_196 : memref<128xi32, #tpu.memory_space<hbm>>) target(%arg11 : memref<128xi32, #tpu.memory_space<vmem>>) target_semaphore(%arg22 : memref<!tpu.dma_semaphore, #tpu.memory_space<semaphore_mem>>)
      %dma_start3A_197 = arith.constant 0 : i32
      %dma_start3A_198 = tpu.memref_slice %arg5[%arg1, %min3A_190, %dma_start3A_197] : memref<16x160x128xf32, #tpu.memory_space<hbm>> -> memref<1x1x128xf32, #tpu.memory_space<hbm>>
      %dma_start3A_199 = tpu.memref_squeeze %dma_start3A_198 : memref<1x1x128xf32, #tpu.memory_space<hbm>> -> memref<128xf32, #tpu.memory_space<hbm>>
      %dma_start3A_200 = arith.constant 0 : i32
      %dma_start3A_201 = tpu.memref_slice %arg5[%arg1, %min3A_190, %dma_start3A_200] : memref<16x160x128xf32, #tpu.memory_space<hbm>> -> memref<1x1x128xf32, #tpu.memory_space<hbm>>
      %dma_start3A_202 = tpu.memref_squeeze %dma_start3A_201 : memref<1x1x128xf32, #tpu.memory_space<hbm>> -> memref<128xf32, #tpu.memory_space<hbm>>
      tpu.enqueue_dma source(%dma_start3A_202 : memref<128xf32, #tpu.memory_space<hbm>>) target(%arg13 : memref<128xf32, #tpu.memory_space<vmem>>) target_semaphore(%arg22 : memref<!tpu.dma_semaphore, #tpu.memory_space<semaphore_mem>>)
      %add3A_203 = arith.constant 1 : i32
      %add3A_204 = arith.addi %mul3A_140, %add3A_203 : i32
      %dma_wait3A_205 = arith.constant 0 : i32
      %dma_wait3A_206 = arith.constant 0 : i32
      %dma_wait3A_207 = tpu.memref_slice %arg7[%dma_wait3A_205, %dma_wait3A_206] : memref<10240x32xi32, #tpu.memory_space<vmem_shared>> -> memref<10240x32xi32, #tpu.memory_space<vmem_shared>>
      tpu.wait_indirect_dma semaphore(%arg19 : memref<!tpu.dma_semaphore, #tpu.memory_space<semaphore_mem>>) src(%dma_wait3A_207 : memref<10240x32xi32, #tpu.memory_space<vmem_shared>>) dst(%arg16 : memref<128x32xi32, #tpu.memory_space<vmem>>)
      %dma_wait3A_208 = arith.constant 0 : i32
      %dma_wait3A_209 = arith.constant 0 : i32
      %dma_wait3A_210 = arith.constant 0 : i32
      %dma_wait3A_211 = tpu.memref_slice %arg3[%dma_wait3A_208, %dma_wait3A_209, %dma_wait3A_210] : memref<16x160x128xi32, #tpu.memory_space<hbm>> -> memref<1x1x128xi32, #tpu.memory_space<hbm>>
      %dma_wait3A_212 = tpu.memref_squeeze %dma_wait3A_211 : memref<1x1x128xi32, #tpu.memory_space<hbm>> -> memref<128xi32, #tpu.memory_space<hbm>>
      %dma_wait3A_213 = arith.constant 0 : i32
      %dma_wait3A_214 = tpu.memref_slice %arg3[%dma_wait3A_208, %dma_wait3A_209, %dma_wait3A_213] : memref<16x160x128xi32, #tpu.memory_space<hbm>> -> memref<1x1x128xi32, #tpu.memory_space<hbm>>
      %dma_wait3A_215 = tpu.memref_squeeze %dma_wait3A_214 : memref<1x1x128xi32, #tpu.memory_space<hbm>> -> memref<128xi32, #tpu.memory_space<hbm>>
      tpu.wait_dma2 semaphore(%arg20 : memref<!tpu.dma_semaphore, #tpu.memory_space<semaphore_mem>>) src(%dma_wait3A_215 : memref<128xi32, #tpu.memory_space<hbm>>) dst(%arg9 : memref<128xi32, #tpu.memory_space<vmem>>)
      %dma_start3A_216 = arith.constant 0 : i32
      %dma_start3A_217 = arith.constant 0 : i32
      %dma_start3A_218 = tpu.memref_slice %arg7[%dma_start3A_216, %dma_start3A_217] : memref<10240x32xi32, #tpu.memory_space<vmem_shared>> -> memref<10240x32xi32, #tpu.memory_space<vmem_shared>>
      tpu.enqueue_indirect_dma source(%dma_start3A_218 : memref<10240x32xi32, #tpu.memory_space<vmem_shared>>) target(%arg15 : memref<128x32xi32, #tpu.memory_space<vmem>>) offsets(%arg9 : memref<128xi32, #tpu.memory_space<vmem>>) semaphore(%arg18 : memref<!tpu.dma_semaphore, #tpu.memory_space<semaphore_mem>>)
      %add3A_219 = arith.constant 2 : i32
      %add3A_220 = arith.addi %add3A_204, %add3A_219 : i32
      %min3A_221 = arith.constant 159 : i32
      %min3A_222 = arith.minsi %add3A_220, %min3A_221 : i32
      %dma_start3A_223 = arith.constant 0 : i32
      %dma_start3A_224 = tpu.memref_slice %arg3[%arg1, %min3A_222, %dma_start3A_223] : memref<16x160x128xi32, #tpu.memory_space<hbm>> -> memref<1x1x128xi32, #tpu.memory_space<hbm>>
      %dma_start3A_225 = tpu.memref_squeeze %dma_start3A_224 : memref<1x1x128xi32, #tpu.memory_space<hbm>> -> memref<128xi32, #tpu.memory_space<hbm>>
      %dma_start3A_226 = arith.constant 0 : i32
      %dma_start3A_227 = tpu.memref_slice %arg3[%arg1, %min3A_222, %dma_start3A_226] : memref<16x160x128xi32, #tpu.memory_space<hbm>> -> memref<1x1x128xi32, #tpu.memory_space<hbm>>
      %dma_start3A_228 = tpu.memref_squeeze %dma_start3A_227 : memref<1x1x128xi32, #tpu.memory_space<hbm>> -> memref<128xi32, #tpu.memory_space<hbm>>
      tpu.enqueue_dma source(%dma_start3A_228 : memref<128xi32, #tpu.memory_space<hbm>>) target(%arg10 : memref<128xi32, #tpu.memory_space<vmem>>) target_semaphore(%arg21 : memref<!tpu.dma_semaphore, #tpu.memory_space<semaphore_mem>>)
      %dma_wait3A_229 = arith.constant 0 : i32
      %dma_wait3A_230 = arith.constant 0 : i32
      %dma_wait3A_231 = arith.constant 0 : i32
      %dma_wait3A_232 = tpu.memref_slice %arg4[%dma_wait3A_229, %dma_wait3A_230, %dma_wait3A_231] : memref<16x160x128xi32, #tpu.memory_space<hbm>> -> memref<1x1x128xi32, #tpu.memory_space<hbm>>
      %dma_wait3A_233 = tpu.memref_squeeze %dma_wait3A_232 : memref<1x1x128xi32, #tpu.memory_space<hbm>> -> memref<128xi32, #tpu.memory_space<hbm>>
      %dma_wait3A_234 = arith.constant 0 : i32
      %dma_wait3A_235 = tpu.memref_slice %arg4[%dma_wait3A_229, %dma_wait3A_230, %dma_wait3A_234] : memref<16x160x128xi32, #tpu.memory_space<hbm>> -> memref<1x1x128xi32, #tpu.memory_space<hbm>>
      %dma_wait3A_236 = tpu.memref_squeeze %dma_wait3A_235 : memref<1x1x128xi32, #tpu.memory_space<hbm>> -> memref<128xi32, #tpu.memory_space<hbm>>
      tpu.wait_dma2 semaphore(%arg23 : memref<!tpu.dma_semaphore, #tpu.memory_space<semaphore_mem>>) src(%dma_wait3A_236 : memref<128xi32, #tpu.memory_space<hbm>>) dst(%arg12 : memref<128xi32, #tpu.memory_space<vmem>>)
      %dma_wait3A_237 = arith.constant 0 : i32
      %dma_wait3A_238 = arith.constant 0 : i32
      %dma_wait3A_239 = arith.constant 0 : i32
      %dma_wait3A_240 = tpu.memref_slice %arg5[%dma_wait3A_237, %dma_wait3A_238, %dma_wait3A_239] : memref<16x160x128xf32, #tpu.memory_space<hbm>> -> memref<1x1x128xf32, #tpu.memory_space<hbm>>
      %dma_wait3A_241 = tpu.memref_squeeze %dma_wait3A_240 : memref<1x1x128xf32, #tpu.memory_space<hbm>> -> memref<128xf32, #tpu.memory_space<hbm>>
      %dma_wait3A_242 = arith.constant 0 : i32
      %dma_wait3A_243 = tpu.memref_slice %arg5[%dma_wait3A_237, %dma_wait3A_238, %dma_wait3A_242] : memref<16x160x128xf32, #tpu.memory_space<hbm>> -> memref<1x1x128xf32, #tpu.memory_space<hbm>>
      %dma_wait3A_244 = tpu.memref_squeeze %dma_wait3A_243 : memref<1x1x128xf32, #tpu.memory_space<hbm>> -> memref<128xf32, #tpu.memory_space<hbm>>
      tpu.wait_dma2 semaphore(%arg23 : memref<!tpu.dma_semaphore, #tpu.memory_space<semaphore_mem>>) src(%dma_wait3A_244 : memref<128xf32, #tpu.memory_space<hbm>>) dst(%arg14 : memref<128xf32, #tpu.memory_space<vmem>>)
      %scan3A_245 = arith.constant 0 : i32
      %scan3A_246 = arith.constant 0 : i32
      %scan3A_247 = arith.constant 8 : i32
      %scan3A_248 = arith.addi %scan3A_246, %scan3A_247 : i32
      %scan3A_249 = arith.constant 1 : i32
      scf.for %scan3A_267 = %scan3A_246 to %scan3A_248 step %scan3A_249  : i32 {
        %mul3A_268 = arith.constant 16 : i32
        %mul3A_269 = arith.muli %scan3A_267, %mul3A_268 : i32
        %get3A = arith.index_cast %mul3A_269 : i32 to index
        %get3A_270 = tpu.vector_load %arg14[%get3A] {strides = array<i32>} : memref<128xf32, #tpu.memory_space<vmem>>, vector<16xf32>,
        %get3A_271 = vector.shape_cast %get3A_270 : vector<16xf32> to vector<16xf32>
        %add3A_272 = arith.constant 0 : i32
        %add3A_273 = arith.addi %mul3A_269, %add3A_272 : i32
        %slice3A = vector.extract_strided_slice %get3A_271 {offsets = [0], sizes = [1], strides = [1]} : vector<16xf32> to vector<1xf32>
        %squeeze3A = vector.extract %slice3A[0] : f32 from vector<1xf32>
        %broadcast_in_dim3A_274 = vector.broadcast %squeeze3A : f32 to vector<16xf32>
        %get3A_275 = arith.index_cast %add3A_273 : i32 to index
        %get3A_276 = arith.constant 0 : index
        %get3A_277 = tpu.vector_load %arg16[%get3A_275, %get3A_276] {strides = array<i32>} : memref<128x32xi32, #tpu.memory_space<vmem>>, vector<1x16xi32>,
        %get3A_278 = vector.shape_cast %get3A_277 : vector<1x16xi32> to vector<16xi32>
        %shift_left3A = arith.constant 16 : i32
        %shift_left3A_279 = vector.broadcast %shift_left3A : i32 to vector<16xi32>
        %shift_left3A_280 = arith.shli %get3A_278, %shift_left3A_279 : vector<16xi32>
        %bitcast_convert_type3A = tpu.bitcast %shift_left3A_280 : vector<16xi32> -> vector<16xf32>
        %and3A = arith.constant -65536 : i32
        %and3A_281 = vector.broadcast %and3A : i32 to vector<16xi32>
        %and3A_282 = arith.andi %get3A_278, %and3A_281 : vector<16xi32>
        %bitcast_convert_type3A_283 = tpu.bitcast %and3A_282 : vector<16xi32> -> vector<16xf32>
        %mul3A_284 = arith.mulf %bitcast_convert_type3A, %broadcast_in_dim3A_274 : vector<16xf32>
        %swap3A = arith.index_cast %add3A_273 : i32 to index
        %swap3A_285 = arith.constant 0 : index
        %swap3A_286 = tpu.vector_load %arg17[%swap3A, %swap3A_285] {strides = array<i32>} : memref<128x64xf32, #tpu.memory_space<vmem>>, vector<1x16xf32>,
        %swap3A_287 = vector.shape_cast %swap3A_286 : vector<1x16xf32> to vector<16xf32>
        %swap3A_288 = vector.shape_cast %mul3A_284 : vector<16xf32> to vector<1x16xf32>
        tpu.vector_store %arg17[%swap3A, %swap3A_285], %swap3A_288 {strides = array<i32>} : memref<128x64xf32, #tpu.memory_space<vmem>>, vector<1x16xf32>,
        %mul3A_289 = arith.mulf %bitcast_convert_type3A_283, %broadcast_in_dim3A_274 : vector<16xf32>
        %swap3A_290 = arith.index_cast %add3A_273 : i32 to index
        %swap3A_291 = arith.constant 16 : index
        %swap3A_292 = tpu.vector_load %arg17[%swap3A_290, %swap3A_291] {strides = array<i32>} : memref<128x64xf32, #tpu.memory_space<vmem>>, vector<1x16xf32>,
        %swap3A_293 = vector.shape_cast %swap3A_292 : vector<1x16xf32> to vector<16xf32>
        %swap3A_294 = vector.shape_cast %mul3A_289 : vector<16xf32> to vector<1x16xf32>
        tpu.vector_store %arg17[%swap3A_290, %swap3A_291], %swap3A_294 {strides = array<i32>} : memref<128x64xf32, #tpu.memory_space<vmem>>, vector<1x16xf32>,
        %get3A_295 = arith.index_cast %add3A_273 : i32 to index
        %get3A_296 = arith.constant 16 : index
        %get3A_297 = tpu.vector_load %arg16[%get3A_295, %get3A_296] {strides = array<i32>} : memref<128x32xi32, #tpu.memory_space<vmem>>, vector<1x16xi32>,
        %get3A_298 = vector.shape_cast %get3A_297 : vector<1x16xi32> to vector<16xi32>
        %shift_left3A_299 = arith.constant 16 : i32
        %shift_left3A_300 = vector.broadcast %shift_left3A_299 : i32 to vector<16xi32>
        %shift_left3A_301 = arith.shli %get3A_298, %shift_left3A_300 : vector<16xi32>
        %bitcast_convert_type3A_302 = tpu.bitcast %shift_left3A_301 : vector<16xi32> -> vector<16xf32>
        %and3A_303 = arith.constant -65536 : i32
        %and3A_304 = vector.broadcast %and3A_303 : i32 to vector<16xi32>
        %and3A_305 = arith.andi %get3A_298, %and3A_304 : vector<16xi32>
        %bitcast_convert_type3A_306 = tpu.bitcast %and3A_305 : vector<16xi32> -> vector<16xf32>
        %mul3A_307 = arith.mulf %bitcast_convert_type3A_302, %broadcast_in_dim3A_274 : vector<16xf32>
        %swap3A_308 = arith.index_cast %add3A_273 : i32 to index
        %swap3A_309 = arith.constant 32 : index
        %swap3A_310 = tpu.vector_load %arg17[%swap3A_308, %swap3A_309] {strides = array<i32>} : memref<128x64xf32, #tpu.memory_space<vmem>>, vector<1x16xf32>,
        %swap3A_311 = vector.shape_cast %swap3A_310 : vector<1x16xf32> to vector<16xf32>
        %swap3A_312 = vector.shape_cast %mul3A_307 : vector<16xf32> to vector<1x16xf32>
        tpu.vector_store %arg17[%swap3A_308, %swap3A_309], %swap3A_312 {strides = array<i32>} : memref<128x64xf32, #tpu.memory_space<vmem>>, vector<1x16xf32>,
        %mul3A_313 = arith.mulf %bitcast_convert_type3A_306, %broadcast_in_dim3A_274 : vector<16xf32>
        %swap3A_314 = arith.index_cast %add3A_273 : i32 to index
        %swap3A_315 = arith.constant 48 : index
        %swap3A_316 = tpu.vector_load %arg17[%swap3A_314, %swap3A_315] {strides = array<i32>} : memref<128x64xf32, #tpu.memory_space<vmem>>, vector<1x16xf32>,
        %swap3A_317 = vector.shape_cast %swap3A_316 : vector<1x16xf32> to vector<16xf32>
        %swap3A_318 = vector.shape_cast %mul3A_313 : vector<16xf32> to vector<1x16xf32>
        tpu.vector_store %arg17[%swap3A_314, %swap3A_315], %swap3A_318 {strides = array<i32>} : memref<128x64xf32, #tpu.memory_space<vmem>>, vector<1x16xf32>,
        %add3A_319 = arith.constant 1 : i32
        %add3A_320 = arith.addi %mul3A_269, %add3A_319 : i32
        %slice3A_321 = vector.extract_strided_slice %get3A_271 {offsets = [1], sizes = [1], strides = [1]} : vector<16xf32> to vector<1xf32>
        %squeeze3A_322 = vector.extract %slice3A_321[0] : f32 from vector<1xf32>
        %broadcast_in_dim3A_323 = vector.broadcast %squeeze3A_322 : f32 to vector<16xf32>
        %get3A_324 = arith.index_cast %add3A_320 : i32 to index
        %get3A_325 = arith.constant 0 : index
        %get3A_326 = tpu.vector_load %arg16[%get3A_324, %get3A_325] {strides = array<i32>} : memref<128x32xi32, #tpu.memory_space<vmem>>, vector<1x16xi32>,
        %get3A_327 = vector.shape_cast %get3A_326 : vector<1x16xi32> to vector<16xi32>
        %shift_left3A_328 = arith.constant 16 : i32
        %shift_left3A_329 = vector.broadcast %shift_left3A_328 : i32 to vector<16xi32>
        %shift_left3A_330 = arith.shli %get3A_327, %shift_left3A_329 : vector<16xi32>
        %bitcast_convert_type3A_331 = tpu.bitcast %shift_left3A_330 : vector<16xi32> -> vector<16xf32>
        %and3A_332 = arith.constant -65536 : i32
        %and3A_333 = vector.broadcast %and3A_332 : i32 to vector<16xi32>
        %and3A_334 = arith.andi %get3A_327, %and3A_333 : vector<16xi32>
        %bitcast_convert_type3A_335 = tpu.bitcast %and3A_334 : vector<16xi32> -> vector<16xf32>
        %mul3A_336 = arith.mulf %bitcast_convert_type3A_331, %broadcast_in_dim3A_323 : vector<16xf32>
        %swap3A_337 = arith.index_cast %add3A_320 : i32 to index
        %swap3A_338 = arith.constant 0 : index
        %swap3A_339 = tpu.vector_load %arg17[%swap3A_337, %swap3A_338] {strides = array<i32>} : memref<128x64xf32, #tpu.memory_space<vmem>>, vector<1x16xf32>,
        %swap3A_340 = vector.shape_cast %swap3A_339 : vector<1x16xf32> to vector<16xf32>
        %swap3A_341 = vector.shape_cast %mul3A_336 : vector<16xf32> to vector<1x16xf32>
        tpu.vector_store %arg17[%swap3A_337, %swap3A_338], %swap3A_341 {strides = array<i32>} : memref<128x64xf32, #tpu.memory_space<vmem>>, vector<1x16xf32>,
        %mul3A_342 = arith.mulf %bitcast_convert_type3A_335, %broadcast_in_dim3A_323 : vector<16xf32>
        %swap3A_343 = arith.index_cast %add3A_320 : i32 to index
        %swap3A_344 = arith.constant 16 : index
        %swap3A_345 = tpu.vector_load %arg17[%swap3A_343, %swap3A_344] {strides = array<i32>} : memref<128x64xf32, #tpu.memory_space<vmem>>, vector<1x16xf32>,
        %swap3A_346 = vector.shape_cast %swap3A_345 : vector<1x16xf32> to vector<16xf32>
        %swap3A_347 = vector.shape_cast %mul3A_342 : vector<16xf32> to vector<1x16xf32>
        tpu.vector_store %arg17[%swap3A_343, %swap3A_344], %swap3A_347 {strides = array<i32>} : memref<128x64xf32, #tpu.memory_space<vmem>>, vector<1x16xf32>,
        %get3A_348 = arith.index_cast %add3A_320 : i32 to index
        %get3A_349 = arith.constant 16 : index
        %get3A_350 = tpu.vector_load %arg16[%get3A_348, %get3A_349] {strides = array<i32>} : memref<128x32xi32, #tpu.memory_space<vmem>>, vector<1x16xi32>,
        %get3A_351 = vector.shape_cast %get3A_350 : vector<1x16xi32> to vector<16xi32>
        %shift_left3A_352 = arith.constant 16 : i32
        %shift_left3A_353 = vector.broadcast %shift_left3A_352 : i32 to vector<16xi32>
        %shift_left3A_354 = arith.shli %get3A_351, %shift_left3A_353 : vector<16xi32>
        %bitcast_convert_type3A_355 = tpu.bitcast %shift_left3A_354 : vector<16xi32> -> vector<16xf32>
        %and3A_356 = arith.constant -65536 : i32
        %and3A_357 = vector.broadcast %and3A_356 : i32 to vector<16xi32>
        %and3A_358 = arith.andi %get3A_351, %and3A_357 : vector<16xi32>
        %bitcast_convert_type3A_359 = tpu.bitcast %and3A_358 : vector<16xi32> -> vector<16xf32>
        %mul3A_360 = arith.mulf %bitcast_convert_type3A_355, %broadcast_in_dim3A_323 : vector<16xf32>
        %swap3A_361 = arith.index_cast %add3A_320 : i32 to index
        %swap3A_362 = arith.constant 32 : index
        %swap3A_363 = tpu.vector_load %arg17[%swap3A_361, %swap3A_362] {strides = array<i32>} : memref<128x64xf32, #tpu.memory_space<vmem>>, vector<1x16xf32>,
        %swap3A_364 = vector.shape_cast %swap3A_363 : vector<1x16xf32> to vector<16xf32>
        %swap3A_365 = vector.shape_cast %mul3A_360 : vector<16xf32> to vector<1x16xf32>
        tpu.vector_store %arg17[%swap3A_361, %swap3A_362], %swap3A_365 {strides = array<i32>} : memref<128x64xf32, #tpu.memory_space<vmem>>, vector<1x16xf32>,
        %mul3A_366 = arith.mulf %bitcast_convert_type3A_359, %broadcast_in_dim3A_323 : vector<16xf32>
        %swap3A_367 = arith.index_cast %add3A_320 : i32 to index
        %swap3A_368 = arith.constant 48 : index
        %swap3A_369 = tpu.vector_load %arg17[%swap3A_367, %swap3A_368] {strides = array<i32>} : memref<128x64xf32, #tpu.memory_space<vmem>>, vector<1x16xf32>,
        %swap3A_370 = vector.shape_cast %swap3A_369 : vector<1x16xf32> to vector<16xf32>
        %swap3A_371 = vector.shape_cast %mul3A_366 : vector<16xf32> to vector<1x16xf32>
        tpu.vector_store %arg17[%swap3A_367, %swap3A_368], %swap3A_371 {strides = array<i32>} : memref<128x64xf32, #tpu.memory_space<vmem>>, vector<1x16xf32>,
        %add3A_372 = arith.constant 2 : i32
        %add3A_373 = arith.addi %mul3A_269, %add3A_372 : i32
        %slice3A_374 = vector.extract_strided_slice %get3A_271 {offsets = [2], sizes = [1], strides = [1]} : vector<16xf32> to vector<1xf32>
        %squeeze3A_375 = vector.extract %slice3A_374[0] : f32 from vector<1xf32>
        %broadcast_in_dim3A_376 = vector.broadcast %squeeze3A_375 : f32 to vector<16xf32>
        %get3A_377 = arith.index_cast %add3A_373 : i32 to index
        %get3A_378 = arith.constant 0 : index
        %get3A_379 = tpu.vector_load %arg16[%get3A_377, %get3A_378] {strides = array<i32>} : memref<128x32xi32, #tpu.memory_space<vmem>>, vector<1x16xi32>,
        %get3A_380 = vector.shape_cast %get3A_379 : vector<1x16xi32> to vector<16xi32>
        %shift_left3A_381 = arith.constant 16 : i32
        %shift_left3A_382 = vector.broadcast %shift_left3A_381 : i32 to vector<16xi32>
        %shift_left3A_383 = arith.shli %get3A_380, %shift_left3A_382 : vector<16xi32>
        %bitcast_convert_type3A_384 = tpu.bitcast %shift_left3A_383 : vector<16xi32> -> vector<16xf32>
        %and3A_385 = arith.constant -65536 : i32
        %and3A_386 = vector.broadcast %and3A_385 : i32 to vector<16xi32>
        %and3A_387 = arith.andi %get3A_380, %and3A_386 : vector<16xi32>
        %bitcast_convert_type3A_388 = tpu.bitcast %and3A_387 : vector<16xi32> -> vector<16xf32>
        %mul3A_389 = arith.mulf %bitcast_convert_type3A_384, %broadcast_in_dim3A_376 : vector<16xf32>
        %swap3A_390 = arith.index_cast %add3A_373 : i32 to index
        %swap3A_391 = arith.constant 0 : index
        %swap3A_392 = tpu.vector_load %arg17[%swap3A_390, %swap3A_391] {strides = array<i32>} : memref<128x64xf32, #tpu.memory_space<vmem>>, vector<1x16xf32>,
        %swap3A_393 = vector.shape_cast %swap3A_392 : vector<1x16xf32> to vector<16xf32>
        %swap3A_394 = vector.shape_cast %mul3A_389 : vector<16xf32> to vector<1x16xf32>
        tpu.vector_store %arg17[%swap3A_390, %swap3A_391], %swap3A_394 {strides = array<i32>} : memref<128x64xf32, #tpu.memory_space<vmem>>, vector<1x16xf32>,
        %mul3A_395 = arith.mulf %bitcast_convert_type3A_388, %broadcast_in_dim3A_376 : vector<16xf32>
        %swap3A_396 = arith.index_cast %add3A_373 : i32 to index
        %swap3A_397 = arith.constant 16 : index
        %swap3A_398 = tpu.vector_load %arg17[%swap3A_396, %swap3A_397] {strides = array<i32>} : memref<128x64xf32, #tpu.memory_space<vmem>>, vector<1x16xf32>,
        %swap3A_399 = vector.shape_cast %swap3A_398 : vector<1x16xf32> to vector<16xf32>
        %swap3A_400 = vector.shape_cast %mul3A_395 : vector<16xf32> to vector<1x16xf32>
        tpu.vector_store %arg17[%swap3A_396, %swap3A_397], %swap3A_400 {strides = array<i32>} : memref<128x64xf32, #tpu.memory_space<vmem>>, vector<1x16xf32>,
        %get3A_401 = arith.index_cast %add3A_373 : i32 to index
        %get3A_402 = arith.constant 16 : index
        %get3A_403 = tpu.vector_load %arg16[%get3A_401, %get3A_402] {strides = array<i32>} : memref<128x32xi32, #tpu.memory_space<vmem>>, vector<1x16xi32>,
        %get3A_404 = vector.shape_cast %get3A_403 : vector<1x16xi32> to vector<16xi32>
        %shift_left3A_405 = arith.constant 16 : i32
        %shift_left3A_406 = vector.broadcast %shift_left3A_405 : i32 to vector<16xi32>
        %shift_left3A_407 = arith.shli %get3A_404, %shift_left3A_406 : vector<16xi32>
        %bitcast_convert_type3A_408 = tpu.bitcast %shift_left3A_407 : vector<16xi32> -> vector<16xf32>
        %and3A_409 = arith.constant -65536 : i32
        %and3A_410 = vector.broadcast %and3A_409 : i32 to vector<16xi32>
        %and3A_411 = arith.andi %get3A_404, %and3A_410 : vector<16xi32>
        %bitcast_convert_type3A_412 = tpu.bitcast %and3A_411 : vector<16xi32> -> vector<16xf32>
        %mul3A_413 = arith.mulf %bitcast_convert_type3A_408, %broadcast_in_dim3A_376 : vector<16xf32>
        %swap3A_414 = arith.index_cast %add3A_373 : i32 to index
        %swap3A_415 = arith.constant 32 : index
        %swap3A_416 = tpu.vector_load %arg17[%swap3A_414, %swap3A_415] {strides = array<i32>} : memref<128x64xf32, #tpu.memory_space<vmem>>, vector<1x16xf32>,
        %swap3A_417 = vector.shape_cast %swap3A_416 : vector<1x16xf32> to vector<16xf32>
        %swap3A_418 = vector.shape_cast %mul3A_413 : vector<16xf32> to vector<1x16xf32>
        tpu.vector_store %arg17[%swap3A_414, %swap3A_415], %swap3A_418 {strides = array<i32>} : memref<128x64xf32, #tpu.memory_space<vmem>>, vector<1x16xf32>,
        %mul3A_419 = arith.mulf %bitcast_convert_type3A_412, %broadcast_in_dim3A_376 : vector<16xf32>
        %swap3A_420 = arith.index_cast %add3A_373 : i32 to index
        %swap3A_421 = arith.constant 48 : index
        %swap3A_422 = tpu.vector_load %arg17[%swap3A_420, %swap3A_421] {strides = array<i32>} : memref<128x64xf32, #tpu.memory_space<vmem>>, vector<1x16xf32>,
        %swap3A_423 = vector.shape_cast %swap3A_422 : vector<1x16xf32> to vector<16xf32>
        %swap3A_424 = vector.shape_cast %mul3A_419 : vector<16xf32> to vector<1x16xf32>
        tpu.vector_store %arg17[%swap3A_420, %swap3A_421], %swap3A_424 {strides = array<i32>} : memref<128x64xf32, #tpu.memory_space<vmem>>, vector<1x16xf32>,
        %add3A_425 = arith.constant 3 : i32
        %add3A_426 = arith.addi %mul3A_269, %add3A_425 : i32
        %slice3A_427 = vector.extract_strided_slice %get3A_271 {offsets = [3], sizes = [1], strides = [1]} : vector<16xf32> to vector<1xf32>
        %squeeze3A_428 = vector.extract %slice3A_427[0] : f32 from vector<1xf32>
        %broadcast_in_dim3A_429 = vector.broadcast %squeeze3A_428 : f32 to vector<16xf32>
        %get3A_430 = arith.index_cast %add3A_426 : i32 to index
        %get3A_431 = arith.constant 0 : index
        %get3A_432 = tpu.vector_load %arg16[%get3A_430, %get3A_431] {strides = array<i32>} : memref<128x32xi32, #tpu.memory_space<vmem>>, vector<1x16xi32>,
        %get3A_433 = vector.shape_cast %get3A_432 : vector<1x16xi32> to vector<16xi32>
        %shift_left3A_434 = arith.constant 16 : i32
        %shift_left3A_435 = vector.broadcast %shift_left3A_434 : i32 to vector<16xi32>
        %shift_left3A_436 = arith.shli %get3A_433, %shift_left3A_435 : vector<16xi32>
        %bitcast_convert_type3A_437 = tpu.bitcast %shift_left3A_436 : vector<16xi32> -> vector<16xf32>
        %and3A_438 = arith.constant -65536 : i32
        %and3A_439 = vector.broadcast %and3A_438 : i32 to vector<16xi32>
        %and3A_440 = arith.andi %get3A_433, %and3A_439 : vector<16xi32>
        %bitcast_convert_type3A_441 = tpu.bitcast %and3A_440 : vector<16xi32> -> vector<16xf32>
        %mul3A_442 = arith.mulf %bitcast_convert_type3A_437, %broadcast_in_dim3A_429 : vector<16xf32>
        %swap3A_443 = arith.index_cast %add3A_426 : i32 to index
        %swap3A_444 = arith.constant 0 : index
        %swap3A_445 = tpu.vector_load %arg17[%swap3A_443, %swap3A_444] {strides = array<i32>} : memref<128x64xf32, #tpu.memory_space<vmem>>, vector<1x16xf32>,
        %swap3A_446 = vector.shape_cast %swap3A_445 : vector<1x16xf32> to vector<16xf32>
        %swap3A_447 = vector.shape_cast %mul3A_442 : vector<16xf32> to vector<1x16xf32>
        tpu.vector_store %arg17[%swap3A_443, %swap3A_444], %swap3A_447 {strides = array<i32>} : memref<128x64xf32, #tpu.memory_space<vmem>>, vector<1x16xf32>,
        %mul3A_448 = arith.mulf %bitcast_convert_type3A_441, %broadcast_in_dim3A_429 : vector<16xf32>
        %swap3A_449 = arith.index_cast %add3A_426 : i32 to index
        %swap3A_450 = arith.constant 16 : index
        %swap3A_451 = tpu.vector_load %arg17[%swap3A_449, %swap3A_450] {strides = array<i32>} : memref<128x64xf32, #tpu.memory_space<vmem>>, vector<1x16xf32>,
        %swap3A_452 = vector.shape_cast %swap3A_451 : vector<1x16xf32> to vector<16xf32>
        %swap3A_453 = vector.shape_cast %mul3A_448 : vector<16xf32> to vector<1x16xf32>
        tpu.vector_store %arg17[%swap3A_449, %swap3A_450], %swap3A_453 {strides = array<i32>} : memref<128x64xf32, #tpu.memory_space<vmem>>, vector<1x16xf32>,
        %get3A_454 = arith.index_cast %add3A_426 : i32 to index
        %get3A_455 = arith.constant 16 : index
        %get3A_456 = tpu.vector_load %arg16[%get3A_454, %get3A_455] {strides = array<i32>} : memref<128x32xi32, #tpu.memory_space<vmem>>, vector<1x16xi32>,
        %get3A_457 = vector.shape_cast %get3A_456 : vector<1x16xi32> to vector<16xi32>
        %shift_left3A_458 = arith.constant 16 : i32
        %shift_left3A_459 = vector.broadcast %shift_left3A_458 : i32 to vector<16xi32>
        %shift_left3A_460 = arith.shli %get3A_457, %shift_left3A_459 : vector<16xi32>
        %bitcast_convert_type3A_461 = tpu.bitcast %shift_left3A_460 : vector<16xi32> -> vector<16xf32>
        %and3A_462 = arith.constant -65536 : i32
        %and3A_463 = vector.broadcast %and3A_462 : i32 to vector<16xi32>
        %and3A_464 = arith.andi %get3A_457, %and3A_463 : vector<16xi32>
        %bitcast_convert_type3A_465 = tpu.bitcast %and3A_464 : vector<16xi32> -> vector<16xf32>
        %mul3A_466 = arith.mulf %bitcast_convert_type3A_461, %broadcast_in_dim3A_429 : vector<16xf32>
        %swap3A_467 = arith.index_cast %add3A_426 : i32 to index
        %swap3A_468 = arith.constant 32 : index
        %swap3A_469 = tpu.vector_load %arg17[%swap3A_467, %swap3A_468] {strides = array<i32>} : memref<128x64xf32, #tpu.memory_space<vmem>>, vector<1x16xf32>,
        %swap3A_470 = vector.shape_cast %swap3A_469 : vector<1x16xf32> to vector<16xf32>
        %swap3A_471 = vector.shape_cast %mul3A_466 : vector<16xf32> to vector<1x16xf32>
        tpu.vector_store %arg17[%swap3A_467, %swap3A_468], %swap3A_471 {strides = array<i32>} : memref<128x64xf32, #tpu.memory_space<vmem>>, vector<1x16xf32>,
        %mul3A_472 = arith.mulf %bitcast_convert_type3A_465, %broadcast_in_dim3A_429 : vector<16xf32>
        %swap3A_473 = arith.index_cast %add3A_426 : i32 to index
        %swap3A_474 = arith.constant 48 : index
        %swap3A_475 = tpu.vector_load %arg17[%swap3A_473, %swap3A_474] {strides = array<i32>} : memref<128x64xf32, #tpu.memory_space<vmem>>, vector<1x16xf32>,
        %swap3A_476 = vector.shape_cast %swap3A_475 : vector<1x16xf32> to vector<16xf32>
        %swap3A_477 = vector.shape_cast %mul3A_472 : vector<16xf32> to vector<1x16xf32>
        tpu.vector_store %arg17[%swap3A_473, %swap3A_474], %swap3A_477 {strides = array<i32>} : memref<128x64xf32, #tpu.memory_space<vmem>>, vector<1x16xf32>,
        %add3A_478 = arith.constant 4 : i32
        %add3A_479 = arith.addi %mul3A_269, %add3A_478 : i32
        %slice3A_480 = vector.extract_strided_slice %get3A_271 {offsets = [4], sizes = [1], strides = [1]} : vector<16xf32> to vector<1xf32>
        %squeeze3A_481 = vector.extract %slice3A_480[0] : f32 from vector<1xf32>
        %broadcast_in_dim3A_482 = vector.broadcast %squeeze3A_481 : f32 to vector<16xf32>
        %get3A_483 = arith.index_cast %add3A_479 : i32 to index
        %get3A_484 = arith.constant 0 : index
        %get3A_485 = tpu.vector_load %arg16[%get3A_483, %get3A_484] {strides = array<i32>} : memref<128x32xi32, #tpu.memory_space<vmem>>, vector<1x16xi32>,
        %get3A_486 = vector.shape_cast %get3A_485 : vector<1x16xi32> to vector<16xi32>
        %shift_left3A_487 = arith.constant 16 : i32
        %shift_left3A_488 = vector.broadcast %shift_left3A_487 : i32 to vector<16xi32>
        %shift_left3A_489 = arith.shli %get3A_486, %shift_left3A_488 : vector<16xi32>
        %bitcast_convert_type3A_490 = tpu.bitcast %shift_left3A_489 : vector<16xi32> -> vector<16xf32>
        %and3A_491 = arith.constant -65536 : i32
        %and3A_492 = vector.broadcast %and3A_491 : i32 to vector<16xi32>
        %and3A_493 = arith.andi %get3A_486, %and3A_492 : vector<16xi32>
        %bitcast_convert_type3A_494 = tpu.bitcast %and3A_493 : vector<16xi32> -> vector<16xf32>
        %mul3A_495 = arith.mulf %bitcast_convert_type3A_490, %broadcast_in_dim3A_482 : vector<16xf32>
        %swap3A_496 = arith.index_cast %add3A_479 : i32 to index
        %swap3A_497 = arith.constant 0 : index
        %swap3A_498 = tpu.vector_load %arg17[%swap3A_496, %swap3A_497] {strides = array<i32>} : memref<128x64xf32, #tpu.memory_space<vmem>>, vector<1x16xf32>,
        %swap3A_499 = vector.shape_cast %swap3A_498 : vector<1x16xf32> to vector<16xf32>
        %swap3A_500 = vector.shape_cast %mul3A_495 : vector<16xf32> to vector<1x16xf32>
        tpu.vector_store %arg17[%swap3A_496, %swap3A_497], %swap3A_500 {strides = array<i32>} : memref<128x64xf32, #tpu.memory_space<vmem>>, vector<1x16xf32>,
        %mul3A_501 = arith.mulf %bitcast_convert_type3A_494, %broadcast_in_dim3A_482 : vector<16xf32>
        %swap3A_502 = arith.index_cast %add3A_479 : i32 to index
        %swap3A_503 = arith.constant 16 : index
        %swap3A_504 = tpu.vector_load %arg17[%swap3A_502, %swap3A_503] {strides = array<i32>} : memref<128x64xf32, #tpu.memory_space<vmem>>, vector<1x16xf32>,
        %swap3A_505 = vector.shape_cast %swap3A_504 : vector<1x16xf32> to vector<16xf32>
        %swap3A_506 = vector.shape_cast %mul3A_501 : vector<16xf32> to vector<1x16xf32>
        tpu.vector_store %arg17[%swap3A_502, %swap3A_503], %swap3A_506 {strides = array<i32>} : memref<128x64xf32, #tpu.memory_space<vmem>>, vector<1x16xf32>,
        %get3A_507 = arith.index_cast %add3A_479 : i32 to index
        %get3A_508 = arith.constant 16 : index
        %get3A_509 = tpu.vector_load %arg16[%get3A_507, %get3A_508] {strides = array<i32>} : memref<128x32xi32, #tpu.memory_space<vmem>>, vector<1x16xi32>,
        %get3A_510 = vector.shape_cast %get3A_509 : vector<1x16xi32> to vector<16xi32>
        %shift_left3A_511 = arith.constant 16 : i32
        %shift_left3A_512 = vector.broadcast %shift_left3A_511 : i32 to vector<16xi32>
        %shift_left3A_513 = arith.shli %get3A_510, %shift_left3A_512 : vector<16xi32>
        %bitcast_convert_type3A_514 = tpu.bitcast %shift_left3A_513 : vector<16xi32> -> vector<16xf32>
        %and3A_515 = arith.constant -65536 : i32
        %and3A_516 = vector.broadcast %and3A_515 : i32 to vector<16xi32>
        %and3A_517 = arith.andi %get3A_510, %and3A_516 : vector<16xi32>
        %bitcast_convert_type3A_518 = tpu.bitcast %and3A_517 : vector<16xi32> -> vector<16xf32>
        %mul3A_519 = arith.mulf %bitcast_convert_type3A_514, %broadcast_in_dim3A_482 : vector<16xf32>
        %swap3A_520 = arith.index_cast %add3A_479 : i32 to index
        %swap3A_521 = arith.constant 32 : index
        %swap3A_522 = tpu.vector_load %arg17[%swap3A_520, %swap3A_521] {strides = array<i32>} : memref<128x64xf32, #tpu.memory_space<vmem>>, vector<1x16xf32>,
        %swap3A_523 = vector.shape_cast %swap3A_522 : vector<1x16xf32> to vector<16xf32>
        %swap3A_524 = vector.shape_cast %mul3A_519 : vector<16xf32> to vector<1x16xf32>
        tpu.vector_store %arg17[%swap3A_520, %swap3A_521], %swap3A_524 {strides = array<i32>} : memref<128x64xf32, #tpu.memory_space<vmem>>, vector<1x16xf32>,
        %mul3A_525 = arith.mulf %bitcast_convert_type3A_518, %broadcast_in_dim3A_482 : vector<16xf32>
        %swap3A_526 = arith.index_cast %add3A_479 : i32 to index
        %swap3A_527 = arith.constant 48 : index
        %swap3A_528 = tpu.vector_load %arg17[%swap3A_526, %swap3A_527] {strides = array<i32>} : memref<128x64xf32, #tpu.memory_space<vmem>>, vector<1x16xf32>,
        %swap3A_529 = vector.shape_cast %swap3A_528 : vector<1x16xf32> to vector<16xf32>
        %swap3A_530 = vector.shape_cast %mul3A_525 : vector<16xf32> to vector<1x16xf32>
        tpu.vector_store %arg17[%swap3A_526, %swap3A_527], %swap3A_530 {strides = array<i32>} : memref<128x64xf32, #tpu.memory_space<vmem>>, vector<1x16xf32>,
        %add3A_531 = arith.constant 5 : i32
        %add3A_532 = arith.addi %mul3A_269, %add3A_531 : i32
        %slice3A_533 = vector.extract_strided_slice %get3A_271 {offsets = [5], sizes = [1], strides = [1]} : vector<16xf32> to vector<1xf32>
        %squeeze3A_534 = vector.extract %slice3A_533[0] : f32 from vector<1xf32>
        %broadcast_in_dim3A_535 = vector.broadcast %squeeze3A_534 : f32 to vector<16xf32>
        %get3A_536 = arith.index_cast %add3A_532 : i32 to index
        %get3A_537 = arith.constant 0 : index
        %get3A_538 = tpu.vector_load %arg16[%get3A_536, %get3A_537] {strides = array<i32>} : memref<128x32xi32, #tpu.memory_space<vmem>>, vector<1x16xi32>,
        %get3A_539 = vector.shape_cast %get3A_538 : vector<1x16xi32> to vector<16xi32>
        %shift_left3A_540 = arith.constant 16 : i32
        %shift_left3A_541 = vector.broadcast %shift_left3A_540 : i32 to vector<16xi32>
        %shift_left3A_542 = arith.shli %get3A_539, %shift_left3A_541 : vector<16xi32>
        %bitcast_convert_type3A_543 = tpu.bitcast %shift_left3A_542 : vector<16xi32> -> vector<16xf32>
        %and3A_544 = arith.constant -65536 : i32
        %and3A_545 = vector.broadcast %and3A_544 : i32 to vector<16xi32>
        %and3A_546 = arith.andi %get3A_539, %and3A_545 : vector<16xi32>
        %bitcast_convert_type3A_547 = tpu.bitcast %and3A_546 : vector<16xi32> -> vector<16xf32>
        %mul3A_548 = arith.mulf %bitcast_convert_type3A_543, %broadcast_in_dim3A_535 : vector<16xf32>
        %swap3A_549 = arith.index_cast %add3A_532 : i32 to index
        %swap3A_550 = arith.constant 0 : index
        %swap3A_551 = tpu.vector_load %arg17[%swap3A_549, %swap3A_550] {strides = array<i32>} : memref<128x64xf32, #tpu.memory_space<vmem>>, vector<1x16xf32>,
        %swap3A_552 = vector.shape_cast %swap3A_551 : vector<1x16xf32> to vector<16xf32>
        %swap3A_553 = vector.shape_cast %mul3A_548 : vector<16xf32> to vector<1x16xf32>
        tpu.vector_store %arg17[%swap3A_549, %swap3A_550], %swap3A_553 {strides = array<i32>} : memref<128x64xf32, #tpu.memory_space<vmem>>, vector<1x16xf32>,
        %mul3A_554 = arith.mulf %bitcast_convert_type3A_547, %broadcast_in_dim3A_535 : vector<16xf32>
        %swap3A_555 = arith.index_cast %add3A_532 : i32 to index
        %swap3A_556 = arith.constant 16 : index
        %swap3A_557 = tpu.vector_load %arg17[%swap3A_555, %swap3A_556] {strides = array<i32>} : memref<128x64xf32, #tpu.memory_space<vmem>>, vector<1x16xf32>,
        %swap3A_558 = vector.shape_cast %swap3A_557 : vector<1x16xf32> to vector<16xf32>
        %swap3A_559 = vector.shape_cast %mul3A_554 : vector<16xf32> to vector<1x16xf32>
        tpu.vector_store %arg17[%swap3A_555, %swap3A_556], %swap3A_559 {strides = array<i32>} : memref<128x64xf32, #tpu.memory_space<vmem>>, vector<1x16xf32>,
        %get3A_560 = arith.index_cast %add3A_532 : i32 to index
        %get3A_561 = arith.constant 16 : index
        %get3A_562 = tpu.vector_load %arg16[%get3A_560, %get3A_561] {strides = array<i32>} : memref<128x32xi32, #tpu.memory_space<vmem>>, vector<1x16xi32>,
        %get3A_563 = vector.shape_cast %get3A_562 : vector<1x16xi32> to vector<16xi32>
        %shift_left3A_564 = arith.constant 16 : i32
        %shift_left3A_565 = vector.broadcast %shift_left3A_564 : i32 to vector<16xi32>
        %shift_left3A_566 = arith.shli %get3A_563, %shift_left3A_565 : vector<16xi32>
        %bitcast_convert_type3A_567 = tpu.bitcast %shift_left3A_566 : vector<16xi32> -> vector<16xf32>
        %and3A_568 = arith.constant -65536 : i32
        %and3A_569 = vector.broadcast %and3A_568 : i32 to vector<16xi32>
        %and3A_570 = arith.andi %get3A_563, %and3A_569 : vector<16xi32>
        %bitcast_convert_type3A_571 = tpu.bitcast %and3A_570 : vector<16xi32> -> vector<16xf32>
        %mul3A_572 = arith.mulf %bitcast_convert_type3A_567, %broadcast_in_dim3A_535 : vector<16xf32>
        %swap3A_573 = arith.index_cast %add3A_532 : i32 to index
        %swap3A_574 = arith.constant 32 : index
        %swap3A_575 = tpu.vector_load %arg17[%swap3A_573, %swap3A_574] {strides = array<i32>} : memref<128x64xf32, #tpu.memory_space<vmem>>, vector<1x16xf32>,
        %swap3A_576 = vector.shape_cast %swap3A_575 : vector<1x16xf32> to vector<16xf32>
        %swap3A_577 = vector.shape_cast %mul3A_572 : vector<16xf32> to vector<1x16xf32>
        tpu.vector_store %arg17[%swap3A_573, %swap3A_574], %swap3A_577 {strides = array<i32>} : memref<128x64xf32, #tpu.memory_space<vmem>>, vector<1x16xf32>,
        %mul3A_578 = arith.mulf %bitcast_convert_type3A_571, %broadcast_in_dim3A_535 : vector<16xf32>
        %swap3A_579 = arith.index_cast %add3A_532 : i32 to index
        %swap3A_580 = arith.constant 48 : index
        %swap3A_581 = tpu.vector_load %arg17[%swap3A_579, %swap3A_580] {strides = array<i32>} : memref<128x64xf32, #tpu.memory_space<vmem>>, vector<1x16xf32>,
        %swap3A_582 = vector.shape_cast %swap3A_581 : vector<1x16xf32> to vector<16xf32>
        %swap3A_583 = vector.shape_cast %mul3A_578 : vector<16xf32> to vector<1x16xf32>
        tpu.vector_store %arg17[%swap3A_579, %swap3A_580], %swap3A_583 {strides = array<i32>} : memref<128x64xf32, #tpu.memory_space<vmem>>, vector<1x16xf32>,
        %add3A_584 = arith.constant 6 : i32
        %add3A_585 = arith.addi %mul3A_269, %add3A_584 : i32
        %slice3A_586 = vector.extract_strided_slice %get3A_271 {offsets = [6], sizes = [1], strides = [1]} : vector<16xf32> to vector<1xf32>
        %squeeze3A_587 = vector.extract %slice3A_586[0] : f32 from vector<1xf32>
        %broadcast_in_dim3A_588 = vector.broadcast %squeeze3A_587 : f32 to vector<16xf32>
        %get3A_589 = arith.index_cast %add3A_585 : i32 to index
        %get3A_590 = arith.constant 0 : index
        %get3A_591 = tpu.vector_load %arg16[%get3A_589, %get3A_590] {strides = array<i32>} : memref<128x32xi32, #tpu.memory_space<vmem>>, vector<1x16xi32>,
        %get3A_592 = vector.shape_cast %get3A_591 : vector<1x16xi32> to vector<16xi32>
        %shift_left3A_593 = arith.constant 16 : i32
        %shift_left3A_594 = vector.broadcast %shift_left3A_593 : i32 to vector<16xi32>
        %shift_left3A_595 = arith.shli %get3A_592, %shift_left3A_594 : vector<16xi32>
        %bitcast_convert_type3A_596 = tpu.bitcast %shift_left3A_595 : vector<16xi32> -> vector<16xf32>
        %and3A_597 = arith.constant -65536 : i32
        %and3A_598 = vector.broadcast %and3A_597 : i32 to vector<16xi32>
        %and3A_599 = arith.andi %get3A_592, %and3A_598 : vector<16xi32>
        %bitcast_convert_type3A_600 = tpu.bitcast %and3A_599 : vector<16xi32> -> vector<16xf32>
        %mul3A_601 = arith.mulf %bitcast_convert_type3A_596, %broadcast_in_dim3A_588 : vector<16xf32>
        %swap3A_602 = arith.index_cast %add3A_585 : i32 to index
        %swap3A_603 = arith.constant 0 : index
        %swap3A_604 = tpu.vector_load %arg17[%swap3A_602, %swap3A_603] {strides = array<i32>} : memref<128x64xf32, #tpu.memory_space<vmem>>, vector<1x16xf32>,
        %swap3A_605 = vector.shape_cast %swap3A_604 : vector<1x16xf32> to vector<16xf32>
        %swap3A_606 = vector.shape_cast %mul3A_601 : vector<16xf32> to vector<1x16xf32>
        tpu.vector_store %arg17[%swap3A_602, %swap3A_603], %swap3A_606 {strides = array<i32>} : memref<128x64xf32, #tpu.memory_space<vmem>>, vector<1x16xf32>,
        %mul3A_607 = arith.mulf %bitcast_convert_type3A_600, %broadcast_in_dim3A_588 : vector<16xf32>
        %swap3A_608 = arith.index_cast %add3A_585 : i32 to index
        %swap3A_609 = arith.constant 16 : index
        %swap3A_610 = tpu.vector_load %arg17[%swap3A_608, %swap3A_609] {strides = array<i32>} : memref<128x64xf32, #tpu.memory_space<vmem>>, vector<1x16xf32>,
        %swap3A_611 = vector.shape_cast %swap3A_610 : vector<1x16xf32> to vector<16xf32>
        %swap3A_612 = vector.shape_cast %mul3A_607 : vector<16xf32> to vector<1x16xf32>
        tpu.vector_store %arg17[%swap3A_608, %swap3A_609], %swap3A_612 {strides = array<i32>} : memref<128x64xf32, #tpu.memory_space<vmem>>, vector<1x16xf32>,
        %get3A_613 = arith.index_cast %add3A_585 : i32 to index
        %get3A_614 = arith.constant 16 : index
        %get3A_615 = tpu.vector_load %arg16[%get3A_613, %get3A_614] {strides = array<i32>} : memref<128x32xi32, #tpu.memory_space<vmem>>, vector<1x16xi32>,
        %get3A_616 = vector.shape_cast %get3A_615 : vector<1x16xi32> to vector<16xi32>
        %shift_left3A_617 = arith.constant 16 : i32
        %shift_left3A_618 = vector.broadcast %shift_left3A_617 : i32 to vector<16xi32>
        %shift_left3A_619 = arith.shli %get3A_616, %shift_left3A_618 : vector<16xi32>
        %bitcast_convert_type3A_620 = tpu.bitcast %shift_left3A_619 : vector<16xi32> -> vector<16xf32>
        %and3A_621 = arith.constant -65536 : i32
        %and3A_622 = vector.broadcast %and3A_621 : i32 to vector<16xi32>
        %and3A_623 = arith.andi %get3A_616, %and3A_622 : vector<16xi32>
        %bitcast_convert_type3A_624 = tpu.bitcast %and3A_623 : vector<16xi32> -> vector<16xf32>
        %mul3A_625 = arith.mulf %bitcast_convert_type3A_620, %broadcast_in_dim3A_588 : vector<16xf32>
        %swap3A_626 = arith.index_cast %add3A_585 : i32 to index
        %swap3A_627 = arith.constant 32 : index
        %swap3A_628 = tpu.vector_load %arg17[%swap3A_626, %swap3A_627] {strides = array<i32>} : memref<128x64xf32, #tpu.memory_space<vmem>>, vector<1x16xf32>,
        %swap3A_629 = vector.shape_cast %swap3A_628 : vector<1x16xf32> to vector<16xf32>
        %swap3A_630 = vector.shape_cast %mul3A_625 : vector<16xf32> to vector<1x16xf32>
        tpu.vector_store %arg17[%swap3A_626, %swap3A_627], %swap3A_630 {strides = array<i32>} : memref<128x64xf32, #tpu.memory_space<vmem>>, vector<1x16xf32>,
        %mul3A_631 = arith.mulf %bitcast_convert_type3A_624, %broadcast_in_dim3A_588 : vector<16xf32>
        %swap3A_632 = arith.index_cast %add3A_585 : i32 to index
        %swap3A_633 = arith.constant 48 : index
        %swap3A_634 = tpu.vector_load %arg17[%swap3A_632, %swap3A_633] {strides = array<i32>} : memref<128x64xf32, #tpu.memory_space<vmem>>, vector<1x16xf32>,
        %swap3A_635 = vector.shape_cast %swap3A_634 : vector<1x16xf32> to vector<16xf32>
        %swap3A_636 = vector.shape_cast %mul3A_631 : vector<16xf32> to vector<1x16xf32>
        tpu.vector_store %arg17[%swap3A_632, %swap3A_633], %swap3A_636 {strides = array<i32>} : memref<128x64xf32, #tpu.memory_space<vmem>>, vector<1x16xf32>,
        %add3A_637 = arith.constant 7 : i32
        %add3A_638 = arith.addi %mul3A_269, %add3A_637 : i32
        %slice3A_639 = vector.extract_strided_slice %get3A_271 {offsets = [7], sizes = [1], strides = [1]} : vector<16xf32> to vector<1xf32>
        %squeeze3A_640 = vector.extract %slice3A_639[0] : f32 from vector<1xf32>
        %broadcast_in_dim3A_641 = vector.broadcast %squeeze3A_640 : f32 to vector<16xf32>
        %get3A_642 = arith.index_cast %add3A_638 : i32 to index
        %get3A_643 = arith.constant 0 : index
        %get3A_644 = tpu.vector_load %arg16[%get3A_642, %get3A_643] {strides = array<i32>} : memref<128x32xi32, #tpu.memory_space<vmem>>, vector<1x16xi32>,
        %get3A_645 = vector.shape_cast %get3A_644 : vector<1x16xi32> to vector<16xi32>
        %shift_left3A_646 = arith.constant 16 : i32
        %shift_left3A_647 = vector.broadcast %shift_left3A_646 : i32 to vector<16xi32>
        %shift_left3A_648 = arith.shli %get3A_645, %shift_left3A_647 : vector<16xi32>
        %bitcast_convert_type3A_649 = tpu.bitcast %shift_left3A_648 : vector<16xi32> -> vector<16xf32>
        %and3A_650 = arith.constant -65536 : i32
        %and3A_651 = vector.broadcast %and3A_650 : i32 to vector<16xi32>
        %and3A_652 = arith.andi %get3A_645, %and3A_651 : vector<16xi32>
        %bitcast_convert_type3A_653 = tpu.bitcast %and3A_652 : vector<16xi32> -> vector<16xf32>
        %mul3A_654 = arith.mulf %bitcast_convert_type3A_649, %broadcast_in_dim3A_641 : vector<16xf32>
        %swap3A_655 = arith.index_cast %add3A_638 : i32 to index
        %swap3A_656 = arith.constant 0 : index
        %swap3A_657 = tpu.vector_load %arg17[%swap3A_655, %swap3A_656] {strides = array<i32>} : memref<128x64xf32, #tpu.memory_space<vmem>>, vector<1x16xf32>,
        %swap3A_658 = vector.shape_cast %swap3A_657 : vector<1x16xf32> to vector<16xf32>
        %swap3A_659 = vector.shape_cast %mul3A_654 : vector<16xf32> to vector<1x16xf32>
        tpu.vector_store %arg17[%swap3A_655, %swap3A_656], %swap3A_659 {strides = array<i32>} : memref<128x64xf32, #tpu.memory_space<vmem>>, vector<1x16xf32>,
        %mul3A_660 = arith.mulf %bitcast_convert_type3A_653, %broadcast_in_dim3A_641 : vector<16xf32>
        %swap3A_661 = arith.index_cast %add3A_638 : i32 to index
        %swap3A_662 = arith.constant 16 : index
        %swap3A_663 = tpu.vector_load %arg17[%swap3A_661, %swap3A_662] {strides = array<i32>} : memref<128x64xf32, #tpu.memory_space<vmem>>, vector<1x16xf32>,
        %swap3A_664 = vector.shape_cast %swap3A_663 : vector<1x16xf32> to vector<16xf32>
        %swap3A_665 = vector.shape_cast %mul3A_660 : vector<16xf32> to vector<1x16xf32>
        tpu.vector_store %arg17[%swap3A_661, %swap3A_662], %swap3A_665 {strides = array<i32>} : memref<128x64xf32, #tpu.memory_space<vmem>>, vector<1x16xf32>,
        %get3A_666 = arith.index_cast %add3A_638 : i32 to index
        %get3A_667 = arith.constant 16 : index
        %get3A_668 = tpu.vector_load %arg16[%get3A_666, %get3A_667] {strides = array<i32>} : memref<128x32xi32, #tpu.memory_space<vmem>>, vector<1x16xi32>,
        %get3A_669 = vector.shape_cast %get3A_668 : vector<1x16xi32> to vector<16xi32>
        %shift_left3A_670 = arith.constant 16 : i32
        %shift_left3A_671 = vector.broadcast %shift_left3A_670 : i32 to vector<16xi32>
        %shift_left3A_672 = arith.shli %get3A_669, %shift_left3A_671 : vector<16xi32>
        %bitcast_convert_type3A_673 = tpu.bitcast %shift_left3A_672 : vector<16xi32> -> vector<16xf32>
        %and3A_674 = arith.constant -65536 : i32
        %and3A_675 = vector.broadcast %and3A_674 : i32 to vector<16xi32>
        %and3A_676 = arith.andi %get3A_669, %and3A_675 : vector<16xi32>
        %bitcast_convert_type3A_677 = tpu.bitcast %and3A_676 : vector<16xi32> -> vector<16xf32>
        %mul3A_678 = arith.mulf %bitcast_convert_type3A_673, %broadcast_in_dim3A_641 : vector<16xf32>
        %swap3A_679 = arith.index_cast %add3A_638 : i32 to index
        %swap3A_680 = arith.constant 32 : index
        %swap3A_681 = tpu.vector_load %arg17[%swap3A_679, %swap3A_680] {strides = array<i32>} : memref<128x64xf32, #tpu.memory_space<vmem>>, vector<1x16xf32>,
        %swap3A_682 = vector.shape_cast %swap3A_681 : vector<1x16xf32> to vector<16xf32>
        %swap3A_683 = vector.shape_cast %mul3A_678 : vector<16xf32> to vector<1x16xf32>
        tpu.vector_store %arg17[%swap3A_679, %swap3A_680], %swap3A_683 {strides = array<i32>} : memref<128x64xf32, #tpu.memory_space<vmem>>, vector<1x16xf32>,
        %mul3A_684 = arith.mulf %bitcast_convert_type3A_677, %broadcast_in_dim3A_641 : vector<16xf32>
        %swap3A_685 = arith.index_cast %add3A_638 : i32 to index
        %swap3A_686 = arith.constant 48 : index
        %swap3A_687 = tpu.vector_load %arg17[%swap3A_685, %swap3A_686] {strides = array<i32>} : memref<128x64xf32, #tpu.memory_space<vmem>>, vector<1x16xf32>,
        %swap3A_688 = vector.shape_cast %swap3A_687 : vector<1x16xf32> to vector<16xf32>
        %swap3A_689 = vector.shape_cast %mul3A_684 : vector<16xf32> to vector<1x16xf32>
        tpu.vector_store %arg17[%swap3A_685, %swap3A_686], %swap3A_689 {strides = array<i32>} : memref<128x64xf32, #tpu.memory_space<vmem>>, vector<1x16xf32>,
        %add3A_690 = arith.constant 8 : i32
        %add3A_691 = arith.addi %mul3A_269, %add3A_690 : i32
        %slice3A_692 = vector.extract_strided_slice %get3A_271 {offsets = [8], sizes = [1], strides = [1]} : vector<16xf32> to vector<1xf32>
        %squeeze3A_693 = vector.extract %slice3A_692[0] : f32 from vector<1xf32>
        %broadcast_in_dim3A_694 = vector.broadcast %squeeze3A_693 : f32 to vector<16xf32>
        %get3A_695 = arith.index_cast %add3A_691 : i32 to index
        %get3A_696 = arith.constant 0 : index
        %get3A_697 = tpu.vector_load %arg16[%get3A_695, %get3A_696] {strides = array<i32>} : memref<128x32xi32, #tpu.memory_space<vmem>>, vector<1x16xi32>,
        %get3A_698 = vector.shape_cast %get3A_697 : vector<1x16xi32> to vector<16xi32>
        %shift_left3A_699 = arith.constant 16 : i32
        %shift_left3A_700 = vector.broadcast %shift_left3A_699 : i32 to vector<16xi32>
        %shift_left3A_701 = arith.shli %get3A_698, %shift_left3A_700 : vector<16xi32>
        %bitcast_convert_type3A_702 = tpu.bitcast %shift_left3A_701 : vector<16xi32> -> vector<16xf32>
        %and3A_703 = arith.constant -65536 : i32
        %and3A_704 = vector.broadcast %and3A_703 : i32 to vector<16xi32>
        %and3A_705 = arith.andi %get3A_698, %and3A_704 : vector<16xi32>
        %bitcast_convert_type3A_706 = tpu.bitcast %and3A_705 : vector<16xi32> -> vector<16xf32>
        %mul3A_707 = arith.mulf %bitcast_convert_type3A_702, %broadcast_in_dim3A_694 : vector<16xf32>
        %swap3A_708 = arith.index_cast %add3A_691 : i32 to index
        %swap3A_709 = arith.constant 0 : index
        %swap3A_710 = tpu.vector_load %arg17[%swap3A_708, %swap3A_709] {strides = array<i32>} : memref<128x64xf32, #tpu.memory_space<vmem>>, vector<1x16xf32>,
        %swap3A_711 = vector.shape_cast %swap3A_710 : vector<1x16xf32> to vector<16xf32>
        %swap3A_712 = vector.shape_cast %mul3A_707 : vector<16xf32> to vector<1x16xf32>
        tpu.vector_store %arg17[%swap3A_708, %swap3A_709], %swap3A_712 {strides = array<i32>} : memref<128x64xf32, #tpu.memory_space<vmem>>, vector<1x16xf32>,
        %mul3A_713 = arith.mulf %bitcast_convert_type3A_706, %broadcast_in_dim3A_694 : vector<16xf32>
        %swap3A_714 = arith.index_cast %add3A_691 : i32 to index
        %swap3A_715 = arith.constant 16 : index
        %swap3A_716 = tpu.vector_load %arg17[%swap3A_714, %swap3A_715] {strides = array<i32>} : memref<128x64xf32, #tpu.memory_space<vmem>>, vector<1x16xf32>,
        %swap3A_717 = vector.shape_cast %swap3A_716 : vector<1x16xf32> to vector<16xf32>
        %swap3A_718 = vector.shape_cast %mul3A_713 : vector<16xf32> to vector<1x16xf32>
        tpu.vector_store %arg17[%swap3A_714, %swap3A_715], %swap3A_718 {strides = array<i32>} : memref<128x64xf32, #tpu.memory_space<vmem>>, vector<1x16xf32>,
        %get3A_719 = arith.index_cast %add3A_691 : i32 to index
        %get3A_720 = arith.constant 16 : index
        %get3A_721 = tpu.vector_load %arg16[%get3A_719, %get3A_720] {strides = array<i32>} : memref<128x32xi32, #tpu.memory_space<vmem>>, vector<1x16xi32>,
        %get3A_722 = vector.shape_cast %get3A_721 : vector<1x16xi32> to vector<16xi32>
        %shift_left3A_723 = arith.constant 16 : i32
        %shift_left3A_724 = vector.broadcast %shift_left3A_723 : i32 to vector<16xi32>
        %shift_left3A_725 = arith.shli %get3A_722, %shift_left3A_724 : vector<16xi32>
        %bitcast_convert_type3A_726 = tpu.bitcast %shift_left3A_725 : vector<16xi32> -> vector<16xf32>
        %and3A_727 = arith.constant -65536 : i32
        %and3A_728 = vector.broadcast %and3A_727 : i32 to vector<16xi32>
        %and3A_729 = arith.andi %get3A_722, %and3A_728 : vector<16xi32>
        %bitcast_convert_type3A_730 = tpu.bitcast %and3A_729 : vector<16xi32> -> vector<16xf32>
        %mul3A_731 = arith.mulf %bitcast_convert_type3A_726, %broadcast_in_dim3A_694 : vector<16xf32>
        %swap3A_732 = arith.index_cast %add3A_691 : i32 to index
        %swap3A_733 = arith.constant 32 : index
        %swap3A_734 = tpu.vector_load %arg17[%swap3A_732, %swap3A_733] {strides = array<i32>} : memref<128x64xf32, #tpu.memory_space<vmem>>, vector<1x16xf32>,
        %swap3A_735 = vector.shape_cast %swap3A_734 : vector<1x16xf32> to vector<16xf32>
        %swap3A_736 = vector.shape_cast %mul3A_731 : vector<16xf32> to vector<1x16xf32>
        tpu.vector_store %arg17[%swap3A_732, %swap3A_733], %swap3A_736 {strides = array<i32>} : memref<128x64xf32, #tpu.memory_space<vmem>>, vector<1x16xf32>,
        %mul3A_737 = arith.mulf %bitcast_convert_type3A_730, %broadcast_in_dim3A_694 : vector<16xf32>
        %swap3A_738 = arith.index_cast %add3A_691 : i32 to index
        %swap3A_739 = arith.constant 48 : index
        %swap3A_740 = tpu.vector_load %arg17[%swap3A_738, %swap3A_739] {strides = array<i32>} : memref<128x64xf32, #tpu.memory_space<vmem>>, vector<1x16xf32>,
        %swap3A_741 = vector.shape_cast %swap3A_740 : vector<1x16xf32> to vector<16xf32>
        %swap3A_742 = vector.shape_cast %mul3A_737 : vector<16xf32> to vector<1x16xf32>
        tpu.vector_store %arg17[%swap3A_738, %swap3A_739], %swap3A_742 {strides = array<i32>} : memref<128x64xf32, #tpu.memory_space<vmem>>, vector<1x16xf32>,
        %add3A_743 = arith.constant 9 : i32
        %add3A_744 = arith.addi %mul3A_269, %add3A_743 : i32
        %slice3A_745 = vector.extract_strided_slice %get3A_271 {offsets = [9], sizes = [1], strides = [1]} : vector<16xf32> to vector<1xf32>
        %squeeze3A_746 = vector.extract %slice3A_745[0] : f32 from vector<1xf32>
        %broadcast_in_dim3A_747 = vector.broadcast %squeeze3A_746 : f32 to vector<16xf32>
        %get3A_748 = arith.index_cast %add3A_744 : i32 to index
        %get3A_749 = arith.constant 0 : index
        %get3A_750 = tpu.vector_load %arg16[%get3A_748, %get3A_749] {strides = array<i32>} : memref<128x32xi32, #tpu.memory_space<vmem>>, vector<1x16xi32>,
        %get3A_751 = vector.shape_cast %get3A_750 : vector<1x16xi32> to vector<16xi32>
        %shift_left3A_752 = arith.constant 16 : i32
        %shift_left3A_753 = vector.broadcast %shift_left3A_752 : i32 to vector<16xi32>
        %shift_left3A_754 = arith.shli %get3A_751, %shift_left3A_753 : vector<16xi32>
        %bitcast_convert_type3A_755 = tpu.bitcast %shift_left3A_754 : vector<16xi32> -> vector<16xf32>
        %and3A_756 = arith.constant -65536 : i32
        %and3A_757 = vector.broadcast %and3A_756 : i32 to vector<16xi32>
        %and3A_758 = arith.andi %get3A_751, %and3A_757 : vector<16xi32>
        %bitcast_convert_type3A_759 = tpu.bitcast %and3A_758 : vector<16xi32> -> vector<16xf32>
        %mul3A_760 = arith.mulf %bitcast_convert_type3A_755, %broadcast_in_dim3A_747 : vector<16xf32>
        %swap3A_761 = arith.index_cast %add3A_744 : i32 to index
        %swap3A_762 = arith.constant 0 : index
        %swap3A_763 = tpu.vector_load %arg17[%swap3A_761, %swap3A_762] {strides = array<i32>} : memref<128x64xf32, #tpu.memory_space<vmem>>, vector<1x16xf32>,
        %swap3A_764 = vector.shape_cast %swap3A_763 : vector<1x16xf32> to vector<16xf32>
        %swap3A_765 = vector.shape_cast %mul3A_760 : vector<16xf32> to vector<1x16xf32>
        tpu.vector_store %arg17[%swap3A_761, %swap3A_762], %swap3A_765 {strides = array<i32>} : memref<128x64xf32, #tpu.memory_space<vmem>>, vector<1x16xf32>,
        %mul3A_766 = arith.mulf %bitcast_convert_type3A_759, %broadcast_in_dim3A_747 : vector<16xf32>
        %swap3A_767 = arith.index_cast %add3A_744 : i32 to index
        %swap3A_768 = arith.constant 16 : index
        %swap3A_769 = tpu.vector_load %arg17[%swap3A_767, %swap3A_768] {strides = array<i32>} : memref<128x64xf32, #tpu.memory_space<vmem>>, vector<1x16xf32>,
        %swap3A_770 = vector.shape_cast %swap3A_769 : vector<1x16xf32> to vector<16xf32>
        %swap3A_771 = vector.shape_cast %mul3A_766 : vector<16xf32> to vector<1x16xf32>
        tpu.vector_store %arg17[%swap3A_767, %swap3A_768], %swap3A_771 {strides = array<i32>} : memref<128x64xf32, #tpu.memory_space<vmem>>, vector<1x16xf32>,
        %get3A_772 = arith.index_cast %add3A_744 : i32 to index
        %get3A_773 = arith.constant 16 : index
        %get3A_774 = tpu.vector_load %arg16[%get3A_772, %get3A_773] {strides = array<i32>} : memref<128x32xi32, #tpu.memory_space<vmem>>, vector<1x16xi32>,
        %get3A_775 = vector.shape_cast %get3A_774 : vector<1x16xi32> to vector<16xi32>
        %shift_left3A_776 = arith.constant 16 : i32
        %shift_left3A_777 = vector.broadcast %shift_left3A_776 : i32 to vector<16xi32>
        %shift_left3A_778 = arith.shli %get3A_775, %shift_left3A_777 : vector<16xi32>
        %bitcast_convert_type3A_779 = tpu.bitcast %shift_left3A_778 : vector<16xi32> -> vector<16xf32>
        %and3A_780 = arith.constant -65536 : i32
        %and3A_781 = vector.broadcast %and3A_780 : i32 to vector<16xi32>
        %and3A_782 = arith.andi %get3A_775, %and3A_781 : vector<16xi32>
        %bitcast_convert_type3A_783 = tpu.bitcast %and3A_782 : vector<16xi32> -> vector<16xf32>
        %mul3A_784 = arith.mulf %bitcast_convert_type3A_779, %broadcast_in_dim3A_747 : vector<16xf32>
        %swap3A_785 = arith.index_cast %add3A_744 : i32 to index
        %swap3A_786 = arith.constant 32 : index
        %swap3A_787 = tpu.vector_load %arg17[%swap3A_785, %swap3A_786] {strides = array<i32>} : memref<128x64xf32, #tpu.memory_space<vmem>>, vector<1x16xf32>,
        %swap3A_788 = vector.shape_cast %swap3A_787 : vector<1x16xf32> to vector<16xf32>
        %swap3A_789 = vector.shape_cast %mul3A_784 : vector<16xf32> to vector<1x16xf32>
        tpu.vector_store %arg17[%swap3A_785, %swap3A_786], %swap3A_789 {strides = array<i32>} : memref<128x64xf32, #tpu.memory_space<vmem>>, vector<1x16xf32>,
        %mul3A_790 = arith.mulf %bitcast_convert_type3A_783, %broadcast_in_dim3A_747 : vector<16xf32>
        %swap3A_791 = arith.index_cast %add3A_744 : i32 to index
        %swap3A_792 = arith.constant 48 : index
        %swap3A_793 = tpu.vector_load %arg17[%swap3A_791, %swap3A_792] {strides = array<i32>} : memref<128x64xf32, #tpu.memory_space<vmem>>, vector<1x16xf32>,
        %swap3A_794 = vector.shape_cast %swap3A_793 : vector<1x16xf32> to vector<16xf32>
        %swap3A_795 = vector.shape_cast %mul3A_790 : vector<16xf32> to vector<1x16xf32>
        tpu.vector_store %arg17[%swap3A_791, %swap3A_792], %swap3A_795 {strides = array<i32>} : memref<128x64xf32, #tpu.memory_space<vmem>>, vector<1x16xf32>,
        %add3A_796 = arith.constant 10 : i32
        %add3A_797 = arith.addi %mul3A_269, %add3A_796 : i32
        %slice3A_798 = vector.extract_strided_slice %get3A_271 {offsets = [10], sizes = [1], strides = [1]} : vector<16xf32> to vector<1xf32>
        %squeeze3A_799 = vector.extract %slice3A_798[0] : f32 from vector<1xf32>
        %broadcast_in_dim3A_800 = vector.broadcast %squeeze3A_799 : f32 to vector<16xf32>
        %get3A_801 = arith.index_cast %add3A_797 : i32 to index
        %get3A_802 = arith.constant 0 : index
        %get3A_803 = tpu.vector_load %arg16[%get3A_801, %get3A_802] {strides = array<i32>} : memref<128x32xi32, #tpu.memory_space<vmem>>, vector<1x16xi32>,
        %get3A_804 = vector.shape_cast %get3A_803 : vector<1x16xi32> to vector<16xi32>
        %shift_left3A_805 = arith.constant 16 : i32
        %shift_left3A_806 = vector.broadcast %shift_left3A_805 : i32 to vector<16xi32>
        %shift_left3A_807 = arith.shli %get3A_804, %shift_left3A_806 : vector<16xi32>
        %bitcast_convert_type3A_808 = tpu.bitcast %shift_left3A_807 : vector<16xi32> -> vector<16xf32>
        %and3A_809 = arith.constant -65536 : i32
        %and3A_810 = vector.broadcast %and3A_809 : i32 to vector<16xi32>
        %and3A_811 = arith.andi %get3A_804, %and3A_810 : vector<16xi32>
        %bitcast_convert_type3A_812 = tpu.bitcast %and3A_811 : vector<16xi32> -> vector<16xf32>
        %mul3A_813 = arith.mulf %bitcast_convert_type3A_808, %broadcast_in_dim3A_800 : vector<16xf32>
        %swap3A_814 = arith.index_cast %add3A_797 : i32 to index
        %swap3A_815 = arith.constant 0 : index
        %swap3A_816 = tpu.vector_load %arg17[%swap3A_814, %swap3A_815] {strides = array<i32>} : memref<128x64xf32, #tpu.memory_space<vmem>>, vector<1x16xf32>,
        %swap3A_817 = vector.shape_cast %swap3A_816 : vector<1x16xf32> to vector<16xf32>
        %swap3A_818 = vector.shape_cast %mul3A_813 : vector<16xf32> to vector<1x16xf32>
        tpu.vector_store %arg17[%swap3A_814, %swap3A_815], %swap3A_818 {strides = array<i32>} : memref<128x64xf32, #tpu.memory_space<vmem>>, vector<1x16xf32>,
        %mul3A_819 = arith.mulf %bitcast_convert_type3A_812, %broadcast_in_dim3A_800 : vector<16xf32>
        %swap3A_820 = arith.index_cast %add3A_797 : i32 to index
        %swap3A_821 = arith.constant 16 : index
        %swap3A_822 = tpu.vector_load %arg17[%swap3A_820, %swap3A_821] {strides = array<i32>} : memref<128x64xf32, #tpu.memory_space<vmem>>, vector<1x16xf32>,
        %swap3A_823 = vector.shape_cast %swap3A_822 : vector<1x16xf32> to vector<16xf32>
        %swap3A_824 = vector.shape_cast %mul3A_819 : vector<16xf32> to vector<1x16xf32>
        tpu.vector_store %arg17[%swap3A_820, %swap3A_821], %swap3A_824 {strides = array<i32>} : memref<128x64xf32, #tpu.memory_space<vmem>>, vector<1x16xf32>,
        %get3A_825 = arith.index_cast %add3A_797 : i32 to index
        %get3A_826 = arith.constant 16 : index
        %get3A_827 = tpu.vector_load %arg16[%get3A_825, %get3A_826] {strides = array<i32>} : memref<128x32xi32, #tpu.memory_space<vmem>>, vector<1x16xi32>,
        %get3A_828 = vector.shape_cast %get3A_827 : vector<1x16xi32> to vector<16xi32>
        %shift_left3A_829 = arith.constant 16 : i32
        %shift_left3A_830 = vector.broadcast %shift_left3A_829 : i32 to vector<16xi32>
        %shift_left3A_831 = arith.shli %get3A_828, %shift_left3A_830 : vector<16xi32>
        %bitcast_convert_type3A_832 = tpu.bitcast %shift_left3A_831 : vector<16xi32> -> vector<16xf32>
        %and3A_833 = arith.constant -65536 : i32
        %and3A_834 = vector.broadcast %and3A_833 : i32 to vector<16xi32>
        %and3A_835 = arith.andi %get3A_828, %and3A_834 : vector<16xi32>
        %bitcast_convert_type3A_836 = tpu.bitcast %and3A_835 : vector<16xi32> -> vector<16xf32>
        %mul3A_837 = arith.mulf %bitcast_convert_type3A_832, %broadcast_in_dim3A_800 : vector<16xf32>
        %swap3A_838 = arith.index_cast %add3A_797 : i32 to index
        %swap3A_839 = arith.constant 32 : index
        %swap3A_840 = tpu.vector_load %arg17[%swap3A_838, %swap3A_839] {strides = array<i32>} : memref<128x64xf32, #tpu.memory_space<vmem>>, vector<1x16xf32>,
        %swap3A_841 = vector.shape_cast %swap3A_840 : vector<1x16xf32> to vector<16xf32>
        %swap3A_842 = vector.shape_cast %mul3A_837 : vector<16xf32> to vector<1x16xf32>
        tpu.vector_store %arg17[%swap3A_838, %swap3A_839], %swap3A_842 {strides = array<i32>} : memref<128x64xf32, #tpu.memory_space<vmem>>, vector<1x16xf32>,
        %mul3A_843 = arith.mulf %bitcast_convert_type3A_836, %broadcast_in_dim3A_800 : vector<16xf32>
        %swap3A_844 = arith.index_cast %add3A_797 : i32 to index
        %swap3A_845 = arith.constant 48 : index
        %swap3A_846 = tpu.vector_load %arg17[%swap3A_844, %swap3A_845] {strides = array<i32>} : memref<128x64xf32, #tpu.memory_space<vmem>>, vector<1x16xf32>,
        %swap3A_847 = vector.shape_cast %swap3A_846 : vector<1x16xf32> to vector<16xf32>
        %swap3A_848 = vector.shape_cast %mul3A_843 : vector<16xf32> to vector<1x16xf32>
        tpu.vector_store %arg17[%swap3A_844, %swap3A_845], %swap3A_848 {strides = array<i32>} : memref<128x64xf32, #tpu.memory_space<vmem>>, vector<1x16xf32>,
        %add3A_849 = arith.constant 11 : i32
        %add3A_850 = arith.addi %mul3A_269, %add3A_849 : i32
        %slice3A_851 = vector.extract_strided_slice %get3A_271 {offsets = [11], sizes = [1], strides = [1]} : vector<16xf32> to vector<1xf32>
        %squeeze3A_852 = vector.extract %slice3A_851[0] : f32 from vector<1xf32>
        %broadcast_in_dim3A_853 = vector.broadcast %squeeze3A_852 : f32 to vector<16xf32>
        %get3A_854 = arith.index_cast %add3A_850 : i32 to index
        %get3A_855 = arith.constant 0 : index
        %get3A_856 = tpu.vector_load %arg16[%get3A_854, %get3A_855] {strides = array<i32>} : memref<128x32xi32, #tpu.memory_space<vmem>>, vector<1x16xi32>,
        %get3A_857 = vector.shape_cast %get3A_856 : vector<1x16xi32> to vector<16xi32>
        %shift_left3A_858 = arith.constant 16 : i32
        %shift_left3A_859 = vector.broadcast %shift_left3A_858 : i32 to vector<16xi32>
        %shift_left3A_860 = arith.shli %get3A_857, %shift_left3A_859 : vector<16xi32>
        %bitcast_convert_type3A_861 = tpu.bitcast %shift_left3A_860 : vector<16xi32> -> vector<16xf32>
        %and3A_862 = arith.constant -65536 : i32
        %and3A_863 = vector.broadcast %and3A_862 : i32 to vector<16xi32>
        %and3A_864 = arith.andi %get3A_857, %and3A_863 : vector<16xi32>
        %bitcast_convert_type3A_865 = tpu.bitcast %and3A_864 : vector<16xi32> -> vector<16xf32>
        %mul3A_866 = arith.mulf %bitcast_convert_type3A_861, %broadcast_in_dim3A_853 : vector<16xf32>
        %swap3A_867 = arith.index_cast %add3A_850 : i32 to index
        %swap3A_868 = arith.constant 0 : index
        %swap3A_869 = tpu.vector_load %arg17[%swap3A_867, %swap3A_868] {strides = array<i32>} : memref<128x64xf32, #tpu.memory_space<vmem>>, vector<1x16xf32>,
        %swap3A_870 = vector.shape_cast %swap3A_869 : vector<1x16xf32> to vector<16xf32>
        %swap3A_871 = vector.shape_cast %mul3A_866 : vector<16xf32> to vector<1x16xf32>
        tpu.vector_store %arg17[%swap3A_867, %swap3A_868], %swap3A_871 {strides = array<i32>} : memref<128x64xf32, #tpu.memory_space<vmem>>, vector<1x16xf32>,
        %mul3A_872 = arith.mulf %bitcast_convert_type3A_865, %broadcast_in_dim3A_853 : vector<16xf32>
        %swap3A_873 = arith.index_cast %add3A_850 : i32 to index
        %swap3A_874 = arith.constant 16 : index
        %swap3A_875 = tpu.vector_load %arg17[%swap3A_873, %swap3A_874] {strides = array<i32>} : memref<128x64xf32, #tpu.memory_space<vmem>>, vector<1x16xf32>,
        %swap3A_876 = vector.shape_cast %swap3A_875 : vector<1x16xf32> to vector<16xf32>
        %swap3A_877 = vector.shape_cast %mul3A_872 : vector<16xf32> to vector<1x16xf32>
        tpu.vector_store %arg17[%swap3A_873, %swap3A_874], %swap3A_877 {strides = array<i32>} : memref<128x64xf32, #tpu.memory_space<vmem>>, vector<1x16xf32>,
        %get3A_878 = arith.index_cast %add3A_850 : i32 to index
        %get3A_879 = arith.constant 16 : index
        %get3A_880 = tpu.vector_load %arg16[%get3A_878, %get3A_879] {strides = array<i32>} : memref<128x32xi32, #tpu.memory_space<vmem>>, vector<1x16xi32>,
        %get3A_881 = vector.shape_cast %get3A_880 : vector<1x16xi32> to vector<16xi32>
        %shift_left3A_882 = arith.constant 16 : i32
        %shift_left3A_883 = vector.broadcast %shift_left3A_882 : i32 to vector<16xi32>
        %shift_left3A_884 = arith.shli %get3A_881, %shift_left3A_883 : vector<16xi32>
        %bitcast_convert_type3A_885 = tpu.bitcast %shift_left3A_884 : vector<16xi32> -> vector<16xf32>
        %and3A_886 = arith.constant -65536 : i32
        %and3A_887 = vector.broadcast %and3A_886 : i32 to vector<16xi32>
        %and3A_888 = arith.andi %get3A_881, %and3A_887 : vector<16xi32>
        %bitcast_convert_type3A_889 = tpu.bitcast %and3A_888 : vector<16xi32> -> vector<16xf32>
        %mul3A_890 = arith.mulf %bitcast_convert_type3A_885, %broadcast_in_dim3A_853 : vector<16xf32>
        %swap3A_891 = arith.index_cast %add3A_850 : i32 to index
        %swap3A_892 = arith.constant 32 : index
        %swap3A_893 = tpu.vector_load %arg17[%swap3A_891, %swap3A_892] {strides = array<i32>} : memref<128x64xf32, #tpu.memory_space<vmem>>, vector<1x16xf32>,
        %swap3A_894 = vector.shape_cast %swap3A_893 : vector<1x16xf32> to vector<16xf32>
        %swap3A_895 = vector.shape_cast %mul3A_890 : vector<16xf32> to vector<1x16xf32>
        tpu.vector_store %arg17[%swap3A_891, %swap3A_892], %swap3A_895 {strides = array<i32>} : memref<128x64xf32, #tpu.memory_space<vmem>>, vector<1x16xf32>,
        %mul3A_896 = arith.mulf %bitcast_convert_type3A_889, %broadcast_in_dim3A_853 : vector<16xf32>
        %swap3A_897 = arith.index_cast %add3A_850 : i32 to index
        %swap3A_898 = arith.constant 48 : index
        %swap3A_899 = tpu.vector_load %arg17[%swap3A_897, %swap3A_898] {strides = array<i32>} : memref<128x64xf32, #tpu.memory_space<vmem>>, vector<1x16xf32>,
        %swap3A_900 = vector.shape_cast %swap3A_899 : vector<1x16xf32> to vector<16xf32>
        %swap3A_901 = vector.shape_cast %mul3A_896 : vector<16xf32> to vector<1x16xf32>
        tpu.vector_store %arg17[%swap3A_897, %swap3A_898], %swap3A_901 {strides = array<i32>} : memref<128x64xf32, #tpu.memory_space<vmem>>, vector<1x16xf32>,
        %add3A_902 = arith.constant 12 : i32
        %add3A_903 = arith.addi %mul3A_269, %add3A_902 : i32
        %slice3A_904 = vector.extract_strided_slice %get3A_271 {offsets = [12], sizes = [1], strides = [1]} : vector<16xf32> to vector<1xf32>
        %squeeze3A_905 = vector.extract %slice3A_904[0] : f32 from vector<1xf32>
        %broadcast_in_dim3A_906 = vector.broadcast %squeeze3A_905 : f32 to vector<16xf32>
        %get3A_907 = arith.index_cast %add3A_903 : i32 to index
        %get3A_908 = arith.constant 0 : index
        %get3A_909 = tpu.vector_load %arg16[%get3A_907, %get3A_908] {strides = array<i32>} : memref<128x32xi32, #tpu.memory_space<vmem>>, vector<1x16xi32>,
        %get3A_910 = vector.shape_cast %get3A_909 : vector<1x16xi32> to vector<16xi32>
        %shift_left3A_911 = arith.constant 16 : i32
        %shift_left3A_912 = vector.broadcast %shift_left3A_911 : i32 to vector<16xi32>
        %shift_left3A_913 = arith.shli %get3A_910, %shift_left3A_912 : vector<16xi32>
        %bitcast_convert_type3A_914 = tpu.bitcast %shift_left3A_913 : vector<16xi32> -> vector<16xf32>
        %and3A_915 = arith.constant -65536 : i32
        %and3A_916 = vector.broadcast %and3A_915 : i32 to vector<16xi32>
        %and3A_917 = arith.andi %get3A_910, %and3A_916 : vector<16xi32>
        %bitcast_convert_type3A_918 = tpu.bitcast %and3A_917 : vector<16xi32> -> vector<16xf32>
        %mul3A_919 = arith.mulf %bitcast_convert_type3A_914, %broadcast_in_dim3A_906 : vector<16xf32>
        %swap3A_920 = arith.index_cast %add3A_903 : i32 to index
        %swap3A_921 = arith.constant 0 : index
        %swap3A_922 = tpu.vector_load %arg17[%swap3A_920, %swap3A_921] {strides = array<i32>} : memref<128x64xf32, #tpu.memory_space<vmem>>, vector<1x16xf32>,
        %swap3A_923 = vector.shape_cast %swap3A_922 : vector<1x16xf32> to vector<16xf32>
        %swap3A_924 = vector.shape_cast %mul3A_919 : vector<16xf32> to vector<1x16xf32>
        tpu.vector_store %arg17[%swap3A_920, %swap3A_921], %swap3A_924 {strides = array<i32>} : memref<128x64xf32, #tpu.memory_space<vmem>>, vector<1x16xf32>,
        %mul3A_925 = arith.mulf %bitcast_convert_type3A_918, %broadcast_in_dim3A_906 : vector<16xf32>
        %swap3A_926 = arith.index_cast %add3A_903 : i32 to index
        %swap3A_927 = arith.constant 16 : index
        %swap3A_928 = tpu.vector_load %arg17[%swap3A_926, %swap3A_927] {strides = array<i32>} : memref<128x64xf32, #tpu.memory_space<vmem>>, vector<1x16xf32>,
        %swap3A_929 = vector.shape_cast %swap3A_928 : vector<1x16xf32> to vector<16xf32>
        %swap3A_930 = vector.shape_cast %mul3A_925 : vector<16xf32> to vector<1x16xf32>
        tpu.vector_store %arg17[%swap3A_926, %swap3A_927], %swap3A_930 {strides = array<i32>} : memref<128x64xf32, #tpu.memory_space<vmem>>, vector<1x16xf32>,
        %get3A_931 = arith.index_cast %add3A_903 : i32 to index
        %get3A_932 = arith.constant 16 : index
        %get3A_933 = tpu.vector_load %arg16[%get3A_931, %get3A_932] {strides = array<i32>} : memref<128x32xi32, #tpu.memory_space<vmem>>, vector<1x16xi32>,
        %get3A_934 = vector.shape_cast %get3A_933 : vector<1x16xi32> to vector<16xi32>
        %shift_left3A_935 = arith.constant 16 : i32
        %shift_left3A_936 = vector.broadcast %shift_left3A_935 : i32 to vector<16xi32>
        %shift_left3A_937 = arith.shli %get3A_934, %shift_left3A_936 : vector<16xi32>
        %bitcast_convert_type3A_938 = tpu.bitcast %shift_left3A_937 : vector<16xi32> -> vector<16xf32>
        %and3A_939 = arith.constant -65536 : i32
        %and3A_940 = vector.broadcast %and3A_939 : i32 to vector<16xi32>
        %and3A_941 = arith.andi %get3A_934, %and3A_940 : vector<16xi32>
        %bitcast_convert_type3A_942 = tpu.bitcast %and3A_941 : vector<16xi32> -> vector<16xf32>
        %mul3A_943 = arith.mulf %bitcast_convert_type3A_938, %broadcast_in_dim3A_906 : vector<16xf32>
        %swap3A_944 = arith.index_cast %add3A_903 : i32 to index
        %swap3A_945 = arith.constant 32 : index
        %swap3A_946 = tpu.vector_load %arg17[%swap3A_944, %swap3A_945] {strides = array<i32>} : memref<128x64xf32, #tpu.memory_space<vmem>>, vector<1x16xf32>,
        %swap3A_947 = vector.shape_cast %swap3A_946 : vector<1x16xf32> to vector<16xf32>
        %swap3A_948 = vector.shape_cast %mul3A_943 : vector<16xf32> to vector<1x16xf32>
        tpu.vector_store %arg17[%swap3A_944, %swap3A_945], %swap3A_948 {strides = array<i32>} : memref<128x64xf32, #tpu.memory_space<vmem>>, vector<1x16xf32>,
        %mul3A_949 = arith.mulf %bitcast_convert_type3A_942, %broadcast_in_dim3A_906 : vector<16xf32>
        %swap3A_950 = arith.index_cast %add3A_903 : i32 to index
        %swap3A_951 = arith.constant 48 : index
        %swap3A_952 = tpu.vector_load %arg17[%swap3A_950, %swap3A_951] {strides = array<i32>} : memref<128x64xf32, #tpu.memory_space<vmem>>, vector<1x16xf32>,
        %swap3A_953 = vector.shape_cast %swap3A_952 : vector<1x16xf32> to vector<16xf32>
        %swap3A_954 = vector.shape_cast %mul3A_949 : vector<16xf32> to vector<1x16xf32>
        tpu.vector_store %arg17[%swap3A_950, %swap3A_951], %swap3A_954 {strides = array<i32>} : memref<128x64xf32, #tpu.memory_space<vmem>>, vector<1x16xf32>,
        %add3A_955 = arith.constant 13 : i32
        %add3A_956 = arith.addi %mul3A_269, %add3A_955 : i32
        %slice3A_957 = vector.extract_strided_slice %get3A_271 {offsets = [13], sizes = [1], strides = [1]} : vector<16xf32> to vector<1xf32>
        %squeeze3A_958 = vector.extract %slice3A_957[0] : f32 from vector<1xf32>
        %broadcast_in_dim3A_959 = vector.broadcast %squeeze3A_958 : f32 to vector<16xf32>
        %get3A_960 = arith.index_cast %add3A_956 : i32 to index
        %get3A_961 = arith.constant 0 : index
        %get3A_962 = tpu.vector_load %arg16[%get3A_960, %get3A_961] {strides = array<i32>} : memref<128x32xi32, #tpu.memory_space<vmem>>, vector<1x16xi32>,
        %get3A_963 = vector.shape_cast %get3A_962 : vector<1x16xi32> to vector<16xi32>
        %shift_left3A_964 = arith.constant 16 : i32
        %shift_left3A_965 = vector.broadcast %shift_left3A_964 : i32 to vector<16xi32>
        %shift_left3A_966 = arith.shli %get3A_963, %shift_left3A_965 : vector<16xi32>
        %bitcast_convert_type3A_967 = tpu.bitcast %shift_left3A_966 : vector<16xi32> -> vector<16xf32>
        %and3A_968 = arith.constant -65536 : i32
        %and3A_969 = vector.broadcast %and3A_968 : i32 to vector<16xi32>
        %and3A_970 = arith.andi %get3A_963, %and3A_969 : vector<16xi32>
        %bitcast_convert_type3A_971 = tpu.bitcast %and3A_970 : vector<16xi32> -> vector<16xf32>
        %mul3A_972 = arith.mulf %bitcast_convert_type3A_967, %broadcast_in_dim3A_959 : vector<16xf32>
        %swap3A_973 = arith.index_cast %add3A_956 : i32 to index
        %swap3A_974 = arith.constant 0 : index
        %swap3A_975 = tpu.vector_load %arg17[%swap3A_973, %swap3A_974] {strides = array<i32>} : memref<128x64xf32, #tpu.memory_space<vmem>>, vector<1x16xf32>,
        %swap3A_976 = vector.shape_cast %swap3A_975 : vector<1x16xf32> to vector<16xf32>
        %swap3A_977 = vector.shape_cast %mul3A_972 : vector<16xf32> to vector<1x16xf32>
        tpu.vector_store %arg17[%swap3A_973, %swap3A_974], %swap3A_977 {strides = array<i32>} : memref<128x64xf32, #tpu.memory_space<vmem>>, vector<1x16xf32>,
        %mul3A_978 = arith.mulf %bitcast_convert_type3A_971, %broadcast_in_dim3A_959 : vector<16xf32>
        %swap3A_979 = arith.index_cast %add3A_956 : i32 to index
        %swap3A_980 = arith.constant 16 : index
        %swap3A_981 = tpu.vector_load %arg17[%swap3A_979, %swap3A_980] {strides = array<i32>} : memref<128x64xf32, #tpu.memory_space<vmem>>, vector<1x16xf32>,
        %swap3A_982 = vector.shape_cast %swap3A_981 : vector<1x16xf32> to vector<16xf32>
        %swap3A_983 = vector.shape_cast %mul3A_978 : vector<16xf32> to vector<1x16xf32>
        tpu.vector_store %arg17[%swap3A_979, %swap3A_980], %swap3A_983 {strides = array<i32>} : memref<128x64xf32, #tpu.memory_space<vmem>>, vector<1x16xf32>,
        %get3A_984 = arith.index_cast %add3A_956 : i32 to index
        %get3A_985 = arith.constant 16 : index
        %get3A_986 = tpu.vector_load %arg16[%get3A_984, %get3A_985] {strides = array<i32>} : memref<128x32xi32, #tpu.memory_space<vmem>>, vector<1x16xi32>,
        %get3A_987 = vector.shape_cast %get3A_986 : vector<1x16xi32> to vector<16xi32>
        %shift_left3A_988 = arith.constant 16 : i32
        %shift_left3A_989 = vector.broadcast %shift_left3A_988 : i32 to vector<16xi32>
        %shift_left3A_990 = arith.shli %get3A_987, %shift_left3A_989 : vector<16xi32>
        %bitcast_convert_type3A_991 = tpu.bitcast %shift_left3A_990 : vector<16xi32> -> vector<16xf32>
        %and3A_992 = arith.constant -65536 : i32
        %and3A_993 = vector.broadcast %and3A_992 : i32 to vector<16xi32>
        %and3A_994 = arith.andi %get3A_987, %and3A_993 : vector<16xi32>
        %bitcast_convert_type3A_995 = tpu.bitcast %and3A_994 : vector<16xi32> -> vector<16xf32>
        %mul3A_996 = arith.mulf %bitcast_convert_type3A_991, %broadcast_in_dim3A_959 : vector<16xf32>
        %swap3A_997 = arith.index_cast %add3A_956 : i32 to index
        %swap3A_998 = arith.constant 32 : index
        %swap3A_999 = tpu.vector_load %arg17[%swap3A_997, %swap3A_998] {strides = array<i32>} : memref<128x64xf32, #tpu.memory_space<vmem>>, vector<1x16xf32>,
        %swap3A_1000 = vector.shape_cast %swap3A_999 : vector<1x16xf32> to vector<16xf32>
        %swap3A_1001 = vector.shape_cast %mul3A_996 : vector<16xf32> to vector<1x16xf32>
        tpu.vector_store %arg17[%swap3A_997, %swap3A_998], %swap3A_1001 {strides = array<i32>} : memref<128x64xf32, #tpu.memory_space<vmem>>, vector<1x16xf32>,
        %mul3A_1002 = arith.mulf %bitcast_convert_type3A_995, %broadcast_in_dim3A_959 : vector<16xf32>
        %swap3A_1003 = arith.index_cast %add3A_956 : i32 to index
        %swap3A_1004 = arith.constant 48 : index
        %swap3A_1005 = tpu.vector_load %arg17[%swap3A_1003, %swap3A_1004] {strides = array<i32>} : memref<128x64xf32, #tpu.memory_space<vmem>>, vector<1x16xf32>,
        %swap3A_1006 = vector.shape_cast %swap3A_1005 : vector<1x16xf32> to vector<16xf32>
        %swap3A_1007 = vector.shape_cast %mul3A_1002 : vector<16xf32> to vector<1x16xf32>
        tpu.vector_store %arg17[%swap3A_1003, %swap3A_1004], %swap3A_1007 {strides = array<i32>} : memref<128x64xf32, #tpu.memory_space<vmem>>, vector<1x16xf32>,
        %add3A_1008 = arith.constant 14 : i32
        %add3A_1009 = arith.addi %mul3A_269, %add3A_1008 : i32
        %slice3A_1010 = vector.extract_strided_slice %get3A_271 {offsets = [14], sizes = [1], strides = [1]} : vector<16xf32> to vector<1xf32>
        %squeeze3A_1011 = vector.extract %slice3A_1010[0] : f32 from vector<1xf32>
        %broadcast_in_dim3A_1012 = vector.broadcast %squeeze3A_1011 : f32 to vector<16xf32>
        %get3A_1013 = arith.index_cast %add3A_1009 : i32 to index
        %get3A_1014 = arith.constant 0 : index
        %get3A_1015 = tpu.vector_load %arg16[%get3A_1013, %get3A_1014] {strides = array<i32>} : memref<128x32xi32, #tpu.memory_space<vmem>>, vector<1x16xi32>,
        %get3A_1016 = vector.shape_cast %get3A_1015 : vector<1x16xi32> to vector<16xi32>
        %shift_left3A_1017 = arith.constant 16 : i32
        %shift_left3A_1018 = vector.broadcast %shift_left3A_1017 : i32 to vector<16xi32>
        %shift_left3A_1019 = arith.shli %get3A_1016, %shift_left3A_1018 : vector<16xi32>
        %bitcast_convert_type3A_1020 = tpu.bitcast %shift_left3A_1019 : vector<16xi32> -> vector<16xf32>
        %and3A_1021 = arith.constant -65536 : i32
        %and3A_1022 = vector.broadcast %and3A_1021 : i32 to vector<16xi32>
        %and3A_1023 = arith.andi %get3A_1016, %and3A_1022 : vector<16xi32>
        %bitcast_convert_type3A_1024 = tpu.bitcast %and3A_1023 : vector<16xi32> -> vector<16xf32>
        %mul3A_1025 = arith.mulf %bitcast_convert_type3A_1020, %broadcast_in_dim3A_1012 : vector<16xf32>
        %swap3A_1026 = arith.index_cast %add3A_1009 : i32 to index
        %swap3A_1027 = arith.constant 0 : index
        %swap3A_1028 = tpu.vector_load %arg17[%swap3A_1026, %swap3A_1027] {strides = array<i32>} : memref<128x64xf32, #tpu.memory_space<vmem>>, vector<1x16xf32>,
        %swap3A_1029 = vector.shape_cast %swap3A_1028 : vector<1x16xf32> to vector<16xf32>
        %swap3A_1030 = vector.shape_cast %mul3A_1025 : vector<16xf32> to vector<1x16xf32>
        tpu.vector_store %arg17[%swap3A_1026, %swap3A_1027], %swap3A_1030 {strides = array<i32>} : memref<128x64xf32, #tpu.memory_space<vmem>>, vector<1x16xf32>,
        %mul3A_1031 = arith.mulf %bitcast_convert_type3A_1024, %broadcast_in_dim3A_1012 : vector<16xf32>
        %swap3A_1032 = arith.index_cast %add3A_1009 : i32 to index
        %swap3A_1033 = arith.constant 16 : index
        %swap3A_1034 = tpu.vector_load %arg17[%swap3A_1032, %swap3A_1033] {strides = array<i32>} : memref<128x64xf32, #tpu.memory_space<vmem>>, vector<1x16xf32>,
        %swap3A_1035 = vector.shape_cast %swap3A_1034 : vector<1x16xf32> to vector<16xf32>
        %swap3A_1036 = vector.shape_cast %mul3A_1031 : vector<16xf32> to vector<1x16xf32>
        tpu.vector_store %arg17[%swap3A_1032, %swap3A_1033], %swap3A_1036 {strides = array<i32>} : memref<128x64xf32, #tpu.memory_space<vmem>>, vector<1x16xf32>,
        %get3A_1037 = arith.index_cast %add3A_1009 : i32 to index
        %get3A_1038 = arith.constant 16 : index
        %get3A_1039 = tpu.vector_load %arg16[%get3A_1037, %get3A_1038] {strides = array<i32>} : memref<128x32xi32, #tpu.memory_space<vmem>>, vector<1x16xi32>,
        %get3A_1040 = vector.shape_cast %get3A_1039 : vector<1x16xi32> to vector<16xi32>
        %shift_left3A_1041 = arith.constant 16 : i32
        %shift_left3A_1042 = vector.broadcast %shift_left3A_1041 : i32 to vector<16xi32>
        %shift_left3A_1043 = arith.shli %get3A_1040, %shift_left3A_1042 : vector<16xi32>
        %bitcast_convert_type3A_1044 = tpu.bitcast %shift_left3A_1043 : vector<16xi32> -> vector<16xf32>
        %and3A_1045 = arith.constant -65536 : i32
        %and3A_1046 = vector.broadcast %and3A_1045 : i32 to vector<16xi32>
        %and3A_1047 = arith.andi %get3A_1040, %and3A_1046 : vector<16xi32>
        %bitcast_convert_type3A_1048 = tpu.bitcast %and3A_1047 : vector<16xi32> -> vector<16xf32>
        %mul3A_1049 = arith.mulf %bitcast_convert_type3A_1044, %broadcast_in_dim3A_1012 : vector<16xf32>
        %swap3A_1050 = arith.index_cast %add3A_1009 : i32 to index
        %swap3A_1051 = arith.constant 32 : index
        %swap3A_1052 = tpu.vector_load %arg17[%swap3A_1050, %swap3A_1051] {strides = array<i32>} : memref<128x64xf32, #tpu.memory_space<vmem>>, vector<1x16xf32>,
        %swap3A_1053 = vector.shape_cast %swap3A_1052 : vector<1x16xf32> to vector<16xf32>
        %swap3A_1054 = vector.shape_cast %mul3A_1049 : vector<16xf32> to vector<1x16xf32>
        tpu.vector_store %arg17[%swap3A_1050, %swap3A_1051], %swap3A_1054 {strides = array<i32>} : memref<128x64xf32, #tpu.memory_space<vmem>>, vector<1x16xf32>,
        %mul3A_1055 = arith.mulf %bitcast_convert_type3A_1048, %broadcast_in_dim3A_1012 : vector<16xf32>
        %swap3A_1056 = arith.index_cast %add3A_1009 : i32 to index
        %swap3A_1057 = arith.constant 48 : index
        %swap3A_1058 = tpu.vector_load %arg17[%swap3A_1056, %swap3A_1057] {strides = array<i32>} : memref<128x64xf32, #tpu.memory_space<vmem>>, vector<1x16xf32>,
        %swap3A_1059 = vector.shape_cast %swap3A_1058 : vector<1x16xf32> to vector<16xf32>
        %swap3A_1060 = vector.shape_cast %mul3A_1055 : vector<16xf32> to vector<1x16xf32>
        tpu.vector_store %arg17[%swap3A_1056, %swap3A_1057], %swap3A_1060 {strides = array<i32>} : memref<128x64xf32, #tpu.memory_space<vmem>>, vector<1x16xf32>,
        %add3A_1061 = arith.constant 15 : i32
        %add3A_1062 = arith.addi %mul3A_269, %add3A_1061 : i32
        %slice3A_1063 = vector.extract_strided_slice %get3A_271 {offsets = [15], sizes = [1], strides = [1]} : vector<16xf32> to vector<1xf32>
        %squeeze3A_1064 = vector.extract %slice3A_1063[0] : f32 from vector<1xf32>
        %broadcast_in_dim3A_1065 = vector.broadcast %squeeze3A_1064 : f32 to vector<16xf32>
        %get3A_1066 = arith.index_cast %add3A_1062 : i32 to index
        %get3A_1067 = arith.constant 0 : index
        %get3A_1068 = tpu.vector_load %arg16[%get3A_1066, %get3A_1067] {strides = array<i32>} : memref<128x32xi32, #tpu.memory_space<vmem>>, vector<1x16xi32>,
        %get3A_1069 = vector.shape_cast %get3A_1068 : vector<1x16xi32> to vector<16xi32>
        %shift_left3A_1070 = arith.constant 16 : i32
        %shift_left3A_1071 = vector.broadcast %shift_left3A_1070 : i32 to vector<16xi32>
        %shift_left3A_1072 = arith.shli %get3A_1069, %shift_left3A_1071 : vector<16xi32>
        %bitcast_convert_type3A_1073 = tpu.bitcast %shift_left3A_1072 : vector<16xi32> -> vector<16xf32>
        %and3A_1074 = arith.constant -65536 : i32
        %and3A_1075 = vector.broadcast %and3A_1074 : i32 to vector<16xi32>
        %and3A_1076 = arith.andi %get3A_1069, %and3A_1075 : vector<16xi32>
        %bitcast_convert_type3A_1077 = tpu.bitcast %and3A_1076 : vector<16xi32> -> vector<16xf32>
        %mul3A_1078 = arith.mulf %bitcast_convert_type3A_1073, %broadcast_in_dim3A_1065 : vector<16xf32>
        %swap3A_1079 = arith.index_cast %add3A_1062 : i32 to index
        %swap3A_1080 = arith.constant 0 : index
        %swap3A_1081 = tpu.vector_load %arg17[%swap3A_1079, %swap3A_1080] {strides = array<i32>} : memref<128x64xf32, #tpu.memory_space<vmem>>, vector<1x16xf32>,
        %swap3A_1082 = vector.shape_cast %swap3A_1081 : vector<1x16xf32> to vector<16xf32>
        %swap3A_1083 = vector.shape_cast %mul3A_1078 : vector<16xf32> to vector<1x16xf32>
        tpu.vector_store %arg17[%swap3A_1079, %swap3A_1080], %swap3A_1083 {strides = array<i32>} : memref<128x64xf32, #tpu.memory_space<vmem>>, vector<1x16xf32>,
        %mul3A_1084 = arith.mulf %bitcast_convert_type3A_1077, %broadcast_in_dim3A_1065 : vector<16xf32>
        %swap3A_1085 = arith.index_cast %add3A_1062 : i32 to index
        %swap3A_1086 = arith.constant 16 : index
        %swap3A_1087 = tpu.vector_load %arg17[%swap3A_1085, %swap3A_1086] {strides = array<i32>} : memref<128x64xf32, #tpu.memory_space<vmem>>, vector<1x16xf32>,
        %swap3A_1088 = vector.shape_cast %swap3A_1087 : vector<1x16xf32> to vector<16xf32>
        %swap3A_1089 = vector.shape_cast %mul3A_1084 : vector<16xf32> to vector<1x16xf32>
        tpu.vector_store %arg17[%swap3A_1085, %swap3A_1086], %swap3A_1089 {strides = array<i32>} : memref<128x64xf32, #tpu.memory_space<vmem>>, vector<1x16xf32>,
        %get3A_1090 = arith.index_cast %add3A_1062 : i32 to index
        %get3A_1091 = arith.constant 16 : index
        %get3A_1092 = tpu.vector_load %arg16[%get3A_1090, %get3A_1091] {strides = array<i32>} : memref<128x32xi32, #tpu.memory_space<vmem>>, vector<1x16xi32>,
        %get3A_1093 = vector.shape_cast %get3A_1092 : vector<1x16xi32> to vector<16xi32>
        %shift_left3A_1094 = arith.constant 16 : i32
        %shift_left3A_1095 = vector.broadcast %shift_left3A_1094 : i32 to vector<16xi32>
        %shift_left3A_1096 = arith.shli %get3A_1093, %shift_left3A_1095 : vector<16xi32>
        %bitcast_convert_type3A_1097 = tpu.bitcast %shift_left3A_1096 : vector<16xi32> -> vector<16xf32>
        %and3A_1098 = arith.constant -65536 : i32
        %and3A_1099 = vector.broadcast %and3A_1098 : i32 to vector<16xi32>
        %and3A_1100 = arith.andi %get3A_1093, %and3A_1099 : vector<16xi32>
        %bitcast_convert_type3A_1101 = tpu.bitcast %and3A_1100 : vector<16xi32> -> vector<16xf32>
        %mul3A_1102 = arith.mulf %bitcast_convert_type3A_1097, %broadcast_in_dim3A_1065 : vector<16xf32>
        %swap3A_1103 = arith.index_cast %add3A_1062 : i32 to index
        %swap3A_1104 = arith.constant 32 : index
        %swap3A_1105 = tpu.vector_load %arg17[%swap3A_1103, %swap3A_1104] {strides = array<i32>} : memref<128x64xf32, #tpu.memory_space<vmem>>, vector<1x16xf32>,
        %swap3A_1106 = vector.shape_cast %swap3A_1105 : vector<1x16xf32> to vector<16xf32>
        %swap3A_1107 = vector.shape_cast %mul3A_1102 : vector<16xf32> to vector<1x16xf32>
        tpu.vector_store %arg17[%swap3A_1103, %swap3A_1104], %swap3A_1107 {strides = array<i32>} : memref<128x64xf32, #tpu.memory_space<vmem>>, vector<1x16xf32>,
        %mul3A_1108 = arith.mulf %bitcast_convert_type3A_1101, %broadcast_in_dim3A_1065 : vector<16xf32>
        %swap3A_1109 = arith.index_cast %add3A_1062 : i32 to index
        %swap3A_1110 = arith.constant 48 : index
        %swap3A_1111 = tpu.vector_load %arg17[%swap3A_1109, %swap3A_1110] {strides = array<i32>} : memref<128x64xf32, #tpu.memory_space<vmem>>, vector<1x16xf32>,
        %swap3A_1112 = vector.shape_cast %swap3A_1111 : vector<1x16xf32> to vector<16xf32>
        %swap3A_1113 = vector.shape_cast %mul3A_1108 : vector<16xf32> to vector<1x16xf32>
        tpu.vector_store %arg17[%swap3A_1109, %swap3A_1110], %swap3A_1113 {strides = array<i32>} : memref<128x64xf32, #tpu.memory_space<vmem>>, vector<1x16xf32>,
      }
      %scan3A_250 = arith.constant 8 : i32
      "tpu.region"() ({
        %run_scoped3A = tpu.sem_alloc : memref<!tpu.dma_semaphore, #tpu.memory_space<semaphore_mem>>
        %dma_start3A_267 = arith.constant 0 : i32
        %dma_start3A_268 = arith.constant 0 : i32
        %dma_start3A_269 = tpu.memref_slice %arg8[%dma_start3A_267, %dma_start3A_268] : memref<10240x64xf32, #tpu.memory_space<vmem_shared>> -> memref<10240x64xf32, #tpu.memory_space<vmem_shared>>
        tpu.enqueue_indirect_dma source(%arg17 : memref<128x64xf32, #tpu.memory_space<vmem>>) target(%dma_start3A_269 : memref<10240x64xf32, #tpu.memory_space<vmem_shared>>) offsets(%arg12 : memref<128xi32, #tpu.memory_space<vmem>>) semaphore(%run_scoped3A : memref<!tpu.dma_semaphore, #tpu.memory_space<semaphore_mem>>) {add = true}
        %dma_wait3A_270 = arith.constant 0 : i32
        %dma_wait3A_271 = arith.constant 0 : i32
        %dma_wait3A_272 = tpu.memref_slice %arg8[%dma_wait3A_270, %dma_wait3A_271] : memref<10240x64xf32, #tpu.memory_space<vmem_shared>> -> memref<10240x64xf32, #tpu.memory_space<vmem_shared>>
        tpu.wait_indirect_dma semaphore(%run_scoped3A : memref<!tpu.dma_semaphore, #tpu.memory_space<semaphore_mem>>) src(%arg17 : memref<128x64xf32, #tpu.memory_space<vmem>>) dst(%dma_wait3A_272 : memref<10240x64xf32, #tpu.memory_space<vmem_shared>>)
        tpu.yield
      }) : () -> ()
      %add3A_251 = arith.constant 2 : i32
      %add3A_252 = arith.addi %add3A_204, %add3A_251 : i32
      %min3A_253 = arith.constant 159 : i32
      %min3A_254 = arith.minsi %add3A_252, %min3A_253 : i32
      %dma_start3A_255 = arith.constant 0 : i32
      %dma_start3A_256 = tpu.memref_slice %arg4[%arg1, %min3A_254, %dma_start3A_255] : memref<16x160x128xi32, #tpu.memory_space<hbm>> -> memref<1x1x128xi32, #tpu.memory_space<hbm>>
      %dma_start3A_257 = tpu.memref_squeeze %dma_start3A_256 : memref<1x1x128xi32, #tpu.memory_space<hbm>> -> memref<128xi32, #tpu.memory_space<hbm>>
      %dma_start3A_258 = arith.constant 0 : i32
      %dma_start3A_259 = tpu.memref_slice %arg4[%arg1, %min3A_254, %dma_start3A_258] : memref<16x160x128xi32, #tpu.memory_space<hbm>> -> memref<1x1x128xi32, #tpu.memory_space<hbm>>
      %dma_start3A_260 = tpu.memref_squeeze %dma_start3A_259 : memref<1x1x128xi32, #tpu.memory_space<hbm>> -> memref<128xi32, #tpu.memory_space<hbm>>
      tpu.enqueue_dma source(%dma_start3A_260 : memref<128xi32, #tpu.memory_space<hbm>>) target(%arg12 : memref<128xi32, #tpu.memory_space<vmem>>) target_semaphore(%arg23 : memref<!tpu.dma_semaphore, #tpu.memory_space<semaphore_mem>>)
      %dma_start3A_261 = arith.constant 0 : i32
      %dma_start3A_262 = tpu.memref_slice %arg5[%arg1, %min3A_254, %dma_start3A_261] : memref<16x160x128xf32, #tpu.memory_space<hbm>> -> memref<1x1x128xf32, #tpu.memory_space<hbm>>
      %dma_start3A_263 = tpu.memref_squeeze %dma_start3A_262 : memref<1x1x128xf32, #tpu.memory_space<hbm>> -> memref<128xf32, #tpu.memory_space<hbm>>
      %dma_start3A_264 = arith.constant 0 : i32
      %dma_start3A_265 = tpu.memref_slice %arg5[%arg1, %min3A_254, %dma_start3A_264] : memref<16x160x128xf32, #tpu.memory_space<hbm>> -> memref<1x1x128xf32, #tpu.memory_space<hbm>>
      %dma_start3A_266 = tpu.memref_squeeze %dma_start3A_265 : memref<1x1x128xf32, #tpu.memory_space<hbm>> -> memref<128xf32, #tpu.memory_space<hbm>>
      tpu.enqueue_dma source(%dma_start3A_266 : memref<128xf32, #tpu.memory_space<hbm>>) target(%arg14 : memref<128xf32, #tpu.memory_space<vmem>>) target_semaphore(%arg23 : memref<!tpu.dma_semaphore, #tpu.memory_space<semaphore_mem>>)
    }
    %scan3A_89 = arith.constant 80 : i32
    %dma_wait3A_90 = arith.constant 0 : i32
    %dma_wait3A_91 = arith.constant 0 : i32
    %dma_wait3A_92 = tpu.memref_slice %arg7[%dma_wait3A_90, %dma_wait3A_91] : memref<10240x32xi32, #tpu.memory_space<vmem_shared>> -> memref<10240x32xi32, #tpu.memory_space<vmem_shared>>
    tpu.wait_indirect_dma semaphore(%arg18 : memref<!tpu.dma_semaphore, #tpu.memory_space<semaphore_mem>>) src(%dma_wait3A_92 : memref<10240x32xi32, #tpu.memory_space<vmem_shared>>) dst(%arg15 : memref<128x32xi32, #tpu.memory_space<vmem>>)
    %dma_wait3A_93 = arith.constant 0 : i32
    %dma_wait3A_94 = arith.constant 0 : i32
    %dma_wait3A_95 = arith.constant 0 : i32
    %dma_wait3A_96 = tpu.memref_slice %arg3[%dma_wait3A_93, %dma_wait3A_94, %dma_wait3A_95] : memref<16x160x128xi32, #tpu.memory_space<hbm>> -> memref<1x1x128xi32, #tpu.memory_space<hbm>>
    %dma_wait3A_97 = tpu.memref_squeeze %dma_wait3A_96 : memref<1x1x128xi32, #tpu.memory_space<hbm>> -> memref<128xi32, #tpu.memory_space<hbm>>
    %dma_wait3A_98 = arith.constant 0 : i32
    %dma_wait3A_99 = tpu.memref_slice %arg3[%dma_wait3A_93, %dma_wait3A_94, %dma_wait3A_98] : memref<16x160x128xi32, #tpu.memory_space<hbm>> -> memref<1x1x128xi32, #tpu.memory_space<hbm>>
    %dma_wait3A_100 = tpu.memref_squeeze %dma_wait3A_99 : memref<1x1x128xi32, #tpu.memory_space<hbm>> -> memref<128xi32, #tpu.memory_space<hbm>>
    tpu.wait_dma2 semaphore(%arg21 : memref<!tpu.dma_semaphore, #tpu.memory_space<semaphore_mem>>) src(%dma_wait3A_100 : memref<128xi32, #tpu.memory_space<hbm>>) dst(%arg10 : memref<128xi32, #tpu.memory_space<vmem>>)
    %dma_wait3A_101 = arith.constant 0 : i32
    %dma_wait3A_102 = arith.constant 0 : i32
    %dma_wait3A_103 = arith.constant 0 : i32
    %dma_wait3A_104 = tpu.memref_slice %arg4[%dma_wait3A_101, %dma_wait3A_102, %dma_wait3A_103] : memref<16x160x128xi32, #tpu.memory_space<hbm>> -> memref<1x1x128xi32, #tpu.memory_space<hbm>>
    %dma_wait3A_105 = tpu.memref_squeeze %dma_wait3A_104 : memref<1x1x128xi32, #tpu.memory_space<hbm>> -> memref<128xi32, #tpu.memory_space<hbm>>
    %dma_wait3A_106 = arith.constant 0 : i32
    %dma_wait3A_107 = tpu.memref_slice %arg4[%dma_wait3A_101, %dma_wait3A_102, %dma_wait3A_106] : memref<16x160x128xi32, #tpu.memory_space<hbm>> -> memref<1x1x128xi32, #tpu.memory_space<hbm>>
    %dma_wait3A_108 = tpu.memref_squeeze %dma_wait3A_107 : memref<1x1x128xi32, #tpu.memory_space<hbm>> -> memref<128xi32, #tpu.memory_space<hbm>>
    tpu.wait_dma2 semaphore(%arg22 : memref<!tpu.dma_semaphore, #tpu.memory_space<semaphore_mem>>) src(%dma_wait3A_108 : memref<128xi32, #tpu.memory_space<hbm>>) dst(%arg11 : memref<128xi32, #tpu.memory_space<vmem>>)
    %dma_wait3A_109 = arith.constant 0 : i32
    %dma_wait3A_110 = arith.constant 0 : i32
    %dma_wait3A_111 = arith.constant 0 : i32
    %dma_wait3A_112 = tpu.memref_slice %arg5[%dma_wait3A_109, %dma_wait3A_110, %dma_wait3A_111] : memref<16x160x128xf32, #tpu.memory_space<hbm>> -> memref<1x1x128xf32, #tpu.memory_space<hbm>>
    %dma_wait3A_113 = tpu.memref_squeeze %dma_wait3A_112 : memref<1x1x128xf32, #tpu.memory_space<hbm>> -> memref<128xf32, #tpu.memory_space<hbm>>
    %dma_wait3A_114 = arith.constant 0 : i32
    %dma_wait3A_115 = tpu.memref_slice %arg5[%dma_wait3A_109, %dma_wait3A_110, %dma_wait3A_114] : memref<16x160x128xf32, #tpu.memory_space<hbm>> -> memref<1x1x128xf32, #tpu.memory_space<hbm>>
    %dma_wait3A_116 = tpu.memref_squeeze %dma_wait3A_115 : memref<1x1x128xf32, #tpu.memory_space<hbm>> -> memref<128xf32, #tpu.memory_space<hbm>>
    tpu.wait_dma2 semaphore(%arg22 : memref<!tpu.dma_semaphore, #tpu.memory_space<semaphore_mem>>) src(%dma_wait3A_116 : memref<128xf32, #tpu.memory_space<hbm>>) dst(%arg13 : memref<128xf32, #tpu.memory_space<vmem>>)
    %dma_wait3A_117 = arith.constant 0 : i32
    %dma_wait3A_118 = arith.constant 0 : i32
    %dma_wait3A_119 = arith.constant 0 : i32
    %dma_wait3A_120 = tpu.memref_slice %arg4[%dma_wait3A_117, %dma_wait3A_118, %dma_wait3A_119] : memref<16x160x128xi32, #tpu.memory_space<hbm>> -> memref<1x1x128xi32, #tpu.memory_space<hbm>>
    %dma_wait3A_121 = tpu.memref_squeeze %dma_wait3A_120 : memref<1x1x128xi32, #tpu.memory_space<hbm>> -> memref<128xi32, #tpu.memory_space<hbm>>
    %dma_wait3A_122 = arith.constant 0 : i32
    %dma_wait3A_123 = tpu.memref_slice %arg4[%dma_wait3A_117, %dma_wait3A_118, %dma_wait3A_122] : memref<16x160x128xi32, #tpu.memory_space<hbm>> -> memref<1x1x128xi32, #tpu.memory_space<hbm>>
    %dma_wait3A_124 = tpu.memref_squeeze %dma_wait3A_123 : memref<1x1x128xi32, #tpu.memory_space<hbm>> -> memref<128xi32, #tpu.memory_space<hbm>>
    tpu.wait_dma2 semaphore(%arg23 : memref<!tpu.dma_semaphore, #tpu.memory_space<semaphore_mem>>) src(%dma_wait3A_124 : memref<128xi32, #tpu.memory_space<hbm>>) dst(%arg12 : memref<128xi32, #tpu.memory_space<vmem>>)
    %dma_wait3A_125 = arith.constant 0 : i32
    %dma_wait3A_126 = arith.constant 0 : i32
    %dma_wait3A_127 = arith.constant 0 : i32
    %dma_wait3A_128 = tpu.memref_slice %arg5[%dma_wait3A_125, %dma_wait3A_126, %dma_wait3A_127] : memref<16x160x128xf32, #tpu.memory_space<hbm>> -> memref<1x1x128xf32, #tpu.memory_space<hbm>>
    %dma_wait3A_129 = tpu.memref_squeeze %dma_wait3A_128 : memref<1x1x128xf32, #tpu.memory_space<hbm>> -> memref<128xf32, #tpu.memory_space<hbm>>
    %dma_wait3A_130 = arith.constant 0 : i32
    %dma_wait3A_131 = tpu.memref_slice %arg5[%dma_wait3A_125, %dma_wait3A_126, %dma_wait3A_130] : memref<16x160x128xf32, #tpu.memory_space<hbm>> -> memref<1x1x128xf32, #tpu.memory_space<hbm>>
    %dma_wait3A_132 = tpu.memref_squeeze %dma_wait3A_131 : memref<1x1x128xf32, #tpu.memory_space<hbm>> -> memref<128xf32, #tpu.memory_space<hbm>>
    tpu.wait_dma2 semaphore(%arg23 : memref<!tpu.dma_semaphore, #tpu.memory_space<semaphore_mem>>) src(%dma_wait3A_132 : memref<128xf32, #tpu.memory_space<hbm>>) dst(%arg14 : memref<128xf32, #tpu.memory_space<vmem>>)
    %barrier3A_133 = arith.constant 0 : index
    tpu.barrier barrier_id(%barrier3A_133)
    %mul3A_134 = arith.constant 640 : i32
    %mul3A_135 = arith.muli %arg1, %mul3A_134 : i32
    %mul3A_136 = arith.constant 640 : i32
    %mul3A_137 = arith.muli %arg1, %mul3A_136 : i32
    "tpu.region"() ({
      %run_scoped3A = tpu.sem_alloc : memref<!tpu.dma_semaphore, #tpu.memory_space<semaphore_mem>>
      %dma_start3A_138 = arith.constant 0 : i32
      %dma_start3A_139 = tpu.memref_slice %arg6[%arg0, %mul3A_137, %dma_start3A_138] : memref<2x10240x64xf32, #tpu.memory_space<hbm>> -> memref<1x640x64xf32, #tpu.memory_space<hbm>>
      %dma_start3A_140 = tpu.memref_squeeze %dma_start3A_139 : memref<1x640x64xf32, #tpu.memory_space<hbm>> -> memref<640x64xf32, #tpu.memory_space<hbm>>
      %dma_start3A_141 = arith.constant 0 : i32
      %dma_start3A_142 = tpu.memref_slice %arg8[%mul3A_135, %dma_start3A_141] : memref<10240x64xf32, #tpu.memory_space<vmem_shared>> -> memref<640x64xf32, #tpu.memory_space<vmem_shared>>
      tpu.enqueue_dma source(%dma_start3A_142 : memref<640x64xf32, #tpu.memory_space<vmem_shared>>) target(%dma_start3A_140 : memref<640x64xf32, #tpu.memory_space<hbm>>) target_semaphore(%run_scoped3A : memref<!tpu.dma_semaphore, #tpu.memory_space<semaphore_mem>>)
      %dma_wait3A_143 = arith.constant 0 : i32
      %dma_wait3A_144 = tpu.memref_slice %arg6[%arg0, %mul3A_137, %dma_wait3A_143] : memref<2x10240x64xf32, #tpu.memory_space<hbm>> -> memref<1x640x64xf32, #tpu.memory_space<hbm>>
      %dma_wait3A_145 = tpu.memref_squeeze %dma_wait3A_144 : memref<1x640x64xf32, #tpu.memory_space<hbm>> -> memref<640x64xf32, #tpu.memory_space<hbm>>
      %dma_wait3A_146 = arith.constant 0 : i32
      %dma_wait3A_147 = tpu.memref_slice %arg8[%mul3A_135, %dma_wait3A_146] : memref<10240x64xf32, #tpu.memory_space<vmem_shared>> -> memref<640x64xf32, #tpu.memory_space<vmem_shared>>
      tpu.wait_dma2 semaphore(%run_scoped3A : memref<!tpu.dma_semaphore, #tpu.memory_space<semaphore_mem>>) src(%dma_wait3A_147 : memref<640x64xf32, #tpu.memory_space<vmem_shared>>) dst(%dma_wait3A_145 : memref<640x64xf32, #tpu.memory_space<hbm>>)
      tpu.yield
    }) : () -> ()
    return
  }
}

module attributes {stable_mosaic.version = 14 : i64} {
  func.func @body(%arg0: i32, %arg1: memref<1xf32, #tpu.memory_space<smem>>, %arg2: memref<2x5000x64xf32, #tpu.memory_space<vmem>>, %arg3: memref<128x128xf32, #tpu.memory_space<vmem>>, %arg4: memref<128x128xf32, #tpu.memory_space<vmem>>, %arg5: memref<5000x128xf32, #tpu.memory_space<vmem>>) attributes {dimension_semantics = [#tpu.dimension_semantics<arbitrary>], iteration_bounds = array<i64: 2>, scalar_prefetch = 0 : i64, scratch_operands = 0 : i64, tpu.core_type = #tpu.core_type<tc>, window_params = [{transform_indices = @transform_0, window_bounds = array<i64: 1>}, {transform_indices = @transform_1, window_bounds = array<i64: 2, 5000, 64>}, {pipeline_mode = #tpu.pipeline_mode<synchronous>, transform_indices = @transform_2, window_bounds = array<i64: 128, 128>}, {pipeline_mode = #tpu.pipeline_mode<synchronous>, transform_indices = @transform_3, window_bounds = array<i64: 128, 128>}, {transform_indices = @transform_4, window_bounds = array<i64: 5000, 128>}]} {
    %get3A = arith.constant 0 : index
    %get3A_0 = memref.load %arg1[%get3A] : memref<1xf32, #tpu.memory_space<smem>>
    %sub3A = arith.constant 1.000000e+00 : f32
    %sub3A_1 = arith.subf %sub3A, %get3A_0 : f32
    %get3A_2 = arith.constant 0 : index
    %get3A_3 = arith.constant 0 : index
    %get3A_4 = vector.load %arg3[%get3A_2, %get3A_3] : memref<128x128xf32, #tpu.memory_space<vmem>>, vector<128x128xf32>
    %mul3A = vector.broadcast %sub3A_1 : f32 to vector<128x128xf32>
    %mul3A_5 = arith.mulf %mul3A, %get3A_4 : vector<128x128xf32>
    %get3A_6 = arith.constant 0 : index
    %get3A_7 = arith.constant 0 : index
    %get3A_8 = vector.load %arg4[%get3A_6, %get3A_7] : memref<128x128xf32, #tpu.memory_space<vmem>>, vector<128x128xf32>
    %mul3A_9 = vector.broadcast %get3A_0 : f32 to vector<128x128xf32>
    %mul3A_10 = arith.mulf %mul3A_9, %get3A_8 : vector<128x128xf32>
    %add3A = arith.addf %mul3A_5, %mul3A_10 : vector<128x128xf32>
    %get3A_11 = arith.constant 0 : index
    %get3A_12 = arith.constant 0 : index
    %get3A_13 = arith.constant 0 : index
    %get3A_14 = vector.load %arg2[%get3A_11, %get3A_12, %get3A_13] : memref<2x5000x64xf32, #tpu.memory_space<vmem>>, vector<2x5000x64xf32>
    %slice3A = vector.extract_strided_slice %get3A_14 {offsets = [0, 0, 0], sizes = [1, 5000, 64], strides = [1, 1, 1]} : vector<2x5000x64xf32> to vector<1x5000x64xf32>
    %squeeze3A = vector.shape_cast %slice3A : vector<1x5000x64xf32> to vector<5000x64xf32>
    %slice3A_15 = vector.extract_strided_slice %add3A {offsets = [0, 0], sizes = [64, 128], strides = [1, 1]} : vector<128x128xf32> to vector<64x128xf32>
    %dot_general3A = arith.constant dense<0.000000e+00> : vector<5000x128xf32>
    %dot_general3A_16 = tpu.matmul %squeeze3A, %slice3A_15, %dot_general3A {dimension_numbers = #tpu.dot_dimension_numbers<[1], [0], [0], [1], [0, 0, 1, 1], [], []>, transpose_lhs_hint = false} : vector<5000x64xf32>, vector<64x128xf32>, vector<5000x128xf32> -> vector<5000x128xf32>
    %slice3A_17 = vector.extract_strided_slice %get3A_14 {offsets = [1, 0, 0], sizes = [1, 5000, 64], strides = [1, 1, 1]} : vector<2x5000x64xf32> to vector<1x5000x64xf32>
    %squeeze3A_18 = vector.shape_cast %slice3A_17 : vector<1x5000x64xf32> to vector<5000x64xf32>
    %slice3A_19 = vector.extract_strided_slice %add3A {offsets = [64, 0], sizes = [64, 128], strides = [1, 1]} : vector<128x128xf32> to vector<64x128xf32>
    %dot_general3A_20 = arith.constant dense<0.000000e+00> : vector<5000x128xf32>
    %dot_general3A_21 = tpu.matmul %squeeze3A_18, %slice3A_19, %dot_general3A_20 {dimension_numbers = #tpu.dot_dimension_numbers<[1], [0], [0], [1], [0, 0, 1, 1], [], []>, transpose_lhs_hint = false} : vector<5000x64xf32>, vector<64x128xf32>, vector<5000x128xf32> -> vector<5000x128xf32>
    %add3A_22 = arith.addf %dot_general3A_16, %dot_general3A_21 : vector<5000x128xf32>
    %swap3A = arith.constant 0 : index
    %swap3A_23 = arith.constant 0 : index
    %swap3A_24 = vector.load %arg5[%swap3A, %swap3A_23] : memref<5000x128xf32, #tpu.memory_space<vmem>>, vector<5000x128xf32>
    tpu.vector_store %arg5[%swap3A, %swap3A_23], %add3A_22 {strides = array<i32>} : memref<5000x128xf32, #tpu.memory_space<vmem>>, vector<5000x128xf32>,
    return
  }
  func.func @transform_0(%arg0: i32) -> i32 {
    %c0_i32 = arith.constant 0 : i32
    %c0_i32_0 = arith.constant 0 : i32
    return %c0_i32 : i32
  }
  func.func @transform_1(%arg0: i32) -> (i32, i32, i32) {
    %c0_i32 = arith.constant 0 : i32
    %c0_i32_0 = arith.constant 0 : i32
    %c0_i32_1 = arith.constant 0 : i32
    return %c0_i32, %arg0, %c0_i32_0 : i32, i32, i32
  }
  func.func @transform_2(%arg0: i32) -> (i32, i32) {
    %c0_i32 = arith.constant 0 : i32
    %c0_i32_0 = arith.constant 0 : i32
    %c0_i32_1 = arith.constant 0 : i32
    return %c0_i32, %c0_i32_0 : i32, i32
  }
  func.func @transform_3(%arg0: i32) -> (i32, i32) {
    %c0_i32 = arith.constant 0 : i32
    %c0_i32_0 = arith.constant 0 : i32
    %c0_i32_1 = arith.constant 0 : i32
    return %c0_i32, %c0_i32_0 : i32, i32
  }
  func.func @transform_4(%arg0: i32) -> (i32, i32) {
    %c0_i32 = arith.constant 0 : i32
    %c0_i32_0 = arith.constant 0 : i32
    return %arg0, %c0_i32 : i32, i32
  }
}

</mosaic_0001>

<sc_bundles>
// kernel: kernel.4.cloned.1.call-start
scs
__scs_entry_jumppad:
0x0: {  	(pc) =	sbr.rel $0x88, $3  }
0x1: {  	(tag) =	ssettag $0x0;
	lr =	simm.s32 $0x1  }
0x2: {  	[smem:$0x3F9B] =	sst lr;
	_ =	strace $0xD0000000  }
0x3: {  	_ = 	snop  }
0x4: {  	_ = 	snop  }
0x5: {  	_ = 	snop  }
0x6: {  	_ = 	snop  }
0x7: {  	_ = 	snop  }
__scs_overlays_trampoline_lowered:
0x8: {  	[smem:$0x3FAA] =	sst s0  }
0x9: {  	[smem:$0x3FAB] =	sst s1  }
0xa: {  	[smem:$0x3FAC] =	sst s2  }
0xb: {  	[smem:$0x3FAD] =	sst s3  }
0xc: {  	[smem:$0x3FAE] =	sst s4  }
0xd: {  	[smem:$0x3FAF] =	sst s5  }
0xe: {  	[smem:$0x3FB0] =	sst s6  }
0xf: {  	[smem:$0x3FB1] =	sst s7  }
0x10: {  	[smem:$0x3FB2] =	sst s8  }
0x11: {  	[smem:$0x3FB3] =	sst s9;
	s0 =	simm.s32 @!p0 $0x0  }
0x12: {  	s1 =	sld [smem:$0x3F99];
	s0 =	simm.s32 @p0 $0x1  }
0x13: {  	[smem:$0x3FB4] =	sst s0;
	s0 =	simm.s32 @!p1 $0x0  }
0x14: {  	s2 =	sld [smem:$0x3F98];
	s0 =	simm.s32 @p1 $0x1  }
0x15: {  	[smem:$0x3FB5] =	sst s0;
	s0 =	simm.s32 @!p2 $0x0  }
0x16: {  	s3 =	sld [smem:$0x3FDB];
	s0 =	simm.s32 @p2 $0x1  }
0x17: {  	s4 =	simm.s32 $0x1BF5;
	[smem:$0x3FB7] =	sst s0  }
0x18: {  	s0 =	sld [smem:$0x3F9A];
	_ =	swait.ge [sflag:s4], $0x0  }
0x19: {  	s7 =	sld [smem:$0x3F9B]  }
0x1a: {  	s8 =	sadd.s32 $0xFFFFE003, lr  }
0x1b: {  	s9 =	sadd.s32 $0xFFFFFEF7, lr;
	s5 =	simm.s32 $0xFFFFFFFF;
	p2 =	slt.u32 s8, $0xFFFFF086  }
0x1c: {  	p1 =	slt.u32 s9, $0xF7A;
	s5 =	simm.s32 @!p2 $0x0  }
0x1d: {  	s5 =	simm.s32 @p1 $0x1;
	p0 =	seq.s32 s7, s2  }
0x1e: {  	s7 =	smul.u32 @!p0 $0xF7A, s2;
	p2 =	seq.s32 @!p0 s5, $0x0  }
0x1f: {  	s9 =	smul.u32 $0xF7A, s1;
	s8 =	simm.s32 @!p0 $0x1BF5;
	p2 =	por !p2, p0  }
0x20: {  	[sflag:s8] =	ssyncset.s32 @!p0 $0xFFFFF086;
	s6 =	sadd.s32 @!p0 s3, s7;
	s7 =	simm.s32 @!p0 $0x108  }
0x21: {  	s3 =	sadd.s32 s3, s9;
	s6 =	sadd.s32 @!p0 $0x88, s6;
	s7 =	simm.s32 @p2 $0x1082  }
0x22: {  	[simem:s7], [sflag:s8] =	dma.local @!p0 [hbm:s6], $0xF7A  }
0x23: {  	s9 =	sor.u32 $0xD0000000, s2;
	s6 =	simm.s32 $0x108;
	_ =	swait.ge @!p0 [sflag:s8], $0x0  }
0x24: {  	s3 =	sadd.s32 $0x88, s3;
	s6 =	simm.s32 @!p1 $0x1082;
	[sflag:s4] =	ssyncset.s32 $0xFFFFF086  }
0x25: {  	[simem:s6], [sflag:s4] =	dma.local [hbm:s3], $0xF7A  }
0x26: {  	[smem:$0x3F9B] =	sst s1;
	(tag) =	ssettag s2;
	_ =	strace s9  }
0x27: {  	s1 =	sld [smem:$0x3FAB]  }
0x28: {  	s2 =	sld [smem:$0x3FAC]  }
0x29: {  	s4 =	sld [smem:$0x3FAE]  }
0x2a: {  	p0 =	seq.s32 s5, $0x0;
	s5 =	sld [smem:$0x3FAF]  }
0x2b: {  	s6 =	sld [smem:$0x3FB0]  }
0x2c: {  	s7 =	sld [smem:$0x3FB1]  }
0x2d: {  	s3 =	simm.s32 $0x108;
	s8 =	sld [smem:$0x3FB2]  }
0x2e: {  	s3 =	simm.s32 @!p0 $0x1082;
	s9 =	sld [smem:$0x3FB3]  }
0x2f: {  	lr =	sadd.s32 s0, s3;
	s0 =	sld [smem:$0x3FAA]  }
0x30: {  	s3 =	sld [smem:$0x3FAD]  }
0x31: {  	[smem:$0x3FB6] =	sst s10  }
0x32: {  	s10 =	sld [smem:$0x3FB4];
	_ =	sdelay $0x3  }
0x33: {  	p0 =	seq.s32 s10, $0x1;
	s10 =	sld [smem:$0x3FB6];
	_ =	sdelay $0x3  }
0x34: {  	[smem:$0x3FB6] =	sst s10  }
0x35: {  	s10 =	sld [smem:$0x3FB5];
	_ =	sdelay $0x3  }
0x36: {  	p1 =	seq.s32 s10, $0x1;
	s10 =	sld [smem:$0x3FB6];
	_ =	sdelay $0x3  }
0x37: {  	[smem:$0x3FB6] =	sst s10  }
0x38: {  	s10 =	sld [smem:$0x3FB7]  }
0x39: {  	_ = 	snop;
	(pc) =	sbr.ind lr, $3  }
0x3a: {  	_ = 	snop  }
0x3b: {  	_ = 	snop  }
0x3c: {  	p2 =	seq.s32 s10, $0x1;
	s10 =	sld [smem:$0x3FB6]  }
0x3d: {  	_ =	shalt  }
0x3e: {  	_ =	shalt  }
0x3f: {  	_ =	shalt  }
0x40: {  	_ =	shalt  }
0x41: {  	_ =	shalt  }
0x42: {  	_ =	shalt  }
0x43: {  	_ =	shalt  }
0x44: {  	_ =	shalt  }
0x45: {  	_ =	shalt  }
0x46: {  	_ =	shalt  }
0x47: {  	_ =	shalt  }
0x48: {  	_ =	shalt  }
0x49: {  	_ =	shalt  }
0x4a: {  	_ =	shalt  }
0x4b: {  	_ =	shalt  }
0x4c: {  	_ =	shalt  }
0x4d: {  	_ =	shalt  }
0x4e: {  	_ =	shalt  }
0x4f: {  	_ =	shalt  }
0x50: {  	_ =	shalt  }
0x51: {  	_ =	shalt  }
0x52: {  	_ =	shalt  }
0x53: {  	_ =	shalt  }
0x54: {  	_ =	shalt  }
0x55: {  	_ =	shalt  }
0x56: {  	_ =	shalt  }
0x57: {  	_ =	shalt  }
0x58: {  	_ =	shalt  }
0x59: {  	_ =	shalt  }
0x5a: {  	_ =	shalt  }
0x5b: {  	_ =	shalt  }
0x5c: {  	_ =	shalt  }
0x5d: {  	_ =	shalt  }
0x5e: {  	_ =	shalt  }
0x5f: {  	_ =	shalt  }
0x60: {  	_ =	shalt  }
0x61: {  	_ =	shalt  }
0x62: {  	_ =	shalt  }
0x63: {  	_ =	shalt  }
0x64: {  	_ =	shalt  }
0x65: {  	_ =	shalt  }
0x66: {  	_ =	shalt  }
0x67: {  	_ =	shalt  }
0x68: {  	_ =	shalt  }
0x69: {  	_ =	shalt  }
0x6a: {  	_ =	shalt  }
0x6b: {  	_ =	shalt  }
0x6c: {  	_ =	shalt  }
0x6d: {  	_ =	shalt  }
0x6e: {  	_ =	shalt  }
0x6f: {  	_ =	shalt  }
0x70: {  	_ =	shalt  }
0x71: {  	_ =	shalt  }
0x72: {  	_ =	shalt  }
0x73: {  	_ =	shalt  }
0x74: {  	_ =	shalt  }
0x75: {  	_ =	shalt  }
0x76: {  	_ =	shalt  }
0x77: {  	_ =	shalt  }
0x78: {  	_ =	shalt  }
0x79: {  	_ =	shalt  }
0x7a: {  	_ =	shalt  }
0x7b: {  	_ =	shalt  }
0x7c: {  	_ =	shalt  }
0x7d: {  	_ =	shalt  }
0x7e: {  	_ =	shalt  }
0x7f: {  	_ =	shalt  }
0x80: {  	_ =	shalt  }
0x81: {  	_ =	shalt  }
0x82: {  	_ =	shalt  }
0x83: {  	_ =	shalt  }
0x84: {  	_ =	shalt  }
0x85: {  	_ =	shalt  }
0x86: {  	_ =	shalt  }
0x87: {  	_ =	shalt  }
.Lfunc_end0:
.L_simem_size_0:
called_computation_lowered:
.L_overlay_start_0:
0x88: {  	s2 =	sld [smem:$0x3FD9]  }
0x89: {  	s3 =	sld [smem:$0x3FFE];
	_ =	sdelay $0x1  }
0x8a: {  	s1 =	srdreg.scid  }
0x8b: {  	s0 =	sand.u32 $0x1, s1  }
0x8c: {  	s17 =	sshll.u32 s0, $0xA;
	s2 =	sadd.s32 s3, s2  }
0x8d: {  	s2 =	sadd.s32 s2, s17  }
0x8e: {  	[smem:$0x3FC2] =	sst s2  }
0x8f: {  	_ = 	snop  }
0x90: {  	s2 =	sld [smem:$0x3FD0];
	(tm) =	ssettm $0x1  }
0x91: {  	s18 =	sld [smem:$0x3FFB];
	_ =	sdelay $0x3  }
0x92: {  	_ =	strace s18  }
0x93: {  	s3 =	sld [smem:$0x3FFC];
	_ =	sdelay $0x3  }
0x94: {  	_ =	strace s3  }
0x95: {  	s3 =	sld [smem:$0x3FFD];
	_ =	sdelay $0x3  }
0x96: {  	_ =	strace s3  }
0x97: {  	_ =	strace $0x8FFFFFFF  }
0x98: {  	s19 =	sld [smem:$0x3FDB];
	_ =	sdelay $0x1  }
0x99: {  	s4 =	simm.s32 $_scs_section_size  }
0x9a: {  	s5 =	simm.s32 $_size__tile_overlayer_lowered;
	s6 =	simm.s32 $_tile_overlayer_lowered  }
0x9b: {  	s22 =	simm.s32 $0x1BFF;
	s21 =	sshll.u32 s6, $0x1;
	s3 =	sadd.s32 s4, s19  }
0x9c: {  	s7 =	simm.s32 $0x0;
	s20 =	sshll.u32 s5, $0x1;
	s5 =	sadd.s32 s21, s3  }
0x9d: {  	[timem:s7], [sflag:s22] =	dma.local [hbm:s5], s20  }
0x9e: {  	_ =	swait.ge [sflag:s22], s20  }
0x9f: {  	s4 =	ssub.s32 $0x0, s20;
	[sflag:s22] =	ssyncset.done $0x0  }
0xa0: {  	[sflag:s22] =	ssyncadd.s32 s4;
	_ =	sdelay $0x1  }
0xa1: {  	s23 =	simm.s32 $0x1B8B  }
0xa2: {  	_ =	swait.ge [sflag:s23], $0x1  }
0xa3: {  	[sflag:s23] =	ssyncset.done $0x0  }
0xa4: {  	s25 =	simm.s32 $0x1B8E;
	s24 =	sld [smem:$0x3FFE];
	[sflag:s23] =	ssyncadd.s32 $0xFFFFFFFF  }
0xa5: {  	s26 =	simm.s32 $execute0_lowered;
	[smem:$0x3FD2] =	sst s25  }
0xa6: {  	s5 =	sshll.u32 s26, $0x1;
	_ =	strace $0x80000046;
	[dreg:$0x1] =	wrdreg $0xFFFFFFFF  }
0xa7: {  	s28 =	simm.s32 $_size_execute0_lowered;
	s3 =	sadd.s32 s3, s5;
	[dreg:$0x0] =	wrdreg $0x0  }
0xa8: {  	s5 =	sshll.u32 s28, $0x1;
	[dreg:$0x2] =	wrdreg s3  }
0xa9: {  	[dreg:$0x3] =	wrdreg s5  }
0xaa: {  	[dreg:$0x4] =	wrdreg $0xC0  }
0xab: {  	_ =	task [dreg:s7], $0x5FFFF  }
0xac: {  	[dreg:$0x1] =	wrdreg $0xFFFFFFFF  }
0xad: {  	[dreg:$0x0] =	wrdreg $0x60  }
0xae: {  	[dreg:$0x2] =	wrdreg s2  }
0xaf: {  	[dreg:$0x3] =	wrdreg s24  }
0xb0: {  	[dreg:$0x4] =	wrdreg $0x0  }
0xb1: {  	[dreg:$0x5] =	wrdreg $0x50000  }
0xb2: {  	[dreg:$0x6] =	wrdreg $0x9  }
0xb3: {  	_ =	task.clear_ibuf [dreg:s7], $0x7FFFF;
	_ =	strace $0x90000046  }
0xb4: {  	s29 =	simm.s32 $0x9;
	_ =	strace $0x80000048  }
0xb5: {  	_ =	swait.ge [sflag:s29], $0x1  }
0xb6: {  	[sflag:s29] =	ssyncadd.s32 $0xFFFFFFFF  }
0xb7: {  	_ =	strace $0x90000048  }
0xb8: {  	_ =	sfence  }
0xb9: {  	s30 =	sld [smem:$0x0];
	_ =	sdelay $0x2  }
0xba: {  	s31 =	sshll.u32 s1, $0xD;
	s1 =	sshrl.u32 s1, $0x2  }
0xbb: {  	s3 =	sand.u32 $0x4000, s31;
	s1 =	sadd.s32 s1, s30  }
0xbc: {  	s0 =	sor.u32 s3, s0;
	s1 =	sshll.u32 s1, $0x11  }
0xbd: {  	s0 =	sor.u32 s1, s0  }
0xbe: {  	s0 =	sadd.s32 $0x8F2B, s0  }
0xbf: {  	[sflag:s0] =	ssyncadd.remote.s32 $0x1  }
0xc0: {  	_ =	sfence.sel $0xFFFF  }
0xc1: {  	[dreg:$0x0] =	wrdreg $0xFFFFFFFF;
	(pc) =	sbr.abs _section_cstart, $3  }
0xc2: {  	[dreg:$0x1] =	wrdreg $0xFFFFFFFF  }
0xc3: {  	_ =	task.clear_ibuf [dreg:s7], $0x2FFFF;
	_ =	strace $0x9FFFFFFF  }
0xc4: {  	(tm) =	ssettm $0x7FFFFFFF  }
0xc5: {  	_ =	shalt  }
tec
execute0_lowered:
.L_overlay_start_1:
0x0: {  	(tag) =	ssettag $0x1  }
0x1: {  	s0 =	rddreg [dreg:$0x0]  }
0x2: {  	s1 =	rddreg [dreg:$0x1]  }
0x3: {  	s2 =	rddreg [dreg:$0x2]  }
0x4: {  	s3 =	rddreg [dreg:$0x3];
	s5 =	srdreg.scid  }
0x5: {  	s14 =	stileid.u32;
	s4 =	simm.s32 $0x0;
	s28 =	simm.s32 $0x11300  }
0x6: {  	s29 =	simm.s32 $0xF000;
	s30 =	simm.s32 $0xF100;
	s9 =	smul.u32 $0xA000, s14  }
0x7: {  	s8 =	sand.u32 $0x1, s5;
	[smem:$0x7FF] =	sst s4;
	s12 =	smul.u32 $0x5000, s14  }
0x8: {  	s5 =	sadd.s32 $0xA200, s1;
	s6 =	sadd.s32 $0x200, s1;
	s13 =	smul.u32 $0x28000, s14  }
0x9: {  	s7 =	sadd.s32 $0x14200, s1;
	s14 =	sshll.u32 s14, $0x6;
	s10 =	smul.u32 $0xA0000, s8  }
0xa: {  	_ =	strace $0x80000047;
	s11 =	smul.u32 $0x50000, s8;
	s8 =	ssub.s32 $0x2, s8  }
0xb: {  	s25 =	sshrl.u32 s8, $0x1;
	s31 =	sadd.s32 s12, s2;
	s13 =	sshrl.u32 s13, $0x2  }
0xc: {  	s20 =	sadd.s32 s9, s3;
	s17 =	sshrl.u32 s12, $0x3;
	s10 =	sadd.s32 s9, s10  }
0xd: {  	s8 =	ssub.s32 s8, s25;
	s26 =	sadd.s32 s12, s11;
	s13 =	sadd.s32 s13, s3  }
0xe: {  	s18 =	sadd.s32 s5, s17;
	s19 =	sadd.s32 s6, s17;
	[dreg:$0x7] =	wrdreg s20  }
0xf: {  	s21 =	sor.u32 $0x10, s17;
	s31 =	sshrl.u32 s31, $0x3;
	[dreg:$0xc] =	wrdreg s18  }
0x10: {  	s11 =	simm.s32 $0xF080;
	s10 =	sshrl.u32 s10, $0x3;
	[dreg:$0xd] =	wrdreg s19  }
0x11: {  	s15 =	sadd.s32 $0x4000, s13;
	s16 =	sadd.s32 $0x6000, s13;
	[dreg:$0x14] =	wrdreg s31  }
0x12: {  	s22 =	sadd.s32 s5, s21;
	s23 =	sadd.s32 s6, s21;
	[dreg:$0x9] =	wrdreg s15  }
0x13: {  	s24 =	sadd.s32 s7, s21;
	s21 =	sor.u32 $0x100, s12;
	[dreg:$0xa] =	wrdreg s16  }
0x14: {  	s18 =	simm.s32 $0x2;
	s19 =	simm.s32 $0x6;
	[dreg:$0xf] =	wrdreg s22  }
0x15: {  	s1 =	sadd.s32 s10, s1;
	s10 =	sshrl.u32 s26, $0x3;
	[dreg:$0x10] =	wrdreg s23  }
0x16: {  	[dreg:$0x11] =	wrdreg s24;
	s22 =	sor.u32 $0x180, s12;
	s26 =	smax.u32 s8, $0x1  }
0x17: {  	s8 =	simm.s32 $0xF300;
	s12 =	simm.s32 $0xF180;
	s15 =	simm.s32 $0x4  }
0x18: {  	s16 =	simm.s32 $0x0;
	s0 =	sadd.s32 s0, s10;
	[dreg:$0x13] =	wrdreg s26  }
0x19: {  	s10 =	sor.u32 $0x1C07, s14;
	s14 =	sadd.s32 $0x2000, s13;
	[dreg:$0x5] =	wrdreg s0  }
0x1a: {  	s23 =	simm.s32 $0x0;
	s25 =	sadd.s32 $0x1E200, s1;
	[dreg:$0x8] =	wrdreg s14  }
0x1b: {  	s26 =	simm.s32 $0x7;
	s1 =	simm.s32 $0x80;
	[dreg:$0x12] =	wrdreg s25  }
0x1c: {  	s0 =	sadd.s32 $0x8000, s13;
	s13 =	simm.s32 $0xF280;
	[dreg:$0x6] =	wrdreg s10  }
0x1d: {  	s14 =	simm.s32 $0x1;
	[dreg:$0xb] =	wrdreg s0;
	s0 =	sadd.s32 s7, s17  }
0x1e: {  	v0 =	vimm.f32 $0.0e+00;
	s17 =	simm.s32 $0x5;
	[dreg:$0xe] =	wrdreg s0;
	s0 =	simm.s32 $0x3  }
.LBB2_1:
0x1f: {  	[dreg:$0x15] =	wrdreg s16  }
0x20: {  	s9 =	rddreg [dreg:$0x5]  }
0x21: {  	s31 =	rddreg [dreg:$0x14]  }
0x22: {  	[spmem:s31], [sflag:s10] =	dma.local [hbm:s9], $0xA00  }
0x23: {  	_ =	swait.ge [sflag:s26], $0xA00  }
0x24: {  	[sflag:s26] =	ssyncset.done $0x0  }
0x25: {  	s10 =	simm.s32 $0x100;
	s9 =	simm.s32 $0x0;
	[sflag:s26] =	ssyncadd.s32 $0xFFFFF600  }
.LBB2_2:
0x26: {  	p0 =	sne.s32 s10, $0x7F00;
	[tilespmem:s9+$0x11330] =	vst v0;
	s16 =	smov.u32 s10;
	s10 =	sadd.s32 $0x100, s10  }
.Ltmp0:
0x27: {  	[tilespmem:s9+$0x11320] =	vst v0;
	(pc) =	sbr.rel @p0 .LBB2_2-.Ltmp0, $3  }
0x28: {  	[tilespmem:s9+$0x11300] =	vst v0  }
0x29: {  	[tilespmem:s9+$0x11310] =	vst v0;
	_ =	sdelay $0x1  }
0x2a: {  	s9 =	sshra.s32 s16, $0x2  }
0x2b: {  	[tilespmem:s9+$0x11330] =	vst v0  }
0x2c: {  	[tilespmem:s9+$0x11320] =	vst v0  }
0x2d: {  	[tilespmem:s9+$0x11300] =	vst v0  }
0x2e: {  	[tilespmem:s9+$0x11310] =	vst v0  }
0x2f: {  	[spmem:s20] =	stream.linear.scatter [tilespmem:s28], [sflag:$0x7], $0x2000, $0x38;
	[tilespmem:$0x13300] =	vst v63  }
0x30: {  	_ =	swait.ge [sflag:s26], $0x2000  }
0x31: {  	[sflag:s26] =	ssyncset.done $0x0  }
0x32: {  	s20 =	rddreg [dreg:$0x8];
	[sflag:s26] =	ssyncadd.s32 $0xFFFFE000  }
0x33: {  	[spmem:s20] =	stream.linear.scatter [tilespmem:s28], [sflag:$0x7], $0x2000, $0x38;
	[tilespmem:$0x13300] =	vst v63  }
0x34: {  	_ =	swait.ge [sflag:s26], $0x2000  }
0x35: {  	[sflag:s26] =	ssyncset.done $0x0  }
0x36: {  	s24 =	rddreg [dreg:$0x9];
	[sflag:s26] =	ssyncadd.s32 $0xFFFFE000  }
0x37: {  	[spmem:s24] =	stream.linear.scatter [tilespmem:s28], [sflag:$0x7], $0x2000, $0x38;
	[tilespmem:$0x13300] =	vst v63  }
0x38: {  	_ =	swait.ge [sflag:s26], $0x2000  }
0x39: {  	[sflag:s26] =	ssyncset.done $0x0  }
0x3a: {  	s25 =	rddreg [dreg:$0xa];
	[sflag:s26] =	ssyncadd.s32 $0xFFFFE000  }
0x3b: {  	[spmem:s25] =	stream.linear.scatter [tilespmem:s28], [sflag:$0x7], $0x2000, $0x38;
	[tilespmem:$0x13300] =	vst v63  }
0x3c: {  	_ =	swait.ge [sflag:s26], $0x2000  }
0x3d: {  	[sflag:s26] =	ssyncset.done $0x0  }
0x3e: {  	s31 =	rddreg [dreg:$0xb];
	[sflag:s26] =	ssyncadd.s32 $0xFFFFE000  }
0x3f: {  	[spmem:s31] =	stream.linear.scatter [tilespmem:s28], [sflag:$0x7], $0x2000, $0x38;
	[tilespmem:$0x13300] =	vst v63  }
0x40: {  	_ =	swait.ge [sflag:s26], $0x2000  }
0x41: {  	[sflag:s26] =	ssyncset.done $0x0  }
0x42: {  	[sflag:s26] =	ssyncadd.s32 $0xFFFFE000  }
0x43: {  	[bflag:$0x0] =	sbarrier.arrive $0xFFFF  }
0x44: {  	s10 =	rddreg [dreg:$0xc]  }
0x45: {  	[tilespmem:s29], [sflag:$0x3] =	stream.linear.gather [hbm4b:s10+s23], $0x80, $0x38;
	[tilespmem:$0x13300] =	vst v63  }
0x46: {  	s16 =	rddreg [dreg:$0xd]  }
0x47: {  	[tilespmem:s30], [sflag:$0x5] =	stream.linear.gather [hbm4b:s16+s23], $0x80, $0x38;
	[tilespmem:$0x13300] =	vst v63  }
0x48: {  	s20 =	rddreg [dreg:$0xe];
	s10 =	simm.s32 $0xF200  }
0x49: {  	[tilespmem:s10], [sflag:$0x5] =	stream.linear.gather [hbm4b:s20+s23], $0x80, $0x38;
	[tilespmem:$0x13300] =	vst v63  }
0x4a: {  	_ =	swait.ge [sflag:s0], $0x80  }
0x4b: {  	[sflag:s0] =	ssyncset.done $0x0  }
0x4c: {  	[sflag:s0] =	ssyncadd.s32 $0xFFFFFF80  }
0x4d: {  	[tilespmem:s8], [sflag:$0x1] =	stream.indirect.gather [spmem:s2], $0x20, s29, s1, $0xb8;
	[tilespmem:$0x13300] =	vst v63  }
0x4e: {  	s24 =	rddreg [dreg:$0xf]  }
0x4f: {  	[tilespmem:s11], [sflag:$0x4] =	stream.linear.gather [hbm4b:s24+s23], $0x80, $0x38;
	[tilespmem:$0x13300] =	vst v63  }
0x50: {  	s25 =	rddreg [dreg:$0x10]  }
0x51: {  	[tilespmem:s12], [sflag:$0x6] =	stream.linear.gather [hbm4b:s25+s23], $0x80, $0x38;
	[tilespmem:$0x13300] =	vst v63  }
0x52: {  	s31 =	rddreg [dreg:$0x11];
	s24 =	simm.s32 $0x0  }
0x53: {  	[tilespmem:s13], [sflag:$0x6] =	stream.linear.gather [hbm4b:s31+s23], $0x80, $0x38;
	[tilespmem:$0x13300] =	vst v63  }
.LBB2_4:
0x54: {  	_ =	swait.ge [sflag:s14], $0x1000  }
0x55: {  	[sflag:s14] =	ssyncset.done $0x0  }
0x56: {  	[sflag:s14] =	ssyncadd.s32 $0xFFFFF000  }
0x57: {  	_ =	swait.ge [sflag:s15], $0x80  }
0x58: {  	s25 =	sshll.u32 s24, $0x1;
	[sflag:s15] =	ssyncset.done $0x0  }
0x59: {  	s9 =	simm.s32 $0x10300;
	s31 =	smin.u32 s25, $0x9D;
	[sflag:s15] =	ssyncadd.s32 $0xFFFFFF80  }
0x5a: {  	[tilespmem:s9], [sflag:$0x2] =	stream.indirect.gather [spmem:s2], $0x20, s11, s1, $0xb8;
	[tilespmem:$0x13300] =	vst v63  }
0x5b: {  	s9 =	sshll.u32 s31, $0x7  }
0x5c: {  	s9 =	sadd.s32 s9, s21  }
0x5d: {  	s10 =	sshrl.u32 s9, $0x3  }
0x5e: {  	s9 =	sadd.s32 s5, s10  }
0x5f: {  	[tilespmem:s29], [sflag:$0x3] =	stream.linear.gather [hbm4b:s9+s23], $0x80, $0x38;
	[tilespmem:$0x13300] =	vst v63  }
0x60: {  	_ =	swait.ge [sflag:s17], $0x80  }
0x61: {  	[sflag:s17] =	ssyncset.done $0x0  }
0x62: {  	[sflag:s17] =	ssyncadd.s32 $0xFFFFFF80  }
0x63: {  	_ =	swait.ge [sflag:s17], $0x80  }
0x64: {  	s20 =	simm.s32 $0x11500;
	[sflag:s17] =	ssyncset.done $0x0  }
0x65: {  	s16 =	simm.s32 $0x0;
	s9 =	simm.s32 $0xF400;
	[sflag:s17] =	ssyncadd.s32 $0xFFFFFF80  }
.LBB2_5:
0x66: {  	s31 =	sshra.s32 s16, $0x2  }
0x67: {  	v1 =	vld [tilespmem:s31+$0xF200]  }
0x68: {  	v2 =	vld [tilespmem:s9+$0xFFFFFF00];
	_ =	sdelay $0x3  }
0x69: {  	v3 =	vbroadcast v1, $0x0  }
0x6a: {  	v4 =	vshll.u32 v2, $0x10  }
0x6b: {  	v2 =	vand.u32 $0xFFFF0000, v2;
	v4 =	vmul.f32 v4, v3  }
0x6c: {  	v2 =	vmul.f32 v2, v3  }
0x6d: {  	[tilespmem:s20+$0xFFFFFE00] =	vst v4  }
0x6e: {  	[tilespmem:s20+$0xFFFFFE10] =	vst v2  }
0x6f: {  	v2 =	vld [tilespmem:s9+$0xFFFFFF10];
	_ =	sdelay $0x4  }
0x70: {  	v35 =	vshll.u32 v2, $0x10  }
0x71: {  	v2 =	vand.u32 $0xFFFF0000, v2;
	v4 =	vmul.f32 v35, v3  }
0x72: {  	v2 =	vmul.f32 v2, v3  }
0x73: {  	[tilespmem:s20+$0xFFFFFE20] =	vst v4  }
0x74: {  	[tilespmem:s20+$0xFFFFFE30] =	vst v2  }
0x75: {  	v2 =	vld [tilespmem:s9+$0xFFFFFF20];
	_ =	sdelay $0x3  }
0x76: {  	v3 =	vbroadcast v1, $0x1  }
0x77: {  	v36 =	vshll.u32 v2, $0x10  }
0x78: {  	v2 =	vand.u32 $0xFFFF0000, v2;
	v4 =	vmul.f32 v36, v3  }
0x79: {  	v2 =	vmul.f32 v2, v3  }
0x7a: {  	[tilespmem:s20+$0xFFFFFE40] =	vst v4  }
0x7b: {  	[tilespmem:s20+$0xFFFFFE50] =	vst v2  }
0x7c: {  	v2 =	vld [tilespmem:s9+$0xFFFFFF30];
	_ =	sdelay $0x4  }
0x7d: {  	v37 =	vshll.u32 v2, $0x10  }
0x7e: {  	v2 =	vand.u32 $0xFFFF0000, v2;
	v4 =	vmul.f32 v37, v3  }
0x7f: {  	v2 =	vmul.f32 v2, v3  }
0x80: {  	[tilespmem:s20+$0xFFFFFE60] =	vst v4  }
0x81: {  	[tilespmem:s20+$0xFFFFFE70] =	vst v2  }
0x82: {  	v2 =	vld [tilespmem:s9+$0xFFFFFF40];
	_ =	sdelay $0x3  }
0x83: {  	v3 =	vbroadcast v1, $0x2  }
0x84: {  	v38 =	vshll.u32 v2, $0x10  }
0x85: {  	v2 =	vand.u32 $0xFFFF0000, v2;
	v4 =	vmul.f32 v38, v3  }
0x86: {  	v2 =	vmul.f32 v2, v3  }
0x87: {  	[tilespmem:s20+$0xFFFFFE80] =	vst v4  }
0x88: {  	[tilespmem:s20+$0xFFFFFE90] =	vst v2  }
0x89: {  	v2 =	vld [tilespmem:s9+$0xFFFFFF50];
	_ =	sdelay $0x4  }
0x8a: {  	v39 =	vshll.u32 v2, $0x10  }
0x8b: {  	v2 =	vand.u32 $0xFFFF0000, v2;
	v4 =	vmul.f32 v39, v3  }
0x8c: {  	v2 =	vmul.f32 v2, v3  }
0x8d: {  	[tilespmem:s20+$0xFFFFFEA0] =	vst v4  }
0x8e: {  	[tilespmem:s20+$0xFFFFFEB0] =	vst v2  }
0x8f: {  	v2 =	vld [tilespmem:s9+$0xFFFFFF60];
	_ =	sdelay $0x3  }
0x90: {  	v3 =	vbroadcast v1, $0x3  }
0x91: {  	v40 =	vshll.u32 v2, $0x10  }
0x92: {  	v2 =	vand.u32 $0xFFFF0000, v2;
	v4 =	vmul.f32 v40, v3  }
0x93: {  	v2 =	vmul.f32 v2, v3  }
0x94: {  	[tilespmem:s20+$0xFFFFFEC0] =	vst v4  }
0x95: {  	[tilespmem:s20+$0xFFFFFED0] =	vst v2  }
0x96: {  	v2 =	vld [tilespmem:s9+$0xFFFFFF70];
	_ =	sdelay $0x4  }
0x97: {  	v41 =	vshll.u32 v2, $0x10  }
0x98: {  	v2 =	vand.u32 $0xFFFF0000, v2;
	v4 =	vmul.f32 v41, v3  }
0x99: {  	v2 =	vmul.f32 v2, v3  }
0x9a: {  	[tilespmem:s20+$0xFFFFFEE0] =	vst v4  }
0x9b: {  	[tilespmem:s20+$0xFFFFFEF0] =	vst v2  }
0x9c: {  	v2 =	vld [tilespmem:s9+$0xFFFFFF80];
	_ =	sdelay $0x3  }
0x9d: {  	v3 =	vbroadcast v1, $0x4  }
0x9e: {  	v42 =	vshll.u32 v2, $0x10  }
0x9f: {  	v2 =	vand.u32 $0xFFFF0000, v2;
	v4 =	vmul.f32 v42, v3  }
0xa0: {  	v2 =	vmul.f32 v2, v3  }
0xa1: {  	[tilespmem:s20+$0xFFFFFF00] =	vst v4  }
0xa2: {  	[tilespmem:s20+$0xFFFFFF10] =	vst v2  }
0xa3: {  	v2 =	vld [tilespmem:s9+$0xFFFFFF90];
	_ =	sdelay $0x4  }
0xa4: {  	v43 =	vshll.u32 v2, $0x10  }
0xa5: {  	v2 =	vand.u32 $0xFFFF0000, v2;
	v4 =	vmul.f32 v43, v3  }
0xa6: {  	v2 =	vmul.f32 v2, v3  }
0xa7: {  	[tilespmem:s20+$0xFFFFFF20] =	vst v4  }
0xa8: {  	[tilespmem:s20+$0xFFFFFF30] =	vst v2  }
0xa9: {  	v2 =	vld [tilespmem:s9+$0xFFFFFFA0];
	_ =	sdelay $0x3  }
0xaa: {  	v3 =	vbroadcast v1, $0x5  }
0xab: {  	v44 =	vshll.u32 v2, $0x10  }
0xac: {  	v2 =	vand.u32 $0xFFFF0000, v2;
	v4 =	vmul.f32 v44, v3  }
0xad: {  	v2 =	vmul.f32 v2, v3  }
0xae: {  	[tilespmem:s20+$0xFFFFFF40] =	vst v4  }
0xaf: {  	[tilespmem:s20+$0xFFFFFF50] =	vst v2  }
0xb0: {  	v2 =	vld [tilespmem:s9+$0xFFFFFFB0];
	_ =	sdelay $0x4  }
0xb1: {  	v45 =	vshll.u32 v2, $0x10  }
0xb2: {  	v2 =	vand.u32 $0xFFFF0000, v2;
	v4 =	vmul.f32 v45, v3  }
0xb3: {  	v2 =	vmul.f32 v2, v3  }
0xb4: {  	[tilespmem:s20+$0xFFFFFF60] =	vst v4  }
0xb5: {  	[tilespmem:s20+$0xFFFFFF70] =	vst v2  }
0xb6: {  	v2 =	vld [tilespmem:s9+$0xFFFFFFC0];
	_ =	sdelay $0x3  }
0xb7: {  	v3 =	vbroadcast v1, $0x6  }
0xb8: {  	v46 =	vshll.u32 v2, $0x10  }
0xb9: {  	v2 =	vand.u32 $0xFFFF0000, v2;
	v4 =	vmul.f32 v46, v3  }
0xba: {  	v2 =	vmul.f32 v2, v3  }
0xbb: {  	[tilespmem:s20+$0xFFFFFF80] =	vst v4  }
0xbc: {  	[tilespmem:s20+$0xFFFFFF90] =	vst v2  }
0xbd: {  	v2 =	vld [tilespmem:s9+$0xFFFFFFD0];
	_ =	sdelay $0x4  }
0xbe: {  	v47 =	vshll.u32 v2, $0x10  }
0xbf: {  	v2 =	vand.u32 $0xFFFF0000, v2;
	v4 =	vmul.f32 v47, v3  }
0xc0: {  	v2 =	vmul.f32 v2, v3  }
0xc1: {  	[tilespmem:s20+$0xFFFFFFA0] =	vst v4  }
0xc2: {  	[tilespmem:s20+$0xFFFFFFB0] =	vst v2  }
0xc3: {  	v2 =	vld [tilespmem:s9+$0xFFFFFFE0];
	_ =	sdelay $0x3  }
0xc4: {  	v3 =	vbroadcast v1, $0x7  }
0xc5: {  	v48 =	vshll.u32 v2, $0x10  }
0xc6: {  	v2 =	vand.u32 $0xFFFF0000, v2;
	v4 =	vmul.f32 v48, v3  }
0xc7: {  	v2 =	vmul.f32 v2, v3  }
0xc8: {  	[tilespmem:s20+$0xFFFFFFC0] =	vst v4  }
0xc9: {  	[tilespmem:s20+$0xFFFFFFD0] =	vst v2  }
0xca: {  	v2 =	vld [tilespmem:s9+$0xFFFFFFF0];
	_ =	sdelay $0x4  }
0xcb: {  	v49 =	vshll.u32 v2, $0x10  }
0xcc: {  	v2 =	vand.u32 $0xFFFF0000, v2;
	v4 =	vmul.f32 v49, v3  }
0xcd: {  	v2 =	vmul.f32 v2, v3  }
0xce: {  	[tilespmem:s20+$0xFFFFFFE0] =	vst v4  }
0xcf: {  	[tilespmem:s20+$0xFFFFFFF0] =	vst v2  }
0xd0: {  	v2 =	vld [tilespmem:s9+$0x0];
	_ =	sdelay $0x3  }
0xd1: {  	v3 =	vbroadcast v1, $0x8  }
0xd2: {  	v50 =	vshll.u32 v2, $0x10  }
0xd3: {  	v2 =	vand.u32 $0xFFFF0000, v2;
	v4 =	vmul.f32 v50, v3  }
0xd4: {  	v2 =	vmul.f32 v2, v3  }
0xd5: {  	[tilespmem:s20+$0x0] =	vst v4  }
0xd6: {  	[tilespmem:s20+$0x10] =	vst v2  }
0xd7: {  	v2 =	vld [tilespmem:s9+$0x10];
	_ =	sdelay $0x4  }
0xd8: {  	v51 =	vshll.u32 v2, $0x10  }
0xd9: {  	v2 =	vand.u32 $0xFFFF0000, v2;
	v4 =	vmul.f32 v51, v3  }
0xda: {  	v2 =	vmul.f32 v2, v3  }
0xdb: {  	[tilespmem:s20+$0x20] =	vst v4  }
0xdc: {  	[tilespmem:s20+$0x30] =	vst v2  }
0xdd: {  	v2 =	vld [tilespmem:s9+$0x20];
	_ =	sdelay $0x3  }
0xde: {  	v3 =	vbroadcast v1, $0x9  }
0xdf: {  	v52 =	vshll.u32 v2, $0x10  }
0xe0: {  	v2 =	vand.u32 $0xFFFF0000, v2;
	v4 =	vmul.f32 v52, v3  }
0xe1: {  	v2 =	vmul.f32 v2, v3  }
0xe2: {  	[tilespmem:s20+$0x40] =	vst v4  }
0xe3: {  	[tilespmem:s20+$0x50] =	vst v2  }
0xe4: {  	v2 =	vld [tilespmem:s9+$0x30];
	_ =	sdelay $0x4  }
0xe5: {  	v53 =	vshll.u32 v2, $0x10  }
0xe6: {  	v2 =	vand.u32 $0xFFFF0000, v2;
	v4 =	vmul.f32 v53, v3  }
0xe7: {  	v2 =	vmul.f32 v2, v3  }
0xe8: {  	[tilespmem:s20+$0x60] =	vst v4  }
0xe9: {  	[tilespmem:s20+$0x70] =	vst v2  }
0xea: {  	v2 =	vld [tilespmem:s9+$0x40];
	_ =	sdelay $0x3  }
0xeb: {  	v3 =	vbroadcast v1, $0xA  }
0xec: {  	v54 =	vshll.u32 v2, $0x10  }
0xed: {  	v2 =	vand.u32 $0xFFFF0000, v2;
	v4 =	vmul.f32 v54, v3  }
0xee: {  	v2 =	vmul.f32 v2, v3  }
0xef: {  	[tilespmem:s20+$0x80] =	vst v4  }
0xf0: {  	[tilespmem:s20+$0x90] =	vst v2  }
0xf1: {  	v2 =	vld [tilespmem:s9+$0x50];
	_ =	sdelay $0x4  }
0xf2: {  	v55 =	vshll.u32 v2, $0x10  }
0xf3: {  	v2 =	vand.u32 $0xFFFF0000, v2;
	v4 =	vmul.f32 v55, v3  }
0xf4: {  	v2 =	vmul.f32 v2, v3  }
0xf5: {  	[tilespmem:s20+$0xA0] =	vst v4  }
0xf6: {  	[tilespmem:s20+$0xB0] =	vst v2  }
0xf7: {  	v2 =	vld [tilespmem:s9+$0x60];
	_ =	sdelay $0x3  }
0xf8: {  	v3 =	vbroadcast v1, $0xB  }
0xf9: {  	v56 =	vshll.u32 v2, $0x10  }
0xfa: {  	v2 =	vand.u32 $0xFFFF0000, v2;
	v4 =	vmul.f32 v56, v3  }
0xfb: {  	v2 =	vmul.f32 v2, v3  }
0xfc: {  	[tilespmem:s20+$0xC0] =	vst v4  }
0xfd: {  	[tilespmem:s20+$0xD0] =	vst v2  }
0xfe: {  	v2 =	vld [tilespmem:s9+$0x70];
	_ =	sdelay $0x4  }
0xff: {  	v57 =	vshll.u32 v2, $0x10  }
0x100: {  	v2 =	vand.u32 $0xFFFF0000, v2;
	v4 =	vmul.f32 v57, v3  }
0x101: {  	v2 =	vmul.f32 v2, v3  }
0x102: {  	[tilespmem:s20+$0xE0] =	vst v4  }
0x103: {  	[tilespmem:s20+$0xF0] =	vst v2  }
0x104: {  	v2 =	vld [tilespmem:s9+$0x80];
	_ =	sdelay $0x3  }
0x105: {  	v3 =	vbroadcast v1, $0xC  }
0x106: {  	v58 =	vshll.u32 v2, $0x10  }
0x107: {  	v2 =	vand.u32 $0xFFFF0000, v2;
	v4 =	vmul.f32 v58, v3  }
0x108: {  	v2 =	vmul.f32 v2, v3  }
0x109: {  	[tilespmem:s20+$0x100] =	vst v4  }
0x10a: {  	[tilespmem:s20+$0x110] =	vst v2  }
0x10b: {  	v2 =	vld [tilespmem:s9+$0x90];
	_ =	sdelay $0x4  }
0x10c: {  	v59 =	vshll.u32 v2, $0x10  }
0x10d: {  	v2 =	vand.u32 $0xFFFF0000, v2;
	v4 =	vmul.f32 v59, v3  }
0x10e: {  	v2 =	vmul.f32 v2, v3  }
0x10f: {  	[tilespmem:s20+$0x120] =	vst v4  }
0x110: {  	[tilespmem:s20+$0x130] =	vst v2  }
0x111: {  	v2 =	vld [tilespmem:s9+$0xA0];
	_ =	sdelay $0x3  }
0x112: {  	v3 =	vbroadcast v1, $0xD  }
0x113: {  	v60 =	vshll.u32 v2, $0x10  }
0x114: {  	v2 =	vand.u32 $0xFFFF0000, v2;
	v4 =	vmul.f32 v60, v3  }
0x115: {  	v2 =	vmul.f32 v2, v3  }
0x116: {  	[tilespmem:s20+$0x140] =	vst v4  }
0x117: {  	[tilespmem:s20+$0x150] =	vst v2  }
0x118: {  	v2 =	vld [tilespmem:s9+$0xB0];
	_ =	sdelay $0x4  }
0x119: {  	v61 =	vshll.u32 v2, $0x10  }
0x11a: {  	v2 =	vand.u32 $0xFFFF0000, v2;
	v4 =	vmul.f32 v61, v3  }
0x11b: {  	v2 =	vmul.f32 v2, v3  }
0x11c: {  	[tilespmem:s20+$0x160] =	vst v4  }
0x11d: {  	[tilespmem:s20+$0x170] =	vst v2  }
0x11e: {  	v2 =	vld [tilespmem:s9+$0xC0];
	_ =	sdelay $0x3  }
0x11f: {  	v3 =	vbroadcast v1, $0xE  }
0x120: {  	v62 =	vshll.u32 v2, $0x10  }
0x121: {  	v2 =	vand.u32 $0xFFFF0000, v2;
	v4 =	vmul.f32 v62, v3  }
0x122: {  	v2 =	vmul.f32 v2, v3  }
0x123: {  	[tilespmem:s20+$0x180] =	vst v4  }
0x124: {  	[tilespmem:s20+$0x190] =	vst v2  }
0x125: {  	v2 =	vld [tilespmem:s9+$0xD0];
	_ =	sdelay $0x4  }
0x126: {  	v63 =	vshll.u32 v2, $0x10  }
0x127: {  	v2 =	vand.u32 $0xFFFF0000, v2;
	v4 =	vmul.f32 v63, v3  }
0x128: {  	v2 =	vmul.f32 v2, v3  }
0x129: {  	[tilespmem:s20+$0x1A0] =	vst v4  }
0x12a: {  	[tilespmem:s20+$0x1B0] =	vst v2  }
0x12b: {  	v2 =	vld [tilespmem:s9+$0xE0];
	_ =	sdelay $0x3  }
0x12c: {  	v1 =	vbroadcast v1, $0xF  }
0x12d: {  	v3 =	vshll.u32 v2, $0x10  }
0x12e: {  	v2 =	vand.u32 $0xFFFF0000, v2;
	v3 =	vmul.f32 v3, v1  }
0x12f: {  	v2 =	vmul.f32 v2, v1  }
0x130: {  	[tilespmem:s20+$0x1C0] =	vst v3  }
0x131: {  	[tilespmem:s20+$0x1D0] =	vst v2  }
0x132: {  	v2 =	vld [tilespmem:s9+$0xF0];
	_ =	sdelay $0x3  }
0x133: {  	p0 =	sne.s32 s16, $0x1C0  }
.Ltmp1:
0x134: {  	v3 =	vshll.u32 v2, $0x10;
	(pc) =	sbr.rel @p0 .LBB2_5-.Ltmp1, $4  }
0x135: {  	v2 =	vand.u32 $0xFFFF0000, v2;
	v3 =	vmul.f32 v3, v1  }
0x136: {  	v1 =	vmul.f32 v2, v1  }
0x137: {  	[tilespmem:s20+$0x1E0] =	vst v3  }
0x138: {  	s16 =	sadd.s32 $0x40, s16;
	s9 =	sadd.s32 $0x200, s9;
	[tilespmem:s20+$0x1F0] =	vst v1;
	s20 =	sadd.s32 $0x400, s20  }
0x139: {  	[spmem:s3] =	stream.indirect.scatter.add.f32 [tilespmem:s28], [sflag:$0x7], $0x40, s30, s1, $0xb8;
	[tilespmem:$0x13300] =	vst v63  }
0x13a: {  	_ =	swait.ge [sflag:s26], $0x2000  }
0x13b: {  	[sflag:s26] =	ssyncset.done $0x0  }
0x13c: {  	s16 =	sadd.s32 s6, s10;
	s9 =	simm.s32 $0x0;
	[sflag:s26] =	ssyncadd.s32 $0xFFFFE000  }
0x13d: {  	[tilespmem:s30], [sflag:$0x5] =	stream.linear.gather [hbm4b:s16+s9], $0x80, $0x38;
	[tilespmem:$0x13300] =	vst v63  }
0x13e: {  	s20 =	simm.s32 $0xF200;
	s16 =	sadd.s32 s7, s10  }
0x13f: {  	[tilespmem:s20], [sflag:$0x5] =	stream.linear.gather [hbm4b:s16+s9], $0x80, $0x38;
	[tilespmem:$0x13300] =	vst v63  }
0x140: {  	_ =	swait.ge [sflag:s18], $0x1000  }
0x141: {  	[sflag:s18] =	ssyncset.done $0x0  }
0x142: {  	s25 =	smin.u32 s25, $0x9C;
	[sflag:s18] =	ssyncadd.s32 $0xFFFFF000  }
0x143: {  	s10 =	sshll.u32 s25, $0x7;
	_ =	swait.ge [sflag:s0], $0x80  }
0x144: {  	s10 =	sadd.s32 s10, s22;
	[sflag:s0] =	ssyncset.done $0x0  }
0x145: {  	s10 =	sshrl.u32 s10, $0x3;
	[sflag:s0] =	ssyncadd.s32 $0xFFFFFF80  }
0x146: {  	[tilespmem:s8], [sflag:$0x1] =	stream.indirect.gather [spmem:s2], $0x20, s29, s1, $0xb8;
	[tilespmem:$0x13300] =	vst v63  }
0x147: {  	s31 =	sadd.s32 s5, s10  }
0x148: {  	[tilespmem:s11], [sflag:$0x4] =	stream.linear.gather [hbm4b:s31+s9], $0x80, $0x38;
	[tilespmem:$0x13300] =	vst v63  }
0x149: {  	_ =	swait.ge [sflag:s19], $0x80  }
0x14a: {  	[sflag:s19] =	ssyncset.done $0x0  }
0x14b: {  	[sflag:s19] =	ssyncadd.s32 $0xFFFFFF80  }
0x14c: {  	_ =	swait.ge [sflag:s19], $0x80  }
0x14d: {  	[sflag:s19] =	ssyncset.done $0x0  }
0x14e: {  	s20 =	simm.s32 $0x10400;
	s16 =	simm.s32 $0x11500;
	[sflag:s19] =	ssyncadd.s32 $0xFFFFFF80  }
.LBB2_7:
0x14f: {  	s25 =	sshra.s32 s9, $0x2  }
0x150: {  	v1 =	vld [tilespmem:s25+$0xF280]  }
0x151: {  	v2 =	vld [tilespmem:s20+$0xFFFFFF00];
	_ =	sdelay $0x3  }
0x152: {  	v3 =	vbroadcast v1, $0x0  }
0x153: {  	v4 =	vshll.u32 v2, $0x10  }
0x154: {  	v2 =	vand.u32 $0xFFFF0000, v2;
	v4 =	vmul.f32 v4, v3  }
0x155: {  	v2 =	vmul.f32 v2, v3  }
0x156: {  	[tilespmem:s16+$0xFFFFFE00] =	vst v4  }
0x157: {  	[tilespmem:s16+$0xFFFFFE10] =	vst v2  }
0x158: {  	v2 =	vld [tilespmem:s20+$0xFFFFFF10];
	_ =	sdelay $0x4  }
0x159: {  	v35 =	vshll.u32 v2, $0x10  }
0x15a: {  	v2 =	vand.u32 $0xFFFF0000, v2;
	v4 =	vmul.f32 v35, v3  }
0x15b: {  	v2 =	vmul.f32 v2, v3  }
0x15c: {  	[tilespmem:s16+$0xFFFFFE20] =	vst v4  }
0x15d: {  	[tilespmem:s16+$0xFFFFFE30] =	vst v2  }
0x15e: {  	v2 =	vld [tilespmem:s20+$0xFFFFFF20];
	_ =	sdelay $0x3  }
0x15f: {  	v3 =	vbroadcast v1, $0x1  }
0x160: {  	v36 =	vshll.u32 v2, $0x10  }
0x161: {  	v2 =	vand.u32 $0xFFFF0000, v2;
	v4 =	vmul.f32 v36, v3  }
0x162: {  	v2 =	vmul.f32 v2, v3  }
0x163: {  	[tilespmem:s16+$0xFFFFFE40] =	vst v4  }
0x164: {  	[tilespmem:s16+$0xFFFFFE50] =	vst v2  }
0x165: {  	v2 =	vld [tilespmem:s20+$0xFFFFFF30];
	_ =	sdelay $0x4  }
0x166: {  	v37 =	vshll.u32 v2, $0x10  }
0x167: {  	v2 =	vand.u32 $0xFFFF0000, v2;
	v4 =	vmul.f32 v37, v3  }
0x168: {  	v2 =	vmul.f32 v2, v3  }
0x169: {  	[tilespmem:s16+$0xFFFFFE60] =	vst v4  }
0x16a: {  	[tilespmem:s16+$0xFFFFFE70] =	vst v2  }
0x16b: {  	v2 =	vld [tilespmem:s20+$0xFFFFFF40];
	_ =	sdelay $0x3  }
0x16c: {  	v3 =	vbroadcast v1, $0x2  }
0x16d: {  	v38 =	vshll.u32 v2, $0x10  }
0x16e: {  	v2 =	vand.u32 $0xFFFF0000, v2;
	v4 =	vmul.f32 v38, v3  }
0x16f: {  	v2 =	vmul.f32 v2, v3  }
0x170: {  	[tilespmem:s16+$0xFFFFFE80] =	vst v4  }
0x171: {  	[tilespmem:s16+$0xFFFFFE90] =	vst v2  }
0x172: {  	v2 =	vld [tilespmem:s20+$0xFFFFFF50];
	_ =	sdelay $0x4  }
0x173: {  	v39 =	vshll.u32 v2, $0x10  }
0x174: {  	v2 =	vand.u32 $0xFFFF0000, v2;
	v4 =	vmul.f32 v39, v3  }
0x175: {  	v2 =	vmul.f32 v2, v3  }
0x176: {  	[tilespmem:s16+$0xFFFFFEA0] =	vst v4  }
0x177: {  	[tilespmem:s16+$0xFFFFFEB0] =	vst v2  }
0x178: {  	v2 =	vld [tilespmem:s20+$0xFFFFFF60];
	_ =	sdelay $0x3  }
0x179: {  	v3 =	vbroadcast v1, $0x3  }
0x17a: {  	v40 =	vshll.u32 v2, $0x10  }
0x17b: {  	v2 =	vand.u32 $0xFFFF0000, v2;
	v4 =	vmul.f32 v40, v3  }
0x17c: {  	v2 =	vmul.f32 v2, v3  }
0x17d: {  	[tilespmem:s16+$0xFFFFFEC0] =	vst v4  }
0x17e: {  	[tilespmem:s16+$0xFFFFFED0] =	vst v2  }
0x17f: {  	v2 =	vld [tilespmem:s20+$0xFFFFFF70];
	_ =	sdelay $0x4  }
0x180: {  	v41 =	vshll.u32 v2, $0x10  }
0x181: {  	v2 =	vand.u32 $0xFFFF0000, v2;
	v4 =	vmul.f32 v41, v3  }
0x182: {  	v2 =	vmul.f32 v2, v3  }
0x183: {  	[tilespmem:s16+$0xFFFFFEE0] =	vst v4  }
0x184: {  	[tilespmem:s16+$0xFFFFFEF0] =	vst v2  }
0x185: {  	v2 =	vld [tilespmem:s20+$0xFFFFFF80];
	_ =	sdelay $0x3  }
0x186: {  	v3 =	vbroadcast v1, $0x4  }
0x187: {  	v42 =	vshll.u32 v2, $0x10  }
0x188: {  	v2 =	vand.u32 $0xFFFF0000, v2;
	v4 =	vmul.f32 v42, v3  }
0x189: {  	v2 =	vmul.f32 v2, v3  }
0x18a: {  	[tilespmem:s16+$0xFFFFFF00] =	vst v4  }
0x18b: {  	[tilespmem:s16+$0xFFFFFF10] =	vst v2  }
0x18c: {  	v2 =	vld [tilespmem:s20+$0xFFFFFF90];
	_ =	sdelay $0x4  }
0x18d: {  	v43 =	vshll.u32 v2, $0x10  }
0x18e: {  	v2 =	vand.u32 $0xFFFF0000, v2;
	v4 =	vmul.f32 v43, v3  }
0x18f: {  	v2 =	vmul.f32 v2, v3  }
0x190: {  	[tilespmem:s16+$0xFFFFFF20] =	vst v4  }
0x191: {  	[tilespmem:s16+$0xFFFFFF30] =	vst v2  }
0x192: {  	v2 =	vld [tilespmem:s20+$0xFFFFFFA0];
	_ =	sdelay $0x3  }
0x193: {  	v3 =	vbroadcast v1, $0x5  }
0x194: {  	v44 =	vshll.u32 v2, $0x10  }
0x195: {  	v2 =	vand.u32 $0xFFFF0000, v2;
	v4 =	vmul.f32 v44, v3  }
0x196: {  	v2 =	vmul.f32 v2, v3  }
0x197: {  	[tilespmem:s16+$0xFFFFFF40] =	vst v4  }
0x198: {  	[tilespmem:s16+$0xFFFFFF50] =	vst v2  }
0x199: {  	v2 =	vld [tilespmem:s20+$0xFFFFFFB0];
	_ =	sdelay $0x4  }
0x19a: {  	v45 =	vshll.u32 v2, $0x10  }
0x19b: {  	v2 =	vand.u32 $0xFFFF0000, v2;
	v4 =	vmul.f32 v45, v3  }
0x19c: {  	v2 =	vmul.f32 v2, v3  }
0x19d: {  	[tilespmem:s16+$0xFFFFFF60] =	vst v4  }
0x19e: {  	[tilespmem:s16+$0xFFFFFF70] =	vst v2  }
0x19f: {  	v2 =	vld [tilespmem:s20+$0xFFFFFFC0];
	_ =	sdelay $0x3  }
0x1a0: {  	v3 =	vbroadcast v1, $0x6  }
0x1a1: {  	v46 =	vshll.u32 v2, $0x10  }
0x1a2: {  	v2 =	vand.u32 $0xFFFF0000, v2;
	v4 =	vmul.f32 v46, v3  }
0x1a3: {  	v2 =	vmul.f32 v2, v3  }
0x1a4: {  	[tilespmem:s16+$0xFFFFFF80] =	vst v4  }
0x1a5: {  	[tilespmem:s16+$0xFFFFFF90] =	vst v2  }
0x1a6: {  	v2 =	vld [tilespmem:s20+$0xFFFFFFD0];
	_ =	sdelay $0x4  }
0x1a7: {  	v47 =	vshll.u32 v2, $0x10  }
0x1a8: {  	v2 =	vand.u32 $0xFFFF0000, v2;
	v4 =	vmul.f32 v47, v3  }
0x1a9: {  	v2 =	vmul.f32 v2, v3  }
0x1aa: {  	[tilespmem:s16+$0xFFFFFFA0] =	vst v4  }
0x1ab: {  	[tilespmem:s16+$0xFFFFFFB0] =	vst v2  }
0x1ac: {  	v2 =	vld [tilespmem:s20+$0xFFFFFFE0];
	_ =	sdelay $0x3  }
0x1ad: {  	v3 =	vbroadcast v1, $0x7  }
0x1ae: {  	v48 =	vshll.u32 v2, $0x10  }
0x1af: {  	v2 =	vand.u32 $0xFFFF0000, v2;
	v4 =	vmul.f32 v48, v3  }
0x1b0: {  	v2 =	vmul.f32 v2, v3  }
0x1b1: {  	[tilespmem:s16+$0xFFFFFFC0] =	vst v4  }
0x1b2: {  	[tilespmem:s16+$0xFFFFFFD0] =	vst v2  }
0x1b3: {  	v2 =	vld [tilespmem:s20+$0xFFFFFFF0];
	_ =	sdelay $0x4  }
0x1b4: {  	v49 =	vshll.u32 v2, $0x10  }
0x1b5: {  	v2 =	vand.u32 $0xFFFF0000, v2;
	v4 =	vmul.f32 v49, v3  }
0x1b6: {  	v2 =	vmul.f32 v2, v3  }
0x1b7: {  	[tilespmem:s16+$0xFFFFFFE0] =	vst v4  }
0x1b8: {  	[tilespmem:s16+$0xFFFFFFF0] =	vst v2  }
0x1b9: {  	v2 =	vld [tilespmem:s20+$0x0];
	_ =	sdelay $0x3  }
0x1ba: {  	v3 =	vbroadcast v1, $0x8  }
0x1bb: {  	v50 =	vshll.u32 v2, $0x10  }
0x1bc: {  	v2 =	vand.u32 $0xFFFF0000, v2;
	v4 =	vmul.f32 v50, v3  }
0x1bd: {  	v2 =	vmul.f32 v2, v3  }
0x1be: {  	[tilespmem:s16+$0x0] =	vst v4  }
0x1bf: {  	[tilespmem:s16+$0x10] =	vst v2  }
0x1c0: {  	v2 =	vld [tilespmem:s20+$0x10];
	_ =	sdelay $0x4  }
0x1c1: {  	v51 =	vshll.u32 v2, $0x10  }
0x1c2: {  	v2 =	vand.u32 $0xFFFF0000, v2;
	v4 =	vmul.f32 v51, v3  }
0x1c3: {  	v2 =	vmul.f32 v2, v3  }
0x1c4: {  	[tilespmem:s16+$0x20] =	vst v4  }
0x1c5: {  	[tilespmem:s16+$0x30] =	vst v2  }
0x1c6: {  	v2 =	vld [tilespmem:s20+$0x20];
	_ =	sdelay $0x3  }
0x1c7: {  	v3 =	vbroadcast v1, $0x9  }
0x1c8: {  	v52 =	vshll.u32 v2, $0x10  }
0x1c9: {  	v2 =	vand.u32 $0xFFFF0000, v2;
	v4 =	vmul.f32 v52, v3  }
0x1ca: {  	v2 =	vmul.f32 v2, v3  }
0x1cb: {  	[tilespmem:s16+$0x40] =	vst v4  }
0x1cc: {  	[tilespmem:s16+$0x50] =	vst v2  }
0x1cd: {  	v2 =	vld [tilespmem:s20+$0x30];
	_ =	sdelay $0x4  }
0x1ce: {  	v53 =	vshll.u32 v2, $0x10  }
0x1cf: {  	v2 =	vand.u32 $0xFFFF0000, v2;
	v4 =	vmul.f32 v53, v3  }
0x1d0: {  	v2 =	vmul.f32 v2, v3  }
0x1d1: {  	[tilespmem:s16+$0x60] =	vst v4  }
0x1d2: {  	[tilespmem:s16+$0x70] =	vst v2  }
0x1d3: {  	v2 =	vld [tilespmem:s20+$0x40];
	_ =	sdelay $0x3  }
0x1d4: {  	v3 =	vbroadcast v1, $0xA  }
0x1d5: {  	v54 =	vshll.u32 v2, $0x10  }
0x1d6: {  	v2 =	vand.u32 $0xFFFF0000, v2;
	v4 =	vmul.f32 v54, v3  }
0x1d7: {  	v2 =	vmul.f32 v2, v3  }
0x1d8: {  	[tilespmem:s16+$0x80] =	vst v4  }
0x1d9: {  	[tilespmem:s16+$0x90] =	vst v2  }
0x1da: {  	v2 =	vld [tilespmem:s20+$0x50];
	_ =	sdelay $0x4  }
0x1db: {  	v55 =	vshll.u32 v2, $0x10  }
0x1dc: {  	v2 =	vand.u32 $0xFFFF0000, v2;
	v4 =	vmul.f32 v55, v3  }
0x1dd: {  	v2 =	vmul.f32 v2, v3  }
0x1de: {  	[tilespmem:s16+$0xA0] =	vst v4  }
0x1df: {  	[tilespmem:s16+$0xB0] =	vst v2  }
0x1e0: {  	v2 =	vld [tilespmem:s20+$0x60];
	_ =	sdelay $0x3  }
0x1e1: {  	v3 =	vbroadcast v1, $0xB  }
0x1e2: {  	v56 =	vshll.u32 v2, $0x10  }
0x1e3: {  	v2 =	vand.u32 $0xFFFF0000, v2;
	v4 =	vmul.f32 v56, v3  }
0x1e4: {  	v2 =	vmul.f32 v2, v3  }
0x1e5: {  	[tilespmem:s16+$0xC0] =	vst v4  }
0x1e6: {  	[tilespmem:s16+$0xD0] =	vst v2  }
0x1e7: {  	v2 =	vld [tilespmem:s20+$0x70];
	_ =	sdelay $0x4  }
0x1e8: {  	v57 =	vshll.u32 v2, $0x10  }
0x1e9: {  	v2 =	vand.u32 $0xFFFF0000, v2;
	v4 =	vmul.f32 v57, v3  }
0x1ea: {  	v2 =	vmul.f32 v2, v3  }
0x1eb: {  	[tilespmem:s16+$0xE0] =	vst v4  }
0x1ec: {  	[tilespmem:s16+$0xF0] =	vst v2  }
0x1ed: {  	v2 =	vld [tilespmem:s20+$0x80];
	_ =	sdelay $0x3  }
0x1ee: {  	v3 =	vbroadcast v1, $0xC  }
0x1ef: {  	v58 =	vshll.u32 v2, $0x10  }
0x1f0: {  	v2 =	vand.u32 $0xFFFF0000, v2;
	v4 =	vmul.f32 v58, v3  }
0x1f1: {  	v2 =	vmul.f32 v2, v3  }
0x1f2: {  	[tilespmem:s16+$0x100] =	vst v4  }
0x1f3: {  	[tilespmem:s16+$0x110] =	vst v2  }
0x1f4: {  	v2 =	vld [tilespmem:s20+$0x90];
	_ =	sdelay $0x4  }
0x1f5: {  	v59 =	vshll.u32 v2, $0x10  }
0x1f6: {  	v2 =	vand.u32 $0xFFFF0000, v2;
	v4 =	vmul.f32 v59, v3  }
0x1f7: {  	v2 =	vmul.f32 v2, v3  }
0x1f8: {  	[tilespmem:s16+$0x120] =	vst v4  }
0x1f9: {  	[tilespmem:s16+$0x130] =	vst v2  }
0x1fa: {  	v2 =	vld [tilespmem:s20+$0xA0];
	_ =	sdelay $0x3  }
0x1fb: {  	v3 =	vbroadcast v1, $0xD  }
0x1fc: {  	v60 =	vshll.u32 v2, $0x10  }
0x1fd: {  	v2 =	vand.u32 $0xFFFF0000, v2;
	v4 =	vmul.f32 v60, v3  }
0x1fe: {  	v2 =	vmul.f32 v2, v3  }
0x1ff: {  	[tilespmem:s16+$0x140] =	vst v4  }
0x200: {  	[tilespmem:s16+$0x150] =	vst v2  }
0x201: {  	v2 =	vld [tilespmem:s20+$0xB0];
	_ =	sdelay $0x4  }
0x202: {  	v61 =	vshll.u32 v2, $0x10  }
0x203: {  	v2 =	vand.u32 $0xFFFF0000, v2;
	v4 =	vmul.f32 v61, v3  }
0x204: {  	v2 =	vmul.f32 v2, v3  }
0x205: {  	[tilespmem:s16+$0x160] =	vst v4  }
0x206: {  	[tilespmem:s16+$0x170] =	vst v2  }
0x207: {  	v2 =	vld [tilespmem:s20+$0xC0];
	_ =	sdelay $0x3  }
0x208: {  	v3 =	vbroadcast v1, $0xE  }
0x209: {  	v62 =	vshll.u32 v2, $0x10  }
0x20a: {  	v2 =	vand.u32 $0xFFFF0000, v2;
	v4 =	vmul.f32 v62, v3  }
0x20b: {  	v2 =	vmul.f32 v2, v3  }
0x20c: {  	[tilespmem:s16+$0x180] =	vst v4  }
0x20d: {  	[tilespmem:s16+$0x190] =	vst v2  }
0x20e: {  	v2 =	vld [tilespmem:s20+$0xD0];
	_ =	sdelay $0x4  }
0x20f: {  	v63 =	vshll.u32 v2, $0x10  }
0x210: {  	v2 =	vand.u32 $0xFFFF0000, v2;
	v4 =	vmul.f32 v63, v3  }
0x211: {  	v2 =	vmul.f32 v2, v3  }
0x212: {  	[tilespmem:s16+$0x1A0] =	vst v4  }
0x213: {  	[tilespmem:s16+$0x1B0] =	vst v2  }
0x214: {  	v2 =	vld [tilespmem:s20+$0xE0];
	_ =	sdelay $0x3  }
0x215: {  	v1 =	vbroadcast v1, $0xF  }
0x216: {  	v3 =	vshll.u32 v2, $0x10  }
0x217: {  	v2 =	vand.u32 $0xFFFF0000, v2;
	v3 =	vmul.f32 v3, v1  }
0x218: {  	v2 =	vmul.f32 v2, v1  }
0x219: {  	[tilespmem:s16+$0x1C0] =	vst v3  }
0x21a: {  	[tilespmem:s16+$0x1D0] =	vst v2  }
0x21b: {  	v2 =	vld [tilespmem:s20+$0xF0];
	_ =	sdelay $0x3  }
0x21c: {  	p0 =	sne.s32 s9, $0x1C0  }
.Ltmp2:
0x21d: {  	v3 =	vshll.u32 v2, $0x10;
	(pc) =	sbr.rel @p0 .LBB2_7-.Ltmp2, $4  }
0x21e: {  	v2 =	vand.u32 $0xFFFF0000, v2;
	v3 =	vmul.f32 v3, v1  }
0x21f: {  	v1 =	vmul.f32 v2, v1  }
0x220: {  	[tilespmem:s16+$0x1E0] =	vst v3  }
0x221: {  	s9 =	sadd.s32 $0x40, s9;
	s20 =	sadd.s32 $0x200, s20;
	[tilespmem:s16+$0x1F0] =	vst v1;
	s16 =	sadd.s32 $0x400, s16  }
0x222: {  	[spmem:s3] =	stream.indirect.scatter.add.f32 [tilespmem:s28], [sflag:$0x7], $0x40, s12, s1, $0xb8;
	[tilespmem:$0x13300] =	vst v63  }
0x223: {  	s24 =	sadd.s32 $0x1, s24  }
0x224: {  	_ =	swait.ge [sflag:s26], $0x2000;
	p0 =	sne.s32 s24, $0x50  }
.Ltmp3:
0x225: {  	[sflag:s26] =	ssyncset.done $0x0;
	(pc) =	sbr.rel @p0 .LBB2_4-.Ltmp3, $4  }
0x226: {  	s9 =	sadd.s32 s6, s10;
	[sflag:s26] =	ssyncadd.s32 $0xFFFFE000  }
0x227: {  	[tilespmem:s12], [sflag:$0x6] =	stream.linear.gather [hbm4b:s9+s4], $0x80, $0x38;
	[tilespmem:$0x13300] =	vst v63  }
0x228: {  	s31 =	sadd.s32 s7, s10  }
0x229: {  	[tilespmem:s13], [sflag:$0x6] =	stream.linear.gather [hbm4b:s31+s4], $0x80, $0x38;
	[tilespmem:$0x13300] =	vst v63  }
0x22a: {  	_ =	swait.ge [sflag:s14], $0x1000  }
0x22b: {  	[sflag:s14] =	ssyncset.done $0x0  }
0x22c: {  	[sflag:s14] =	ssyncadd.s32 $0xFFFFF000  }
0x22d: {  	_ =	swait.ge [sflag:s15], $0x80  }
0x22e: {  	[sflag:s15] =	ssyncset.done $0x0  }
0x22f: {  	[sflag:s15] =	ssyncadd.s32 $0xFFFFFF80  }
0x230: {  	_ =	swait.ge [sflag:s17], $0x80  }
0x231: {  	[sflag:s17] =	ssyncset.done $0x0  }
0x232: {  	[sflag:s17] =	ssyncadd.s32 $0xFFFFFF80  }
0x233: {  	_ =	swait.ge [sflag:s17], $0x80  }
0x234: {  	[sflag:s17] =	ssyncset.done $0x0  }
0x235: {  	[sflag:s17] =	ssyncadd.s32 $0xFFFFFF80  }
0x236: {  	_ =	swait.ge [sflag:s19], $0x80  }
0x237: {  	[sflag:s19] =	ssyncset.done $0x0  }
0x238: {  	[sflag:s19] =	ssyncadd.s32 $0xFFFFFF80  }
0x239: {  	_ =	swait.ge [sflag:s19], $0x80  }
0x23a: {  	[sflag:s19] =	ssyncset.done $0x0  }
0x23b: {  	[sflag:s19] =	ssyncadd.s32 $0xFFFFFF80  }
0x23c: {  	[bflag:$0x0] =	sbarrier.arrive $0xFFFF  }
0x23d: {  	s20 =	rddreg [dreg:$0x7]  }
0x23e: {  	s10 =	rddreg [dreg:$0x6]  }
0x23f: {  	s16 =	rddreg [dreg:$0x12];
	s9 =	sshrl.u32 s20, $0x3  }
0x240: {  	[hbm:s16], [sflag:s10] =	dma.local [spmem:s9], $0x1400  }
0x241: {  	_ =	swait.ge [sflag:s26], $0x1400  }
0x242: {  	s25 =	rddreg [dreg:$0x15]  }
0x243: {  	s31 =	rddreg [dreg:$0x13];
	s16 =	sadd.s32 $0x1, s25  }
0x244: {  	p0 =	sne.s32 s16, s31  }
.Ltmp4:
0x245: {  	_ = 	snop;
	(pc) =	sbr.rel @p0 .LBB2_1-.Ltmp4, $3  }
0x246: {  	_ =	sdelay $0x1  }
0x247: {  	[sflag:s26] =	ssyncset.done $0x0  }
0x248: {  	[sflag:s26] =	ssyncadd.s32 $0xFFFFEC00  }
0x249: {  	_ =	sfence.sel $0x180000  }
0x24a: {  	[bflag:$0x0] =	sbarrier.arrive $0xFFFF  }
0x24b: {  	_ =	strace $0x90000047  }
0x24c: {  	s0 =	stileid.u32;
	[bflag:$0x2] =	sbarrier.arrive $0xFFFF  }
0x24d: {  	p0 =	sne.s32 s0, $0x0;
	s0 =	rddreg [dreg:$0x4]  }
0x24e: {  	s0 =	sadd.s32 @!p0 $0x100000, s0  }
0x24f: {  	[sflag:s0] =	ssyncadd.tile.s32 @!p0 $0x1;
	_ =	shalt  }
.Lfunc_end2:
_tile_overlayer_lowered:
.L_overlay_start_2:
0x250: {  	(tag) =	ssettag $0x2  }
0x251: {  	s0 =	rddreg [dreg:$0x0];
	s2 =	stileid.u32  }
0x252: {  	s1 =	rddreg [dreg:$0x1];
	p0 =	sne.s32 s2, $0x0  }
0x253: {  	s3 =	rddreg [dreg:$0x2];
	[bflag:$0x3] =	sbarrier.arrive $0xFFFF;
	s2 =	simm.s32 @!p0 $0x1C07  }
0x254: {  	[timem:s3], [sflag:s2] =	dma.local @!p0 [hbm:s0], s1  }
0x255: {  	s0 =	simm.s32 @!p0 $0x7  }
0x256: {  	_ =	swait.ge @!p0 [sflag:s0], s1  }
0x257: {  	s1 =	ssub.s32 @!p0 $0x0, s1;
	[sflag:s0] =	ssyncset.done @!p0 $0x0  }
0x258: {  	[sflag:s0] =	ssyncadd.s32 @!p0 s1  }
0x259: {  	[bflag:$0x3] =	sbarrier.arrive $0xFFFF  }
0x25a: {  	_ =	shalt  }

</sc_bundles>
